<compile_context>
chip_gen: v7x
topology: tpu7x:2x2x1
jax: 0.10.2.dev20260603
libtpu: 0.0.44.dev20260713+nightly
codegen_flags: <defaults>
</compile_context>

<pallas_src>
import jax
import jax.numpy as jnp
from jax import lax
from jax.experimental import pallas as pl
from jax.experimental.pallas import tpu as pltpu
from jax.experimental.pallas import tpu_sc as plsc

D_MODEL = 64
SCALE = 8.0

NC = 2
NS = 16
NW = NC * NS

B = 4096
T_LEN = 200
TT = T_LEN // 8
BT = B // 128
DT = D_MODEL // 8
NBUF = 3


def _issue_gather(w_hbm, idxv, G, gsem, u, b):
    tt = lax.div(u, 8)
    t8 = lax.rem(u, 8)
    pltpu.async_copy(w_hbm.at[idxv.at[tt, t8]], G.at[b], gsem.at[b])


def _wait_gather(w_hbm, idxv, G, gsem, b):
    pltpu.make_async_copy(w_hbm.at[idxv.at[0, 0]], G.at[b], gsem.at[b]).wait()


def _body(xp_hbm, w_hbm, out_hbm, idxv, G, Gp, Tv, isem, gsem, wsem):
    c = lax.axis_index("c")
    s = lax.axis_index("s")
    bt = s * NC + c

    for tt in range(TT):
        pltpu.async_copy(xp_hbm.at[tt, bt], idxv.at[tt], isem)
    for tt in range(TT):
        pltpu.make_async_copy(xp_hbm.at[tt, bt], idxv.at[tt], isem).wait()

    iota16 = lax.iota(jnp.int32, 16)
    rids = [iota16 + (k * 16) for k in range(8)]
    zeros16 = jnp.full((16,), 0, jnp.int32)

    _issue_gather(w_hbm, idxv, G, gsem, 0, 0)
    _issue_gather(w_hbm, idxv, G, gsem, 1, 1)

    def unit_body(u, carry):
        b = lax.rem(u, NBUF)
        _wait_gather(w_hbm, idxv, G, gsem, b)

        @pl.when(u >= NBUF)
        def _():
            pltpu.make_async_copy(
                Tv.at[b], out_hbm.at[0, :, bt], wsem.at[b]
            ).wait()

        GB = G.at[b]
        TvB = Tv.at[b]

        @plsc.parallel_loop(0, 128, unroll=4)
        def _(bb):
            for k in range(4):
                sl = pl.ds(k * 16, 16)
                Gp[bb, sl] = GB[bb, sl] * SCALE

        @plsc.parallel_loop(0, D_MODEL, unroll=4)
        def _(dc):
            cid = zeros16 + dc
            dt = lax.shift_right_logical(dc, 3)
            off = lax.shift_left(lax.bitwise_and(dc, 7), 7)
            for k in range(8):
                v = plsc.load_gather(Gp, [rids[k], cid])
                TvB[dt, pl.ds(off + k * 16, 16)] = v

        @pl.when(u + 2 < T_LEN)
        def _():
            _issue_gather(w_hbm, idxv, G, gsem, u + 2, lax.rem(u + 2, NBUF))

        pltpu.async_copy(Tv.at[b], out_hbm.at[u, :, bt], wsem.at[b])
        return carry

    lax.fori_loop(0, T_LEN, unit_body, 0)

    for b in range(NBUF):
        pltpu.make_async_copy(
            Tv.at[b], out_hbm.at[0, :, bt], wsem.at[b]
        ).wait()


@jax.jit
def kernel(x, W):
    if x.dtype != jnp.int32:
        x = x.astype(jnp.int32)
    xp = x.T.reshape(TT, 8, BT, 128).transpose(0, 2, 1, 3)
    mesh = plsc.VectorSubcoreMesh(core_axis_name="c", subcore_axis_name="s")
    out_phys = pl.kernel(
        _body,
        out_type=jax.ShapeDtypeStruct((T_LEN, DT, BT, 1024), jnp.float32),
        mesh=mesh,
        compiler_params=pltpu.CompilerParams(
            use_tc_tiling_on_sc=False, needs_layout_passes=False
        ),
        scratch_types=[
            pltpu.VMEM((TT, 8, 128), jnp.int32),
            pltpu.VMEM((NBUF, 128, D_MODEL), jnp.float32),
            pltpu.VMEM((128, D_MODEL + 1), jnp.float32),
            pltpu.VMEM((NBUF, DT, 1024), jnp.float32),
            pltpu.SemaphoreType.DMA,
            pltpu.SemaphoreType.DMA((NBUF,)),
            pltpu.SemaphoreType.DMA((NBUF,)),
        ],
    )(xp, W)
    return (
        out_phys.reshape(T_LEN, DT, BT, 8, 128)
        .transpose(2, 4, 0, 1, 3)
        .reshape(B, T_LEN, D_MODEL)
    )

# --- scband reference (transcript-rebuilt; emitter-appended) ---
"""Pipeline reference for scband-embedding-36885179138313 (READ-ONLY COPY).

The authoritative reference and input builder live on the scoring server;
editing this copy changes nothing except your own understanding.
"""

import jax, jax.numpy as jnp
import numpy as np

VOCAB = 1000000
D_MODEL = 64

def setup_inputs(seed: int = 0) -> dict:
    key = jax.random.key(seed)
    k1, k2 = jax.random.split(key)
    x = jax.random.randint(k1, (4096, 200), 0, VOCAB + 1, dtype=jnp.int64)
    # embedding table (tied with decoder weight), shape (vocab_size + 1, d_model)
    W = jax.random.normal(k2, (VOCAB + 1, D_MODEL), dtype=jnp.float32) * 0.02
    return {"x": x, "W": W}

def reference(x, W):
    # Embedding.forward with decode=False: embedding(x) * sqrt(d_model)
    emb = jnp.take(W, x, axis=0)
    return emb * np.sqrt(D_MODEL)

if __name__ == "__main__":
    import jax
    _d = setup_inputs()
    print(jax.jit(kernel)(*tuple(_d.values())))

</pallas_src>

<mosaic_0001>
#map = affine_map<(d0, d1) -> (0, 0, 0, 0)>
#map1 = affine_map<(d0, d1) -> (0, 0)>
module attributes {stable_mosaic.version = 14 : i64} {
  func.func @_body(%arg0: i32, %arg1: i32, %arg2: memref<25x32x8x128xi32, #tpu.memory_space<hbm>>, %arg3: memref<1000001x64xf32, #tpu.memory_space<hbm>>, %arg4: memref<200x8x32x1024xf32, #tpu.memory_space<hbm>>, %arg5: memref<25x8x128xi32, #tpu.memory_space<vmem>>, %arg6: memref<3x128x64xf32, #tpu.memory_space<vmem>>, %arg7: memref<128x65xf32, #tpu.memory_space<vmem>>, %arg8: memref<3x8x1024xf32, #tpu.memory_space<vmem>>, %arg9: memref<!tpu.dma_semaphore, #tpu.memory_space<semaphore_mem>>, %arg10: memref<3x!tpu.dma_semaphore, #tpu.memory_space<semaphore_mem>>, %arg11: memref<3x!tpu.dma_semaphore, #tpu.memory_space<semaphore_mem>>) attributes {dimension_semantics = [#tpu.dimension_semantics<core_parallel>, #tpu.dimension_semantics<subcore_parallel>], iteration_bounds = array<i64: 2, 16>, scalar_prefetch = 0 : i64, scratch_operands = 7 : i64, tpu.core_type = #tpu.core_type<sc_vector_subcore>, window_params = [{transform_indices = #map}, {transform_indices = #map1}, {transform_indices = #map}]} {
    %mul3A = arith.constant 2 : i32
    %mul3A_0 = arith.muli %arg1, %mul3A : i32
    %add3A = arith.addi %mul3A_0, %arg0 : i32
    %dma_start3A = arith.constant 0 : i32
    %dma_start3A_1 = arith.constant 0 : i32
    %dma_start3A_2 = arith.constant 0 : i32
    %dma_start3A_3 = arith.constant 0 : i32
    %dma_start3A_4 = tpu.memref_slice %arg5[%dma_start3A_1, %dma_start3A_2, %dma_start3A_3] : memref<25x8x128xi32, #tpu.memory_space<vmem>> -> memref<1x8x128xi32, #tpu.memory_space<vmem>>
    %dma_start3A_5 = tpu.memref_squeeze %dma_start3A_4 : memref<1x8x128xi32, #tpu.memory_space<vmem>> -> memref<8x128xi32, #tpu.memory_space<vmem>>
    %dma_start3A_6 = arith.constant 0 : i32
    %dma_start3A_7 = arith.constant 0 : i32
    %dma_start3A_8 = tpu.memref_slice %arg2[%dma_start3A, %add3A, %dma_start3A_6, %dma_start3A_7] : memref<25x32x8x128xi32, #tpu.memory_space<hbm>> -> memref<1x1x8x128xi32, #tpu.memory_space<hbm>>
    %dma_start3A_9 = tpu.memref_squeeze %dma_start3A_8 : memref<1x1x8x128xi32, #tpu.memory_space<hbm>> -> memref<8x128xi32, #tpu.memory_space<hbm>>
    %dma_start3A_10 = arith.constant 0 : i32
    %dma_start3A_11 = arith.constant 0 : i32
    %dma_start3A_12 = tpu.memref_slice %arg5[%dma_start3A_1, %dma_start3A_10, %dma_start3A_11] : memref<25x8x128xi32, #tpu.memory_space<vmem>> -> memref<1x8x128xi32, #tpu.memory_space<vmem>>
    %dma_start3A_13 = tpu.memref_squeeze %dma_start3A_12 : memref<1x8x128xi32, #tpu.memory_space<vmem>> -> memref<8x128xi32, #tpu.memory_space<vmem>>
    %dma_start3A_14 = arith.constant 0 : i32
    %dma_start3A_15 = arith.constant 0 : i32
    %dma_start3A_16 = tpu.memref_slice %arg2[%dma_start3A, %add3A, %dma_start3A_14, %dma_start3A_15] : memref<25x32x8x128xi32, #tpu.memory_space<hbm>> -> memref<1x1x8x128xi32, #tpu.memory_space<hbm>>
    %dma_start3A_17 = tpu.memref_squeeze %dma_start3A_16 : memref<1x1x8x128xi32, #tpu.memory_space<hbm>> -> memref<8x128xi32, #tpu.memory_space<hbm>>
    tpu.enqueue_dma source(%dma_start3A_17 : memref<8x128xi32, #tpu.memory_space<hbm>>) target(%dma_start3A_13 : memref<8x128xi32, #tpu.memory_space<vmem>>) target_semaphore(%arg9 : memref<!tpu.dma_semaphore, #tpu.memory_space<semaphore_mem>>)
    %dma_start3A_18 = arith.constant 1 : i32
    %dma_start3A_19 = arith.constant 1 : i32
    %dma_start3A_20 = arith.constant 0 : i32
    %dma_start3A_21 = arith.constant 0 : i32
    %dma_start3A_22 = tpu.memref_slice %arg5[%dma_start3A_19, %dma_start3A_20, %dma_start3A_21] : memref<25x8x128xi32, #tpu.memory_space<vmem>> -> memref<1x8x128xi32, #tpu.memory_space<vmem>>
    %dma_start3A_23 = tpu.memref_squeeze %dma_start3A_22 : memref<1x8x128xi32, #tpu.memory_space<vmem>> -> memref<8x128xi32, #tpu.memory_space<vmem>>
    %dma_start3A_24 = arith.constant 0 : i32
    %dma_start3A_25 = arith.constant 0 : i32
    %dma_start3A_26 = tpu.memref_slice %arg2[%dma_start3A_18, %add3A, %dma_start3A_24, %dma_start3A_25] : memref<25x32x8x128xi32, #tpu.memory_space<hbm>> -> memref<1x1x8x128xi32, #tpu.memory_space<hbm>>
    %dma_start3A_27 = tpu.memref_squeeze %dma_start3A_26 : memref<1x1x8x128xi32, #tpu.memory_space<hbm>> -> memref<8x128xi32, #tpu.memory_space<hbm>>
    %dma_start3A_28 = arith.constant 0 : i32
    %dma_start3A_29 = arith.constant 0 : i32
    %dma_start3A_30 = tpu.memref_slice %arg5[%dma_start3A_19, %dma_start3A_28, %dma_start3A_29] : memref<25x8x128xi32, #tpu.memory_space<vmem>> -> memref<1x8x128xi32, #tpu.memory_space<vmem>>
    %dma_start3A_31 = tpu.memref_squeeze %dma_start3A_30 : memref<1x8x128xi32, #tpu.memory_space<vmem>> -> memref<8x128xi32, #tpu.memory_space<vmem>>
    %dma_start3A_32 = arith.constant 0 : i32
    %dma_start3A_33 = arith.constant 0 : i32
    %dma_start3A_34 = tpu.memref_slice %arg2[%dma_start3A_18, %add3A, %dma_start3A_32, %dma_start3A_33] : memref<25x32x8x128xi32, #tpu.memory_space<hbm>> -> memref<1x1x8x128xi32, #tpu.memory_space<hbm>>
    %dma_start3A_35 = tpu.memref_squeeze %dma_start3A_34 : memref<1x1x8x128xi32, #tpu.memory_space<hbm>> -> memref<8x128xi32, #tpu.memory_space<hbm>>
    tpu.enqueue_dma source(%dma_start3A_35 : memref<8x128xi32, #tpu.memory_space<hbm>>) target(%dma_start3A_31 : memref<8x128xi32, #tpu.memory_space<vmem>>) target_semaphore(%arg9 : memref<!tpu.dma_semaphore, #tpu.memory_space<semaphore_mem>>)
    %dma_start3A_36 = arith.constant 2 : i32
    %dma_start3A_37 = arith.constant 2 : i32
    %dma_start3A_38 = arith.constant 0 : i32
    %dma_start3A_39 = arith.constant 0 : i32
    %dma_start3A_40 = tpu.memref_slice %arg5[%dma_start3A_37, %dma_start3A_38, %dma_start3A_39] : memref<25x8x128xi32, #tpu.memory_space<vmem>> -> memref<1x8x128xi32, #tpu.memory_space<vmem>>
    %dma_start3A_41 = tpu.memref_squeeze %dma_start3A_40 : memref<1x8x128xi32, #tpu.memory_space<vmem>> -> memref<8x128xi32, #tpu.memory_space<vmem>>
    %dma_start3A_42 = arith.constant 0 : i32
    %dma_start3A_43 = arith.constant 0 : i32
    %dma_start3A_44 = tpu.memref_slice %arg2[%dma_start3A_36, %add3A, %dma_start3A_42, %dma_start3A_43] : memref<25x32x8x128xi32, #tpu.memory_space<hbm>> -> memref<1x1x8x128xi32, #tpu.memory_space<hbm>>
    %dma_start3A_45 = tpu.memref_squeeze %dma_start3A_44 : memref<1x1x8x128xi32, #tpu.memory_space<hbm>> -> memref<8x128xi32, #tpu.memory_space<hbm>>
    %dma_start3A_46 = arith.constant 0 : i32
    %dma_start3A_47 = arith.constant 0 : i32
    %dma_start3A_48 = tpu.memref_slice %arg5[%dma_start3A_37, %dma_start3A_46, %dma_start3A_47] : memref<25x8x128xi32, #tpu.memory_space<vmem>> -> memref<1x8x128xi32, #tpu.memory_space<vmem>>
    %dma_start3A_49 = tpu.memref_squeeze %dma_start3A_48 : memref<1x8x128xi32, #tpu.memory_space<vmem>> -> memref<8x128xi32, #tpu.memory_space<vmem>>
    %dma_start3A_50 = arith.constant 0 : i32
    %dma_start3A_51 = arith.constant 0 : i32
    %dma_start3A_52 = tpu.memref_slice %arg2[%dma_start3A_36, %add3A, %dma_start3A_50, %dma_start3A_51] : memref<25x32x8x128xi32, #tpu.memory_space<hbm>> -> memref<1x1x8x128xi32, #tpu.memory_space<hbm>>
    %dma_start3A_53 = tpu.memref_squeeze %dma_start3A_52 : memref<1x1x8x128xi32, #tpu.memory_space<hbm>> -> memref<8x128xi32, #tpu.memory_space<hbm>>
    tpu.enqueue_dma source(%dma_start3A_53 : memref<8x128xi32, #tpu.memory_space<hbm>>) target(%dma_start3A_49 : memref<8x128xi32, #tpu.memory_space<vmem>>) target_semaphore(%arg9 : memref<!tpu.dma_semaphore, #tpu.memory_space<semaphore_mem>>)
    %dma_start3A_54 = arith.constant 3 : i32
    %dma_start3A_55 = arith.constant 3 : i32
    %dma_start3A_56 = arith.constant 0 : i32
    %dma_start3A_57 = arith.constant 0 : i32
    %dma_start3A_58 = tpu.memref_slice %arg5[%dma_start3A_55, %dma_start3A_56, %dma_start3A_57] : memref<25x8x128xi32, #tpu.memory_space<vmem>> -> memref<1x8x128xi32, #tpu.memory_space<vmem>>
    %dma_start3A_59 = tpu.memref_squeeze %dma_start3A_58 : memref<1x8x128xi32, #tpu.memory_space<vmem>> -> memref<8x128xi32, #tpu.memory_space<vmem>>
    %dma_start3A_60 = arith.constant 0 : i32
    %dma_start3A_61 = arith.constant 0 : i32
    %dma_start3A_62 = tpu.memref_slice %arg2[%dma_start3A_54, %add3A, %dma_start3A_60, %dma_start3A_61] : memref<25x32x8x128xi32, #tpu.memory_space<hbm>> -> memref<1x1x8x128xi32, #tpu.memory_space<hbm>>
    %dma_start3A_63 = tpu.memref_squeeze %dma_start3A_62 : memref<1x1x8x128xi32, #tpu.memory_space<hbm>> -> memref<8x128xi32, #tpu.memory_space<hbm>>
    %dma_start3A_64 = arith.constant 0 : i32
    %dma_start3A_65 = arith.constant 0 : i32
    %dma_start3A_66 = tpu.memref_slice %arg5[%dma_start3A_55, %dma_start3A_64, %dma_start3A_65] : memref<25x8x128xi32, #tpu.memory_space<vmem>> -> memref<1x8x128xi32, #tpu.memory_space<vmem>>
    %dma_start3A_67 = tpu.memref_squeeze %dma_start3A_66 : memref<1x8x128xi32, #tpu.memory_space<vmem>> -> memref<8x128xi32, #tpu.memory_space<vmem>>
    %dma_start3A_68 = arith.constant 0 : i32
    %dma_start3A_69 = arith.constant 0 : i32
    %dma_start3A_70 = tpu.memref_slice %arg2[%dma_start3A_54, %add3A, %dma_start3A_68, %dma_start3A_69] : memref<25x32x8x128xi32, #tpu.memory_space<hbm>> -> memref<1x1x8x128xi32, #tpu.memory_space<hbm>>
    %dma_start3A_71 = tpu.memref_squeeze %dma_start3A_70 : memref<1x1x8x128xi32, #tpu.memory_space<hbm>> -> memref<8x128xi32, #tpu.memory_space<hbm>>
    tpu.enqueue_dma source(%dma_start3A_71 : memref<8x128xi32, #tpu.memory_space<hbm>>) target(%dma_start3A_67 : memref<8x128xi32, #tpu.memory_space<vmem>>) target_semaphore(%arg9 : memref<!tpu.dma_semaphore, #tpu.memory_space<semaphore_mem>>)
    %dma_start3A_72 = arith.constant 4 : i32
    %dma_start3A_73 = arith.constant 4 : i32
    %dma_start3A_74 = arith.constant 0 : i32
    %dma_start3A_75 = arith.constant 0 : i32
    %dma_start3A_76 = tpu.memref_slice %arg5[%dma_start3A_73, %dma_start3A_74, %dma_start3A_75] : memref<25x8x128xi32, #tpu.memory_space<vmem>> -> memref<1x8x128xi32, #tpu.memory_space<vmem>>
    %dma_start3A_77 = tpu.memref_squeeze %dma_start3A_76 : memref<1x8x128xi32, #tpu.memory_space<vmem>> -> memref<8x128xi32, #tpu.memory_space<vmem>>
    %dma_start3A_78 = arith.constant 0 : i32
    %dma_start3A_79 = arith.constant 0 : i32
    %dma_start3A_80 = tpu.memref_slice %arg2[%dma_start3A_72, %add3A, %dma_start3A_78, %dma_start3A_79] : memref<25x32x8x128xi32, #tpu.memory_space<hbm>> -> memref<1x1x8x128xi32, #tpu.memory_space<hbm>>
    %dma_start3A_81 = tpu.memref_squeeze %dma_start3A_80 : memref<1x1x8x128xi32, #tpu.memory_space<hbm>> -> memref<8x128xi32, #tpu.memory_space<hbm>>
    %dma_start3A_82 = arith.constant 0 : i32
    %dma_start3A_83 = arith.constant 0 : i32
    %dma_start3A_84 = tpu.memref_slice %arg5[%dma_start3A_73, %dma_start3A_82, %dma_start3A_83] : memref<25x8x128xi32, #tpu.memory_space<vmem>> -> memref<1x8x128xi32, #tpu.memory_space<vmem>>
    %dma_start3A_85 = tpu.memref_squeeze %dma_start3A_84 : memref<1x8x128xi32, #tpu.memory_space<vmem>> -> memref<8x128xi32, #tpu.memory_space<vmem>>
    %dma_start3A_86 = arith.constant 0 : i32
    %dma_start3A_87 = arith.constant 0 : i32
    %dma_start3A_88 = tpu.memref_slice %arg2[%dma_start3A_72, %add3A, %dma_start3A_86, %dma_start3A_87] : memref<25x32x8x128xi32, #tpu.memory_space<hbm>> -> memref<1x1x8x128xi32, #tpu.memory_space<hbm>>
    %dma_start3A_89 = tpu.memref_squeeze %dma_start3A_88 : memref<1x1x8x128xi32, #tpu.memory_space<hbm>> -> memref<8x128xi32, #tpu.memory_space<hbm>>
    tpu.enqueue_dma source(%dma_start3A_89 : memref<8x128xi32, #tpu.memory_space<hbm>>) target(%dma_start3A_85 : memref<8x128xi32, #tpu.memory_space<vmem>>) target_semaphore(%arg9 : memref<!tpu.dma_semaphore, #tpu.memory_space<semaphore_mem>>)
    %dma_start3A_90 = arith.constant 5 : i32
    %dma_start3A_91 = arith.constant 5 : i32
    %dma_start3A_92 = arith.constant 0 : i32
    %dma_start3A_93 = arith.constant 0 : i32
    %dma_start3A_94 = tpu.memref_slice %arg5[%dma_start3A_91, %dma_start3A_92, %dma_start3A_93] : memref<25x8x128xi32, #tpu.memory_space<vmem>> -> memref<1x8x128xi32, #tpu.memory_space<vmem>>
    %dma_start3A_95 = tpu.memref_squeeze %dma_start3A_94 : memref<1x8x128xi32, #tpu.memory_space<vmem>> -> memref<8x128xi32, #tpu.memory_space<vmem>>
    %dma_start3A_96 = arith.constant 0 : i32
    %dma_start3A_97 = arith.constant 0 : i32
    %dma_start3A_98 = tpu.memref_slice %arg2[%dma_start3A_90, %add3A, %dma_start3A_96, %dma_start3A_97] : memref<25x32x8x128xi32, #tpu.memory_space<hbm>> -> memref<1x1x8x128xi32, #tpu.memory_space<hbm>>
    %dma_start3A_99 = tpu.memref_squeeze %dma_start3A_98 : memref<1x1x8x128xi32, #tpu.memory_space<hbm>> -> memref<8x128xi32, #tpu.memory_space<hbm>>
    %dma_start3A_100 = arith.constant 0 : i32
    %dma_start3A_101 = arith.constant 0 : i32
    %dma_start3A_102 = tpu.memref_slice %arg5[%dma_start3A_91, %dma_start3A_100, %dma_start3A_101] : memref<25x8x128xi32, #tpu.memory_space<vmem>> -> memref<1x8x128xi32, #tpu.memory_space<vmem>>
    %dma_start3A_103 = tpu.memref_squeeze %dma_start3A_102 : memref<1x8x128xi32, #tpu.memory_space<vmem>> -> memref<8x128xi32, #tpu.memory_space<vmem>>
    %dma_start3A_104 = arith.constant 0 : i32
    %dma_start3A_105 = arith.constant 0 : i32
    %dma_start3A_106 = tpu.memref_slice %arg2[%dma_start3A_90, %add3A, %dma_start3A_104, %dma_start3A_105] : memref<25x32x8x128xi32, #tpu.memory_space<hbm>> -> memref<1x1x8x128xi32, #tpu.memory_space<hbm>>
    %dma_start3A_107 = tpu.memref_squeeze %dma_start3A_106 : memref<1x1x8x128xi32, #tpu.memory_space<hbm>> -> memref<8x128xi32, #tpu.memory_space<hbm>>
    tpu.enqueue_dma source(%dma_start3A_107 : memref<8x128xi32, #tpu.memory_space<hbm>>) target(%dma_start3A_103 : memref<8x128xi32, #tpu.memory_space<vmem>>) target_semaphore(%arg9 : memref<!tpu.dma_semaphore, #tpu.memory_space<semaphore_mem>>)
    %dma_start3A_108 = arith.constant 6 : i32
    %dma_start3A_109 = arith.constant 6 : i32
    %dma_start3A_110 = arith.constant 0 : i32
    %dma_start3A_111 = arith.constant 0 : i32
    %dma_start3A_112 = tpu.memref_slice %arg5[%dma_start3A_109, %dma_start3A_110, %dma_start3A_111] : memref<25x8x128xi32, #tpu.memory_space<vmem>> -> memref<1x8x128xi32, #tpu.memory_space<vmem>>
    %dma_start3A_113 = tpu.memref_squeeze %dma_start3A_112 : memref<1x8x128xi32, #tpu.memory_space<vmem>> -> memref<8x128xi32, #tpu.memory_space<vmem>>
    %dma_start3A_114 = arith.constant 0 : i32
    %dma_start3A_115 = arith.constant 0 : i32
    %dma_start3A_116 = tpu.memref_slice %arg2[%dma_start3A_108, %add3A, %dma_start3A_114, %dma_start3A_115] : memref<25x32x8x128xi32, #tpu.memory_space<hbm>> -> memref<1x1x8x128xi32, #tpu.memory_space<hbm>>
    %dma_start3A_117 = tpu.memref_squeeze %dma_start3A_116 : memref<1x1x8x128xi32, #tpu.memory_space<hbm>> -> memref<8x128xi32, #tpu.memory_space<hbm>>
    %dma_start3A_118 = arith.constant 0 : i32
    %dma_start3A_119 = arith.constant 0 : i32
    %dma_start3A_120 = tpu.memref_slice %arg5[%dma_start3A_109, %dma_start3A_118, %dma_start3A_119] : memref<25x8x128xi32, #tpu.memory_space<vmem>> -> memref<1x8x128xi32, #tpu.memory_space<vmem>>
    %dma_start3A_121 = tpu.memref_squeeze %dma_start3A_120 : memref<1x8x128xi32, #tpu.memory_space<vmem>> -> memref<8x128xi32, #tpu.memory_space<vmem>>
    %dma_start3A_122 = arith.constant 0 : i32
    %dma_start3A_123 = arith.constant 0 : i32
    %dma_start3A_124 = tpu.memref_slice %arg2[%dma_start3A_108, %add3A, %dma_start3A_122, %dma_start3A_123] : memref<25x32x8x128xi32, #tpu.memory_space<hbm>> -> memref<1x1x8x128xi32, #tpu.memory_space<hbm>>
    %dma_start3A_125 = tpu.memref_squeeze %dma_start3A_124 : memref<1x1x8x128xi32, #tpu.memory_space<hbm>> -> memref<8x128xi32, #tpu.memory_space<hbm>>
    tpu.enqueue_dma source(%dma_start3A_125 : memref<8x128xi32, #tpu.memory_space<hbm>>) target(%dma_start3A_121 : memref<8x128xi32, #tpu.memory_space<vmem>>) target_semaphore(%arg9 : memref<!tpu.dma_semaphore, #tpu.memory_space<semaphore_mem>>)
    %dma_start3A_126 = arith.constant 7 : i32
    %dma_start3A_127 = arith.constant 7 : i32
    %dma_start3A_128 = arith.constant 0 : i32
    %dma_start3A_129 = arith.constant 0 : i32
    %dma_start3A_130 = tpu.memref_slice %arg5[%dma_start3A_127, %dma_start3A_128, %dma_start3A_129] : memref<25x8x128xi32, #tpu.memory_space<vmem>> -> memref<1x8x128xi32, #tpu.memory_space<vmem>>
    %dma_start3A_131 = tpu.memref_squeeze %dma_start3A_130 : memref<1x8x128xi32, #tpu.memory_space<vmem>> -> memref<8x128xi32, #tpu.memory_space<vmem>>
    %dma_start3A_132 = arith.constant 0 : i32
    %dma_start3A_133 = arith.constant 0 : i32
    %dma_start3A_134 = tpu.memref_slice %arg2[%dma_start3A_126, %add3A, %dma_start3A_132, %dma_start3A_133] : memref<25x32x8x128xi32, #tpu.memory_space<hbm>> -> memref<1x1x8x128xi32, #tpu.memory_space<hbm>>
    %dma_start3A_135 = tpu.memref_squeeze %dma_start3A_134 : memref<1x1x8x128xi32, #tpu.memory_space<hbm>> -> memref<8x128xi32, #tpu.memory_space<hbm>>
    %dma_start3A_136 = arith.constant 0 : i32
    %dma_start3A_137 = arith.constant 0 : i32
    %dma_start3A_138 = tpu.memref_slice %arg5[%dma_start3A_127, %dma_start3A_136, %dma_start3A_137] : memref<25x8x128xi32, #tpu.memory_space<vmem>> -> memref<1x8x128xi32, #tpu.memory_space<vmem>>
    %dma_start3A_139 = tpu.memref_squeeze %dma_start3A_138 : memref<1x8x128xi32, #tpu.memory_space<vmem>> -> memref<8x128xi32, #tpu.memory_space<vmem>>
    %dma_start3A_140 = arith.constant 0 : i32
    %dma_start3A_141 = arith.constant 0 : i32
    %dma_start3A_142 = tpu.memref_slice %arg2[%dma_start3A_126, %add3A, %dma_start3A_140, %dma_start3A_141] : memref<25x32x8x128xi32, #tpu.memory_space<hbm>> -> memref<1x1x8x128xi32, #tpu.memory_space<hbm>>
    %dma_start3A_143 = tpu.memref_squeeze %dma_start3A_142 : memref<1x1x8x128xi32, #tpu.memory_space<hbm>> -> memref<8x128xi32, #tpu.memory_space<hbm>>
    tpu.enqueue_dma source(%dma_start3A_143 : memref<8x128xi32, #tpu.memory_space<hbm>>) target(%dma_start3A_139 : memref<8x128xi32, #tpu.memory_space<vmem>>) target_semaphore(%arg9 : memref<!tpu.dma_semaphore, #tpu.memory_space<semaphore_mem>>)
    %dma_start3A_144 = arith.constant 8 : i32
    %dma_start3A_145 = arith.constant 8 : i32
    %dma_start3A_146 = arith.constant 0 : i32
    %dma_start3A_147 = arith.constant 0 : i32
    %dma_start3A_148 = tpu.memref_slice %arg5[%dma_start3A_145, %dma_start3A_146, %dma_start3A_147] : memref<25x8x128xi32, #tpu.memory_space<vmem>> -> memref<1x8x128xi32, #tpu.memory_space<vmem>>
    %dma_start3A_149 = tpu.memref_squeeze %dma_start3A_148 : memref<1x8x128xi32, #tpu.memory_space<vmem>> -> memref<8x128xi32, #tpu.memory_space<vmem>>
    %dma_start3A_150 = arith.constant 0 : i32
    %dma_start3A_151 = arith.constant 0 : i32
    %dma_start3A_152 = tpu.memref_slice %arg2[%dma_start3A_144, %add3A, %dma_start3A_150, %dma_start3A_151] : memref<25x32x8x128xi32, #tpu.memory_space<hbm>> -> memref<1x1x8x128xi32, #tpu.memory_space<hbm>>
    %dma_start3A_153 = tpu.memref_squeeze %dma_start3A_152 : memref<1x1x8x128xi32, #tpu.memory_space<hbm>> -> memref<8x128xi32, #tpu.memory_space<hbm>>
    %dma_start3A_154 = arith.constant 0 : i32
    %dma_start3A_155 = arith.constant 0 : i32
    %dma_start3A_156 = tpu.memref_slice %arg5[%dma_start3A_145, %dma_start3A_154, %dma_start3A_155] : memref<25x8x128xi32, #tpu.memory_space<vmem>> -> memref<1x8x128xi32, #tpu.memory_space<vmem>>
    %dma_start3A_157 = tpu.memref_squeeze %dma_start3A_156 : memref<1x8x128xi32, #tpu.memory_space<vmem>> -> memref<8x128xi32, #tpu.memory_space<vmem>>
    %dma_start3A_158 = arith.constant 0 : i32
    %dma_start3A_159 = arith.constant 0 : i32
    %dma_start3A_160 = tpu.memref_slice %arg2[%dma_start3A_144, %add3A, %dma_start3A_158, %dma_start3A_159] : memref<25x32x8x128xi32, #tpu.memory_space<hbm>> -> memref<1x1x8x128xi32, #tpu.memory_space<hbm>>
    %dma_start3A_161 = tpu.memref_squeeze %dma_start3A_160 : memref<1x1x8x128xi32, #tpu.memory_space<hbm>> -> memref<8x128xi32, #tpu.memory_space<hbm>>
    tpu.enqueue_dma source(%dma_start3A_161 : memref<8x128xi32, #tpu.memory_space<hbm>>) target(%dma_start3A_157 : memref<8x128xi32, #tpu.memory_space<vmem>>) target_semaphore(%arg9 : memref<!tpu.dma_semaphore, #tpu.memory_space<semaphore_mem>>)
    %dma_start3A_162 = arith.constant 9 : i32
    %dma_start3A_163 = arith.constant 9 : i32
    %dma_start3A_164 = arith.constant 0 : i32
    %dma_start3A_165 = arith.constant 0 : i32
    %dma_start3A_166 = tpu.memref_slice %arg5[%dma_start3A_163, %dma_start3A_164, %dma_start3A_165] : memref<25x8x128xi32, #tpu.memory_space<vmem>> -> memref<1x8x128xi32, #tpu.memory_space<vmem>>
    %dma_start3A_167 = tpu.memref_squeeze %dma_start3A_166 : memref<1x8x128xi32, #tpu.memory_space<vmem>> -> memref<8x128xi32, #tpu.memory_space<vmem>>
    %dma_start3A_168 = arith.constant 0 : i32
    %dma_start3A_169 = arith.constant 0 : i32
    %dma_start3A_170 = tpu.memref_slice %arg2[%dma_start3A_162, %add3A, %dma_start3A_168, %dma_start3A_169] : memref<25x32x8x128xi32, #tpu.memory_space<hbm>> -> memref<1x1x8x128xi32, #tpu.memory_space<hbm>>
    %dma_start3A_171 = tpu.memref_squeeze %dma_start3A_170 : memref<1x1x8x128xi32, #tpu.memory_space<hbm>> -> memref<8x128xi32, #tpu.memory_space<hbm>>
    %dma_start3A_172 = arith.constant 0 : i32
    %dma_start3A_173 = arith.constant 0 : i32
    %dma_start3A_174 = tpu.memref_slice %arg5[%dma_start3A_163, %dma_start3A_172, %dma_start3A_173] : memref<25x8x128xi32, #tpu.memory_space<vmem>> -> memref<1x8x128xi32, #tpu.memory_space<vmem>>
    %dma_start3A_175 = tpu.memref_squeeze %dma_start3A_174 : memref<1x8x128xi32, #tpu.memory_space<vmem>> -> memref<8x128xi32, #tpu.memory_space<vmem>>
    %dma_start3A_176 = arith.constant 0 : i32
    %dma_start3A_177 = arith.constant 0 : i32
    %dma_start3A_178 = tpu.memref_slice %arg2[%dma_start3A_162, %add3A, %dma_start3A_176, %dma_start3A_177] : memref<25x32x8x128xi32, #tpu.memory_space<hbm>> -> memref<1x1x8x128xi32, #tpu.memory_space<hbm>>
    %dma_start3A_179 = tpu.memref_squeeze %dma_start3A_178 : memref<1x1x8x128xi32, #tpu.memory_space<hbm>> -> memref<8x128xi32, #tpu.memory_space<hbm>>
    tpu.enqueue_dma source(%dma_start3A_179 : memref<8x128xi32, #tpu.memory_space<hbm>>) target(%dma_start3A_175 : memref<8x128xi32, #tpu.memory_space<vmem>>) target_semaphore(%arg9 : memref<!tpu.dma_semaphore, #tpu.memory_space<semaphore_mem>>)
    %dma_start3A_180 = arith.constant 10 : i32
    %dma_start3A_181 = arith.constant 10 : i32
    %dma_start3A_182 = arith.constant 0 : i32
    %dma_start3A_183 = arith.constant 0 : i32
    %dma_start3A_184 = tpu.memref_slice %arg5[%dma_start3A_181, %dma_start3A_182, %dma_start3A_183] : memref<25x8x128xi32, #tpu.memory_space<vmem>> -> memref<1x8x128xi32, #tpu.memory_space<vmem>>
    %dma_start3A_185 = tpu.memref_squeeze %dma_start3A_184 : memref<1x8x128xi32, #tpu.memory_space<vmem>> -> memref<8x128xi32, #tpu.memory_space<vmem>>
    %dma_start3A_186 = arith.constant 0 : i32
    %dma_start3A_187 = arith.constant 0 : i32
    %dma_start3A_188 = tpu.memref_slice %arg2[%dma_start3A_180, %add3A, %dma_start3A_186, %dma_start3A_187] : memref<25x32x8x128xi32, #tpu.memory_space<hbm>> -> memref<1x1x8x128xi32, #tpu.memory_space<hbm>>
    %dma_start3A_189 = tpu.memref_squeeze %dma_start3A_188 : memref<1x1x8x128xi32, #tpu.memory_space<hbm>> -> memref<8x128xi32, #tpu.memory_space<hbm>>
    %dma_start3A_190 = arith.constant 0 : i32
    %dma_start3A_191 = arith.constant 0 : i32
    %dma_start3A_192 = tpu.memref_slice %arg5[%dma_start3A_181, %dma_start3A_190, %dma_start3A_191] : memref<25x8x128xi32, #tpu.memory_space<vmem>> -> memref<1x8x128xi32, #tpu.memory_space<vmem>>
    %dma_start3A_193 = tpu.memref_squeeze %dma_start3A_192 : memref<1x8x128xi32, #tpu.memory_space<vmem>> -> memref<8x128xi32, #tpu.memory_space<vmem>>
    %dma_start3A_194 = arith.constant 0 : i32
    %dma_start3A_195 = arith.constant 0 : i32
    %dma_start3A_196 = tpu.memref_slice %arg2[%dma_start3A_180, %add3A, %dma_start3A_194, %dma_start3A_195] : memref<25x32x8x128xi32, #tpu.memory_space<hbm>> -> memref<1x1x8x128xi32, #tpu.memory_space<hbm>>
    %dma_start3A_197 = tpu.memref_squeeze %dma_start3A_196 : memref<1x1x8x128xi32, #tpu.memory_space<hbm>> -> memref<8x128xi32, #tpu.memory_space<hbm>>
    tpu.enqueue_dma source(%dma_start3A_197 : memref<8x128xi32, #tpu.memory_space<hbm>>) target(%dma_start3A_193 : memref<8x128xi32, #tpu.memory_space<vmem>>) target_semaphore(%arg9 : memref<!tpu.dma_semaphore, #tpu.memory_space<semaphore_mem>>)
    %dma_start3A_198 = arith.constant 11 : i32
    %dma_start3A_199 = arith.constant 11 : i32
    %dma_start3A_200 = arith.constant 0 : i32
    %dma_start3A_201 = arith.constant 0 : i32
    %dma_start3A_202 = tpu.memref_slice %arg5[%dma_start3A_199, %dma_start3A_200, %dma_start3A_201] : memref<25x8x128xi32, #tpu.memory_space<vmem>> -> memref<1x8x128xi32, #tpu.memory_space<vmem>>
    %dma_start3A_203 = tpu.memref_squeeze %dma_start3A_202 : memref<1x8x128xi32, #tpu.memory_space<vmem>> -> memref<8x128xi32, #tpu.memory_space<vmem>>
    %dma_start3A_204 = arith.constant 0 : i32
    %dma_start3A_205 = arith.constant 0 : i32
    %dma_start3A_206 = tpu.memref_slice %arg2[%dma_start3A_198, %add3A, %dma_start3A_204, %dma_start3A_205] : memref<25x32x8x128xi32, #tpu.memory_space<hbm>> -> memref<1x1x8x128xi32, #tpu.memory_space<hbm>>
    %dma_start3A_207 = tpu.memref_squeeze %dma_start3A_206 : memref<1x1x8x128xi32, #tpu.memory_space<hbm>> -> memref<8x128xi32, #tpu.memory_space<hbm>>
    %dma_start3A_208 = arith.constant 0 : i32
    %dma_start3A_209 = arith.constant 0 : i32
    %dma_start3A_210 = tpu.memref_slice %arg5[%dma_start3A_199, %dma_start3A_208, %dma_start3A_209] : memref<25x8x128xi32, #tpu.memory_space<vmem>> -> memref<1x8x128xi32, #tpu.memory_space<vmem>>
    %dma_start3A_211 = tpu.memref_squeeze %dma_start3A_210 : memref<1x8x128xi32, #tpu.memory_space<vmem>> -> memref<8x128xi32, #tpu.memory_space<vmem>>
    %dma_start3A_212 = arith.constant 0 : i32
    %dma_start3A_213 = arith.constant 0 : i32
    %dma_start3A_214 = tpu.memref_slice %arg2[%dma_start3A_198, %add3A, %dma_start3A_212, %dma_start3A_213] : memref<25x32x8x128xi32, #tpu.memory_space<hbm>> -> memref<1x1x8x128xi32, #tpu.memory_space<hbm>>
    %dma_start3A_215 = tpu.memref_squeeze %dma_start3A_214 : memref<1x1x8x128xi32, #tpu.memory_space<hbm>> -> memref<8x128xi32, #tpu.memory_space<hbm>>
    tpu.enqueue_dma source(%dma_start3A_215 : memref<8x128xi32, #tpu.memory_space<hbm>>) target(%dma_start3A_211 : memref<8x128xi32, #tpu.memory_space<vmem>>) target_semaphore(%arg9 : memref<!tpu.dma_semaphore, #tpu.memory_space<semaphore_mem>>)
    %dma_start3A_216 = arith.constant 12 : i32
    %dma_start3A_217 = arith.constant 12 : i32
    %dma_start3A_218 = arith.constant 0 : i32
    %dma_start3A_219 = arith.constant 0 : i32
    %dma_start3A_220 = tpu.memref_slice %arg5[%dma_start3A_217, %dma_start3A_218, %dma_start3A_219] : memref<25x8x128xi32, #tpu.memory_space<vmem>> -> memref<1x8x128xi32, #tpu.memory_space<vmem>>
    %dma_start3A_221 = tpu.memref_squeeze %dma_start3A_220 : memref<1x8x128xi32, #tpu.memory_space<vmem>> -> memref<8x128xi32, #tpu.memory_space<vmem>>
    %dma_start3A_222 = arith.constant 0 : i32
    %dma_start3A_223 = arith.constant 0 : i32
    %dma_start3A_224 = tpu.memref_slice %arg2[%dma_start3A_216, %add3A, %dma_start3A_222, %dma_start3A_223] : memref<25x32x8x128xi32, #tpu.memory_space<hbm>> -> memref<1x1x8x128xi32, #tpu.memory_space<hbm>>
    %dma_start3A_225 = tpu.memref_squeeze %dma_start3A_224 : memref<1x1x8x128xi32, #tpu.memory_space<hbm>> -> memref<8x128xi32, #tpu.memory_space<hbm>>
    %dma_start3A_226 = arith.constant 0 : i32
    %dma_start3A_227 = arith.constant 0 : i32
    %dma_start3A_228 = tpu.memref_slice %arg5[%dma_start3A_217, %dma_start3A_226, %dma_start3A_227] : memref<25x8x128xi32, #tpu.memory_space<vmem>> -> memref<1x8x128xi32, #tpu.memory_space<vmem>>
    %dma_start3A_229 = tpu.memref_squeeze %dma_start3A_228 : memref<1x8x128xi32, #tpu.memory_space<vmem>> -> memref<8x128xi32, #tpu.memory_space<vmem>>
    %dma_start3A_230 = arith.constant 0 : i32
    %dma_start3A_231 = arith.constant 0 : i32
    %dma_start3A_232 = tpu.memref_slice %arg2[%dma_start3A_216, %add3A, %dma_start3A_230, %dma_start3A_231] : memref<25x32x8x128xi32, #tpu.memory_space<hbm>> -> memref<1x1x8x128xi32, #tpu.memory_space<hbm>>
    %dma_start3A_233 = tpu.memref_squeeze %dma_start3A_232 : memref<1x1x8x128xi32, #tpu.memory_space<hbm>> -> memref<8x128xi32, #tpu.memory_space<hbm>>
    tpu.enqueue_dma source(%dma_start3A_233 : memref<8x128xi32, #tpu.memory_space<hbm>>) target(%dma_start3A_229 : memref<8x128xi32, #tpu.memory_space<vmem>>) target_semaphore(%arg9 : memref<!tpu.dma_semaphore, #tpu.memory_space<semaphore_mem>>)
    %dma_start3A_234 = arith.constant 13 : i32
    %dma_start3A_235 = arith.constant 13 : i32
    %dma_start3A_236 = arith.constant 0 : i32
    %dma_start3A_237 = arith.constant 0 : i32
    %dma_start3A_238 = tpu.memref_slice %arg5[%dma_start3A_235, %dma_start3A_236, %dma_start3A_237] : memref<25x8x128xi32, #tpu.memory_space<vmem>> -> memref<1x8x128xi32, #tpu.memory_space<vmem>>
    %dma_start3A_239 = tpu.memref_squeeze %dma_start3A_238 : memref<1x8x128xi32, #tpu.memory_space<vmem>> -> memref<8x128xi32, #tpu.memory_space<vmem>>
    %dma_start3A_240 = arith.constant 0 : i32
    %dma_start3A_241 = arith.constant 0 : i32
    %dma_start3A_242 = tpu.memref_slice %arg2[%dma_start3A_234, %add3A, %dma_start3A_240, %dma_start3A_241] : memref<25x32x8x128xi32, #tpu.memory_space<hbm>> -> memref<1x1x8x128xi32, #tpu.memory_space<hbm>>
    %dma_start3A_243 = tpu.memref_squeeze %dma_start3A_242 : memref<1x1x8x128xi32, #tpu.memory_space<hbm>> -> memref<8x128xi32, #tpu.memory_space<hbm>>
    %dma_start3A_244 = arith.constant 0 : i32
    %dma_start3A_245 = arith.constant 0 : i32
    %dma_start3A_246 = tpu.memref_slice %arg5[%dma_start3A_235, %dma_start3A_244, %dma_start3A_245] : memref<25x8x128xi32, #tpu.memory_space<vmem>> -> memref<1x8x128xi32, #tpu.memory_space<vmem>>
    %dma_start3A_247 = tpu.memref_squeeze %dma_start3A_246 : memref<1x8x128xi32, #tpu.memory_space<vmem>> -> memref<8x128xi32, #tpu.memory_space<vmem>>
    %dma_start3A_248 = arith.constant 0 : i32
    %dma_start3A_249 = arith.constant 0 : i32
    %dma_start3A_250 = tpu.memref_slice %arg2[%dma_start3A_234, %add3A, %dma_start3A_248, %dma_start3A_249] : memref<25x32x8x128xi32, #tpu.memory_space<hbm>> -> memref<1x1x8x128xi32, #tpu.memory_space<hbm>>
    %dma_start3A_251 = tpu.memref_squeeze %dma_start3A_250 : memref<1x1x8x128xi32, #tpu.memory_space<hbm>> -> memref<8x128xi32, #tpu.memory_space<hbm>>
    tpu.enqueue_dma source(%dma_start3A_251 : memref<8x128xi32, #tpu.memory_space<hbm>>) target(%dma_start3A_247 : memref<8x128xi32, #tpu.memory_space<vmem>>) target_semaphore(%arg9 : memref<!tpu.dma_semaphore, #tpu.memory_space<semaphore_mem>>)
    %dma_start3A_252 = arith.constant 14 : i32
    %dma_start3A_253 = arith.constant 14 : i32
    %dma_start3A_254 = arith.constant 0 : i32
    %dma_start3A_255 = arith.constant 0 : i32
    %dma_start3A_256 = tpu.memref_slice %arg5[%dma_start3A_253, %dma_start3A_254, %dma_start3A_255] : memref<25x8x128xi32, #tpu.memory_space<vmem>> -> memref<1x8x128xi32, #tpu.memory_space<vmem>>
    %dma_start3A_257 = tpu.memref_squeeze %dma_start3A_256 : memref<1x8x128xi32, #tpu.memory_space<vmem>> -> memref<8x128xi32, #tpu.memory_space<vmem>>
    %dma_start3A_258 = arith.constant 0 : i32
    %dma_start3A_259 = arith.constant 0 : i32
    %dma_start3A_260 = tpu.memref_slice %arg2[%dma_start3A_252, %add3A, %dma_start3A_258, %dma_start3A_259] : memref<25x32x8x128xi32, #tpu.memory_space<hbm>> -> memref<1x1x8x128xi32, #tpu.memory_space<hbm>>
    %dma_start3A_261 = tpu.memref_squeeze %dma_start3A_260 : memref<1x1x8x128xi32, #tpu.memory_space<hbm>> -> memref<8x128xi32, #tpu.memory_space<hbm>>
    %dma_start3A_262 = arith.constant 0 : i32
    %dma_start3A_263 = arith.constant 0 : i32
    %dma_start3A_264 = tpu.memref_slice %arg5[%dma_start3A_253, %dma_start3A_262, %dma_start3A_263] : memref<25x8x128xi32, #tpu.memory_space<vmem>> -> memref<1x8x128xi32, #tpu.memory_space<vmem>>
    %dma_start3A_265 = tpu.memref_squeeze %dma_start3A_264 : memref<1x8x128xi32, #tpu.memory_space<vmem>> -> memref<8x128xi32, #tpu.memory_space<vmem>>
    %dma_start3A_266 = arith.constant 0 : i32
    %dma_start3A_267 = arith.constant 0 : i32
    %dma_start3A_268 = tpu.memref_slice %arg2[%dma_start3A_252, %add3A, %dma_start3A_266, %dma_start3A_267] : memref<25x32x8x128xi32, #tpu.memory_space<hbm>> -> memref<1x1x8x128xi32, #tpu.memory_space<hbm>>
    %dma_start3A_269 = tpu.memref_squeeze %dma_start3A_268 : memref<1x1x8x128xi32, #tpu.memory_space<hbm>> -> memref<8x128xi32, #tpu.memory_space<hbm>>
    tpu.enqueue_dma source(%dma_start3A_269 : memref<8x128xi32, #tpu.memory_space<hbm>>) target(%dma_start3A_265 : memref<8x128xi32, #tpu.memory_space<vmem>>) target_semaphore(%arg9 : memref<!tpu.dma_semaphore, #tpu.memory_space<semaphore_mem>>)
    %dma_start3A_270 = arith.constant 15 : i32
    %dma_start3A_271 = arith.constant 15 : i32
    %dma_start3A_272 = arith.constant 0 : i32
    %dma_start3A_273 = arith.constant 0 : i32
    %dma_start3A_274 = tpu.memref_slice %arg5[%dma_start3A_271, %dma_start3A_272, %dma_start3A_273] : memref<25x8x128xi32, #tpu.memory_space<vmem>> -> memref<1x8x128xi32, #tpu.memory_space<vmem>>
    %dma_start3A_275 = tpu.memref_squeeze %dma_start3A_274 : memref<1x8x128xi32, #tpu.memory_space<vmem>> -> memref<8x128xi32, #tpu.memory_space<vmem>>
    %dma_start3A_276 = arith.constant 0 : i32
    %dma_start3A_277 = arith.constant 0 : i32
    %dma_start3A_278 = tpu.memref_slice %arg2[%dma_start3A_270, %add3A, %dma_start3A_276, %dma_start3A_277] : memref<25x32x8x128xi32, #tpu.memory_space<hbm>> -> memref<1x1x8x128xi32, #tpu.memory_space<hbm>>
    %dma_start3A_279 = tpu.memref_squeeze %dma_start3A_278 : memref<1x1x8x128xi32, #tpu.memory_space<hbm>> -> memref<8x128xi32, #tpu.memory_space<hbm>>
    %dma_start3A_280 = arith.constant 0 : i32
    %dma_start3A_281 = arith.constant 0 : i32
    %dma_start3A_282 = tpu.memref_slice %arg5[%dma_start3A_271, %dma_start3A_280, %dma_start3A_281] : memref<25x8x128xi32, #tpu.memory_space<vmem>> -> memref<1x8x128xi32, #tpu.memory_space<vmem>>
    %dma_start3A_283 = tpu.memref_squeeze %dma_start3A_282 : memref<1x8x128xi32, #tpu.memory_space<vmem>> -> memref<8x128xi32, #tpu.memory_space<vmem>>
    %dma_start3A_284 = arith.constant 0 : i32
    %dma_start3A_285 = arith.constant 0 : i32
    %dma_start3A_286 = tpu.memref_slice %arg2[%dma_start3A_270, %add3A, %dma_start3A_284, %dma_start3A_285] : memref<25x32x8x128xi32, #tpu.memory_space<hbm>> -> memref<1x1x8x128xi32, #tpu.memory_space<hbm>>
    %dma_start3A_287 = tpu.memref_squeeze %dma_start3A_286 : memref<1x1x8x128xi32, #tpu.memory_space<hbm>> -> memref<8x128xi32, #tpu.memory_space<hbm>>
    tpu.enqueue_dma source(%dma_start3A_287 : memref<8x128xi32, #tpu.memory_space<hbm>>) target(%dma_start3A_283 : memref<8x128xi32, #tpu.memory_space<vmem>>) target_semaphore(%arg9 : memref<!tpu.dma_semaphore, #tpu.memory_space<semaphore_mem>>)
    %dma_start3A_288 = arith.constant 16 : i32
    %dma_start3A_289 = arith.constant 16 : i32
    %dma_start3A_290 = arith.constant 0 : i32
    %dma_start3A_291 = arith.constant 0 : i32
    %dma_start3A_292 = tpu.memref_slice %arg5[%dma_start3A_289, %dma_start3A_290, %dma_start3A_291] : memref<25x8x128xi32, #tpu.memory_space<vmem>> -> memref<1x8x128xi32, #tpu.memory_space<vmem>>
    %dma_start3A_293 = tpu.memref_squeeze %dma_start3A_292 : memref<1x8x128xi32, #tpu.memory_space<vmem>> -> memref<8x128xi32, #tpu.memory_space<vmem>>
    %dma_start3A_294 = arith.constant 0 : i32
    %dma_start3A_295 = arith.constant 0 : i32
    %dma_start3A_296 = tpu.memref_slice %arg2[%dma_start3A_288, %add3A, %dma_start3A_294, %dma_start3A_295] : memref<25x32x8x128xi32, #tpu.memory_space<hbm>> -> memref<1x1x8x128xi32, #tpu.memory_space<hbm>>
    %dma_start3A_297 = tpu.memref_squeeze %dma_start3A_296 : memref<1x1x8x128xi32, #tpu.memory_space<hbm>> -> memref<8x128xi32, #tpu.memory_space<hbm>>
    %dma_start3A_298 = arith.constant 0 : i32
    %dma_start3A_299 = arith.constant 0 : i32
    %dma_start3A_300 = tpu.memref_slice %arg5[%dma_start3A_289, %dma_start3A_298, %dma_start3A_299] : memref<25x8x128xi32, #tpu.memory_space<vmem>> -> memref<1x8x128xi32, #tpu.memory_space<vmem>>
    %dma_start3A_301 = tpu.memref_squeeze %dma_start3A_300 : memref<1x8x128xi32, #tpu.memory_space<vmem>> -> memref<8x128xi32, #tpu.memory_space<vmem>>
    %dma_start3A_302 = arith.constant 0 : i32
    %dma_start3A_303 = arith.constant 0 : i32
    %dma_start3A_304 = tpu.memref_slice %arg2[%dma_start3A_288, %add3A, %dma_start3A_302, %dma_start3A_303] : memref<25x32x8x128xi32, #tpu.memory_space<hbm>> -> memref<1x1x8x128xi32, #tpu.memory_space<hbm>>
    %dma_start3A_305 = tpu.memref_squeeze %dma_start3A_304 : memref<1x1x8x128xi32, #tpu.memory_space<hbm>> -> memref<8x128xi32, #tpu.memory_space<hbm>>
    tpu.enqueue_dma source(%dma_start3A_305 : memref<8x128xi32, #tpu.memory_space<hbm>>) target(%dma_start3A_301 : memref<8x128xi32, #tpu.memory_space<vmem>>) target_semaphore(%arg9 : memref<!tpu.dma_semaphore, #tpu.memory_space<semaphore_mem>>)
    %dma_start3A_306 = arith.constant 17 : i32
    %dma_start3A_307 = arith.constant 17 : i32
    %dma_start3A_308 = arith.constant 0 : i32
    %dma_start3A_309 = arith.constant 0 : i32
    %dma_start3A_310 = tpu.memref_slice %arg5[%dma_start3A_307, %dma_start3A_308, %dma_start3A_309] : memref<25x8x128xi32, #tpu.memory_space<vmem>> -> memref<1x8x128xi32, #tpu.memory_space<vmem>>
    %dma_start3A_311 = tpu.memref_squeeze %dma_start3A_310 : memref<1x8x128xi32, #tpu.memory_space<vmem>> -> memref<8x128xi32, #tpu.memory_space<vmem>>
    %dma_start3A_312 = arith.constant 0 : i32
    %dma_start3A_313 = arith.constant 0 : i32
    %dma_start3A_314 = tpu.memref_slice %arg2[%dma_start3A_306, %add3A, %dma_start3A_312, %dma_start3A_313] : memref<25x32x8x128xi32, #tpu.memory_space<hbm>> -> memref<1x1x8x128xi32, #tpu.memory_space<hbm>>
    %dma_start3A_315 = tpu.memref_squeeze %dma_start3A_314 : memref<1x1x8x128xi32, #tpu.memory_space<hbm>> -> memref<8x128xi32, #tpu.memory_space<hbm>>
    %dma_start3A_316 = arith.constant 0 : i32
    %dma_start3A_317 = arith.constant 0 : i32
    %dma_start3A_318 = tpu.memref_slice %arg5[%dma_start3A_307, %dma_start3A_316, %dma_start3A_317] : memref<25x8x128xi32, #tpu.memory_space<vmem>> -> memref<1x8x128xi32, #tpu.memory_space<vmem>>
    %dma_start3A_319 = tpu.memref_squeeze %dma_start3A_318 : memref<1x8x128xi32, #tpu.memory_space<vmem>> -> memref<8x128xi32, #tpu.memory_space<vmem>>
    %dma_start3A_320 = arith.constant 0 : i32
    %dma_start3A_321 = arith.constant 0 : i32
    %dma_start3A_322 = tpu.memref_slice %arg2[%dma_start3A_306, %add3A, %dma_start3A_320, %dma_start3A_321] : memref<25x32x8x128xi32, #tpu.memory_space<hbm>> -> memref<1x1x8x128xi32, #tpu.memory_space<hbm>>
    %dma_start3A_323 = tpu.memref_squeeze %dma_start3A_322 : memref<1x1x8x128xi32, #tpu.memory_space<hbm>> -> memref<8x128xi32, #tpu.memory_space<hbm>>
    tpu.enqueue_dma source(%dma_start3A_323 : memref<8x128xi32, #tpu.memory_space<hbm>>) target(%dma_start3A_319 : memref<8x128xi32, #tpu.memory_space<vmem>>) target_semaphore(%arg9 : memref<!tpu.dma_semaphore, #tpu.memory_space<semaphore_mem>>)
    %dma_start3A_324 = arith.constant 18 : i32
    %dma_start3A_325 = arith.constant 18 : i32
    %dma_start3A_326 = arith.constant 0 : i32
    %dma_start3A_327 = arith.constant 0 : i32
    %dma_start3A_328 = tpu.memref_slice %arg5[%dma_start3A_325, %dma_start3A_326, %dma_start3A_327] : memref<25x8x128xi32, #tpu.memory_space<vmem>> -> memref<1x8x128xi32, #tpu.memory_space<vmem>>
    %dma_start3A_329 = tpu.memref_squeeze %dma_start3A_328 : memref<1x8x128xi32, #tpu.memory_space<vmem>> -> memref<8x128xi32, #tpu.memory_space<vmem>>
    %dma_start3A_330 = arith.constant 0 : i32
    %dma_start3A_331 = arith.constant 0 : i32
    %dma_start3A_332 = tpu.memref_slice %arg2[%dma_start3A_324, %add3A, %dma_start3A_330, %dma_start3A_331] : memref<25x32x8x128xi32, #tpu.memory_space<hbm>> -> memref<1x1x8x128xi32, #tpu.memory_space<hbm>>
    %dma_start3A_333 = tpu.memref_squeeze %dma_start3A_332 : memref<1x1x8x128xi32, #tpu.memory_space<hbm>> -> memref<8x128xi32, #tpu.memory_space<hbm>>
    %dma_start3A_334 = arith.constant 0 : i32
    %dma_start3A_335 = arith.constant 0 : i32
    %dma_start3A_336 = tpu.memref_slice %arg5[%dma_start3A_325, %dma_start3A_334, %dma_start3A_335] : memref<25x8x128xi32, #tpu.memory_space<vmem>> -> memref<1x8x128xi32, #tpu.memory_space<vmem>>
    %dma_start3A_337 = tpu.memref_squeeze %dma_start3A_336 : memref<1x8x128xi32, #tpu.memory_space<vmem>> -> memref<8x128xi32, #tpu.memory_space<vmem>>
    %dma_start3A_338 = arith.constant 0 : i32
    %dma_start3A_339 = arith.constant 0 : i32
    %dma_start3A_340 = tpu.memref_slice %arg2[%dma_start3A_324, %add3A, %dma_start3A_338, %dma_start3A_339] : memref<25x32x8x128xi32, #tpu.memory_space<hbm>> -> memref<1x1x8x128xi32, #tpu.memory_space<hbm>>
    %dma_start3A_341 = tpu.memref_squeeze %dma_start3A_340 : memref<1x1x8x128xi32, #tpu.memory_space<hbm>> -> memref<8x128xi32, #tpu.memory_space<hbm>>
    tpu.enqueue_dma source(%dma_start3A_341 : memref<8x128xi32, #tpu.memory_space<hbm>>) target(%dma_start3A_337 : memref<8x128xi32, #tpu.memory_space<vmem>>) target_semaphore(%arg9 : memref<!tpu.dma_semaphore, #tpu.memory_space<semaphore_mem>>)
    %dma_start3A_342 = arith.constant 19 : i32
    %dma_start3A_343 = arith.constant 19 : i32
    %dma_start3A_344 = arith.constant 0 : i32
    %dma_start3A_345 = arith.constant 0 : i32
    %dma_start3A_346 = tpu.memref_slice %arg5[%dma_start3A_343, %dma_start3A_344, %dma_start3A_345] : memref<25x8x128xi32, #tpu.memory_space<vmem>> -> memref<1x8x128xi32, #tpu.memory_space<vmem>>
    %dma_start3A_347 = tpu.memref_squeeze %dma_start3A_346 : memref<1x8x128xi32, #tpu.memory_space<vmem>> -> memref<8x128xi32, #tpu.memory_space<vmem>>
    %dma_start3A_348 = arith.constant 0 : i32
    %dma_start3A_349 = arith.constant 0 : i32
    %dma_start3A_350 = tpu.memref_slice %arg2[%dma_start3A_342, %add3A, %dma_start3A_348, %dma_start3A_349] : memref<25x32x8x128xi32, #tpu.memory_space<hbm>> -> memref<1x1x8x128xi32, #tpu.memory_space<hbm>>
    %dma_start3A_351 = tpu.memref_squeeze %dma_start3A_350 : memref<1x1x8x128xi32, #tpu.memory_space<hbm>> -> memref<8x128xi32, #tpu.memory_space<hbm>>
    %dma_start3A_352 = arith.constant 0 : i32
    %dma_start3A_353 = arith.constant 0 : i32
    %dma_start3A_354 = tpu.memref_slice %arg5[%dma_start3A_343, %dma_start3A_352, %dma_start3A_353] : memref<25x8x128xi32, #tpu.memory_space<vmem>> -> memref<1x8x128xi32, #tpu.memory_space<vmem>>
    %dma_start3A_355 = tpu.memref_squeeze %dma_start3A_354 : memref<1x8x128xi32, #tpu.memory_space<vmem>> -> memref<8x128xi32, #tpu.memory_space<vmem>>
    %dma_start3A_356 = arith.constant 0 : i32
    %dma_start3A_357 = arith.constant 0 : i32
    %dma_start3A_358 = tpu.memref_slice %arg2[%dma_start3A_342, %add3A, %dma_start3A_356, %dma_start3A_357] : memref<25x32x8x128xi32, #tpu.memory_space<hbm>> -> memref<1x1x8x128xi32, #tpu.memory_space<hbm>>
    %dma_start3A_359 = tpu.memref_squeeze %dma_start3A_358 : memref<1x1x8x128xi32, #tpu.memory_space<hbm>> -> memref<8x128xi32, #tpu.memory_space<hbm>>
    tpu.enqueue_dma source(%dma_start3A_359 : memref<8x128xi32, #tpu.memory_space<hbm>>) target(%dma_start3A_355 : memref<8x128xi32, #tpu.memory_space<vmem>>) target_semaphore(%arg9 : memref<!tpu.dma_semaphore, #tpu.memory_space<semaphore_mem>>)
    %dma_start3A_360 = arith.constant 20 : i32
    %dma_start3A_361 = arith.constant 20 : i32
    %dma_start3A_362 = arith.constant 0 : i32
    %dma_start3A_363 = arith.constant 0 : i32
    %dma_start3A_364 = tpu.memref_slice %arg5[%dma_start3A_361, %dma_start3A_362, %dma_start3A_363] : memref<25x8x128xi32, #tpu.memory_space<vmem>> -> memref<1x8x128xi32, #tpu.memory_space<vmem>>
    %dma_start3A_365 = tpu.memref_squeeze %dma_start3A_364 : memref<1x8x128xi32, #tpu.memory_space<vmem>> -> memref<8x128xi32, #tpu.memory_space<vmem>>
    %dma_start3A_366 = arith.constant 0 : i32
    %dma_start3A_367 = arith.constant 0 : i32
    %dma_start3A_368 = tpu.memref_slice %arg2[%dma_start3A_360, %add3A, %dma_start3A_366, %dma_start3A_367] : memref<25x32x8x128xi32, #tpu.memory_space<hbm>> -> memref<1x1x8x128xi32, #tpu.memory_space<hbm>>
    %dma_start3A_369 = tpu.memref_squeeze %dma_start3A_368 : memref<1x1x8x128xi32, #tpu.memory_space<hbm>> -> memref<8x128xi32, #tpu.memory_space<hbm>>
    %dma_start3A_370 = arith.constant 0 : i32
    %dma_start3A_371 = arith.constant 0 : i32
    %dma_start3A_372 = tpu.memref_slice %arg5[%dma_start3A_361, %dma_start3A_370, %dma_start3A_371] : memref<25x8x128xi32, #tpu.memory_space<vmem>> -> memref<1x8x128xi32, #tpu.memory_space<vmem>>
    %dma_start3A_373 = tpu.memref_squeeze %dma_start3A_372 : memref<1x8x128xi32, #tpu.memory_space<vmem>> -> memref<8x128xi32, #tpu.memory_space<vmem>>
    %dma_start3A_374 = arith.constant 0 : i32
    %dma_start3A_375 = arith.constant 0 : i32
    %dma_start3A_376 = tpu.memref_slice %arg2[%dma_start3A_360, %add3A, %dma_start3A_374, %dma_start3A_375] : memref<25x32x8x128xi32, #tpu.memory_space<hbm>> -> memref<1x1x8x128xi32, #tpu.memory_space<hbm>>
    %dma_start3A_377 = tpu.memref_squeeze %dma_start3A_376 : memref<1x1x8x128xi32, #tpu.memory_space<hbm>> -> memref<8x128xi32, #tpu.memory_space<hbm>>
    tpu.enqueue_dma source(%dma_start3A_377 : memref<8x128xi32, #tpu.memory_space<hbm>>) target(%dma_start3A_373 : memref<8x128xi32, #tpu.memory_space<vmem>>) target_semaphore(%arg9 : memref<!tpu.dma_semaphore, #tpu.memory_space<semaphore_mem>>)
    %dma_start3A_378 = arith.constant 21 : i32
    %dma_start3A_379 = arith.constant 21 : i32
    %dma_start3A_380 = arith.constant 0 : i32
    %dma_start3A_381 = arith.constant 0 : i32
    %dma_start3A_382 = tpu.memref_slice %arg5[%dma_start3A_379, %dma_start3A_380, %dma_start3A_381] : memref<25x8x128xi32, #tpu.memory_space<vmem>> -> memref<1x8x128xi32, #tpu.memory_space<vmem>>
    %dma_start3A_383 = tpu.memref_squeeze %dma_start3A_382 : memref<1x8x128xi32, #tpu.memory_space<vmem>> -> memref<8x128xi32, #tpu.memory_space<vmem>>
    %dma_start3A_384 = arith.constant 0 : i32
    %dma_start3A_385 = arith.constant 0 : i32
    %dma_start3A_386 = tpu.memref_slice %arg2[%dma_start3A_378, %add3A, %dma_start3A_384, %dma_start3A_385] : memref<25x32x8x128xi32, #tpu.memory_space<hbm>> -> memref<1x1x8x128xi32, #tpu.memory_space<hbm>>
    %dma_start3A_387 = tpu.memref_squeeze %dma_start3A_386 : memref<1x1x8x128xi32, #tpu.memory_space<hbm>> -> memref<8x128xi32, #tpu.memory_space<hbm>>
    %dma_start3A_388 = arith.constant 0 : i32
    %dma_start3A_389 = arith.constant 0 : i32
    %dma_start3A_390 = tpu.memref_slice %arg5[%dma_start3A_379, %dma_start3A_388, %dma_start3A_389] : memref<25x8x128xi32, #tpu.memory_space<vmem>> -> memref<1x8x128xi32, #tpu.memory_space<vmem>>
    %dma_start3A_391 = tpu.memref_squeeze %dma_start3A_390 : memref<1x8x128xi32, #tpu.memory_space<vmem>> -> memref<8x128xi32, #tpu.memory_space<vmem>>
    %dma_start3A_392 = arith.constant 0 : i32
    %dma_start3A_393 = arith.constant 0 : i32
    %dma_start3A_394 = tpu.memref_slice %arg2[%dma_start3A_378, %add3A, %dma_start3A_392, %dma_start3A_393] : memref<25x32x8x128xi32, #tpu.memory_space<hbm>> -> memref<1x1x8x128xi32, #tpu.memory_space<hbm>>
    %dma_start3A_395 = tpu.memref_squeeze %dma_start3A_394 : memref<1x1x8x128xi32, #tpu.memory_space<hbm>> -> memref<8x128xi32, #tpu.memory_space<hbm>>
    tpu.enqueue_dma source(%dma_start3A_395 : memref<8x128xi32, #tpu.memory_space<hbm>>) target(%dma_start3A_391 : memref<8x128xi32, #tpu.memory_space<vmem>>) target_semaphore(%arg9 : memref<!tpu.dma_semaphore, #tpu.memory_space<semaphore_mem>>)
    %dma_start3A_396 = arith.constant 22 : i32
    %dma_start3A_397 = arith.constant 22 : i32
    %dma_start3A_398 = arith.constant 0 : i32
    %dma_start3A_399 = arith.constant 0 : i32
    %dma_start3A_400 = tpu.memref_slice %arg5[%dma_start3A_397, %dma_start3A_398, %dma_start3A_399] : memref<25x8x128xi32, #tpu.memory_space<vmem>> -> memref<1x8x128xi32, #tpu.memory_space<vmem>>
    %dma_start3A_401 = tpu.memref_squeeze %dma_start3A_400 : memref<1x8x128xi32, #tpu.memory_space<vmem>> -> memref<8x128xi32, #tpu.memory_space<vmem>>
    %dma_start3A_402 = arith.constant 0 : i32
    %dma_start3A_403 = arith.constant 0 : i32
    %dma_start3A_404 = tpu.memref_slice %arg2[%dma_start3A_396, %add3A, %dma_start3A_402, %dma_start3A_403] : memref<25x32x8x128xi32, #tpu.memory_space<hbm>> -> memref<1x1x8x128xi32, #tpu.memory_space<hbm>>
    %dma_start3A_405 = tpu.memref_squeeze %dma_start3A_404 : memref<1x1x8x128xi32, #tpu.memory_space<hbm>> -> memref<8x128xi32, #tpu.memory_space<hbm>>
    %dma_start3A_406 = arith.constant 0 : i32
    %dma_start3A_407 = arith.constant 0 : i32
    %dma_start3A_408 = tpu.memref_slice %arg5[%dma_start3A_397, %dma_start3A_406, %dma_start3A_407] : memref<25x8x128xi32, #tpu.memory_space<vmem>> -> memref<1x8x128xi32, #tpu.memory_space<vmem>>
    %dma_start3A_409 = tpu.memref_squeeze %dma_start3A_408 : memref<1x8x128xi32, #tpu.memory_space<vmem>> -> memref<8x128xi32, #tpu.memory_space<vmem>>
    %dma_start3A_410 = arith.constant 0 : i32
    %dma_start3A_411 = arith.constant 0 : i32
    %dma_start3A_412 = tpu.memref_slice %arg2[%dma_start3A_396, %add3A, %dma_start3A_410, %dma_start3A_411] : memref<25x32x8x128xi32, #tpu.memory_space<hbm>> -> memref<1x1x8x128xi32, #tpu.memory_space<hbm>>
    %dma_start3A_413 = tpu.memref_squeeze %dma_start3A_412 : memref<1x1x8x128xi32, #tpu.memory_space<hbm>> -> memref<8x128xi32, #tpu.memory_space<hbm>>
    tpu.enqueue_dma source(%dma_start3A_413 : memref<8x128xi32, #tpu.memory_space<hbm>>) target(%dma_start3A_409 : memref<8x128xi32, #tpu.memory_space<vmem>>) target_semaphore(%arg9 : memref<!tpu.dma_semaphore, #tpu.memory_space<semaphore_mem>>)
    %dma_start3A_414 = arith.constant 23 : i32
    %dma_start3A_415 = arith.constant 23 : i32
    %dma_start3A_416 = arith.constant 0 : i32
    %dma_start3A_417 = arith.constant 0 : i32
    %dma_start3A_418 = tpu.memref_slice %arg5[%dma_start3A_415, %dma_start3A_416, %dma_start3A_417] : memref<25x8x128xi32, #tpu.memory_space<vmem>> -> memref<1x8x128xi32, #tpu.memory_space<vmem>>
    %dma_start3A_419 = tpu.memref_squeeze %dma_start3A_418 : memref<1x8x128xi32, #tpu.memory_space<vmem>> -> memref<8x128xi32, #tpu.memory_space<vmem>>
    %dma_start3A_420 = arith.constant 0 : i32
    %dma_start3A_421 = arith.constant 0 : i32
    %dma_start3A_422 = tpu.memref_slice %arg2[%dma_start3A_414, %add3A, %dma_start3A_420, %dma_start3A_421] : memref<25x32x8x128xi32, #tpu.memory_space<hbm>> -> memref<1x1x8x128xi32, #tpu.memory_space<hbm>>
    %dma_start3A_423 = tpu.memref_squeeze %dma_start3A_422 : memref<1x1x8x128xi32, #tpu.memory_space<hbm>> -> memref<8x128xi32, #tpu.memory_space<hbm>>
    %dma_start3A_424 = arith.constant 0 : i32
    %dma_start3A_425 = arith.constant 0 : i32
    %dma_start3A_426 = tpu.memref_slice %arg5[%dma_start3A_415, %dma_start3A_424, %dma_start3A_425] : memref<25x8x128xi32, #tpu.memory_space<vmem>> -> memref<1x8x128xi32, #tpu.memory_space<vmem>>
    %dma_start3A_427 = tpu.memref_squeeze %dma_start3A_426 : memref<1x8x128xi32, #tpu.memory_space<vmem>> -> memref<8x128xi32, #tpu.memory_space<vmem>>
    %dma_start3A_428 = arith.constant 0 : i32
    %dma_start3A_429 = arith.constant 0 : i32
    %dma_start3A_430 = tpu.memref_slice %arg2[%dma_start3A_414, %add3A, %dma_start3A_428, %dma_start3A_429] : memref<25x32x8x128xi32, #tpu.memory_space<hbm>> -> memref<1x1x8x128xi32, #tpu.memory_space<hbm>>
    %dma_start3A_431 = tpu.memref_squeeze %dma_start3A_430 : memref<1x1x8x128xi32, #tpu.memory_space<hbm>> -> memref<8x128xi32, #tpu.memory_space<hbm>>
    tpu.enqueue_dma source(%dma_start3A_431 : memref<8x128xi32, #tpu.memory_space<hbm>>) target(%dma_start3A_427 : memref<8x128xi32, #tpu.memory_space<vmem>>) target_semaphore(%arg9 : memref<!tpu.dma_semaphore, #tpu.memory_space<semaphore_mem>>)
    %dma_start3A_432 = arith.constant 24 : i32
    %dma_start3A_433 = arith.constant 24 : i32
    %dma_start3A_434 = arith.constant 0 : i32
    %dma_start3A_435 = arith.constant 0 : i32
    %dma_start3A_436 = tpu.memref_slice %arg5[%dma_start3A_433, %dma_start3A_434, %dma_start3A_435] : memref<25x8x128xi32, #tpu.memory_space<vmem>> -> memref<1x8x128xi32, #tpu.memory_space<vmem>>
    %dma_start3A_437 = tpu.memref_squeeze %dma_start3A_436 : memref<1x8x128xi32, #tpu.memory_space<vmem>> -> memref<8x128xi32, #tpu.memory_space<vmem>>
    %dma_start3A_438 = arith.constant 0 : i32
    %dma_start3A_439 = arith.constant 0 : i32
    %dma_start3A_440 = tpu.memref_slice %arg2[%dma_start3A_432, %add3A, %dma_start3A_438, %dma_start3A_439] : memref<25x32x8x128xi32, #tpu.memory_space<hbm>> -> memref<1x1x8x128xi32, #tpu.memory_space<hbm>>
    %dma_start3A_441 = tpu.memref_squeeze %dma_start3A_440 : memref<1x1x8x128xi32, #tpu.memory_space<hbm>> -> memref<8x128xi32, #tpu.memory_space<hbm>>
    %dma_start3A_442 = arith.constant 0 : i32
    %dma_start3A_443 = arith.constant 0 : i32
    %dma_start3A_444 = tpu.memref_slice %arg5[%dma_start3A_433, %dma_start3A_442, %dma_start3A_443] : memref<25x8x128xi32, #tpu.memory_space<vmem>> -> memref<1x8x128xi32, #tpu.memory_space<vmem>>
    %dma_start3A_445 = tpu.memref_squeeze %dma_start3A_444 : memref<1x8x128xi32, #tpu.memory_space<vmem>> -> memref<8x128xi32, #tpu.memory_space<vmem>>
    %dma_start3A_446 = arith.constant 0 : i32
    %dma_start3A_447 = arith.constant 0 : i32
    %dma_start3A_448 = tpu.memref_slice %arg2[%dma_start3A_432, %add3A, %dma_start3A_446, %dma_start3A_447] : memref<25x32x8x128xi32, #tpu.memory_space<hbm>> -> memref<1x1x8x128xi32, #tpu.memory_space<hbm>>
    %dma_start3A_449 = tpu.memref_squeeze %dma_start3A_448 : memref<1x1x8x128xi32, #tpu.memory_space<hbm>> -> memref<8x128xi32, #tpu.memory_space<hbm>>
    tpu.enqueue_dma source(%dma_start3A_449 : memref<8x128xi32, #tpu.memory_space<hbm>>) target(%dma_start3A_445 : memref<8x128xi32, #tpu.memory_space<vmem>>) target_semaphore(%arg9 : memref<!tpu.dma_semaphore, #tpu.memory_space<semaphore_mem>>)
    %dma_wait3A = arith.constant 0 : i32
    %dma_wait3A_450 = arith.constant 0 : i32
    %dma_wait3A_451 = arith.constant 0 : i32
    %dma_wait3A_452 = arith.constant 0 : i32
    %dma_wait3A_453 = tpu.memref_slice %arg5[%dma_wait3A_450, %dma_wait3A_451, %dma_wait3A_452] : memref<25x8x128xi32, #tpu.memory_space<vmem>> -> memref<1x8x128xi32, #tpu.memory_space<vmem>>
    %dma_wait3A_454 = tpu.memref_squeeze %dma_wait3A_453 : memref<1x8x128xi32, #tpu.memory_space<vmem>> -> memref<8x128xi32, #tpu.memory_space<vmem>>
    %dma_wait3A_455 = arith.constant 0 : i32
    %dma_wait3A_456 = arith.constant 0 : i32
    %dma_wait3A_457 = tpu.memref_slice %arg2[%dma_wait3A, %add3A, %dma_wait3A_455, %dma_wait3A_456] : memref<25x32x8x128xi32, #tpu.memory_space<hbm>> -> memref<1x1x8x128xi32, #tpu.memory_space<hbm>>
    %dma_wait3A_458 = tpu.memref_squeeze %dma_wait3A_457 : memref<1x1x8x128xi32, #tpu.memory_space<hbm>> -> memref<8x128xi32, #tpu.memory_space<hbm>>
    %dma_wait3A_459 = arith.constant 0 : i32
    %dma_wait3A_460 = arith.constant 0 : i32
    %dma_wait3A_461 = tpu.memref_slice %arg5[%dma_wait3A_450, %dma_wait3A_459, %dma_wait3A_460] : memref<25x8x128xi32, #tpu.memory_space<vmem>> -> memref<1x8x128xi32, #tpu.memory_space<vmem>>
    %dma_wait3A_462 = tpu.memref_squeeze %dma_wait3A_461 : memref<1x8x128xi32, #tpu.memory_space<vmem>> -> memref<8x128xi32, #tpu.memory_space<vmem>>
    %dma_wait3A_463 = arith.constant 0 : i32
    %dma_wait3A_464 = arith.constant 0 : i32
    %dma_wait3A_465 = tpu.memref_slice %arg2[%dma_wait3A, %add3A, %dma_wait3A_463, %dma_wait3A_464] : memref<25x32x8x128xi32, #tpu.memory_space<hbm>> -> memref<1x1x8x128xi32, #tpu.memory_space<hbm>>
    %dma_wait3A_466 = tpu.memref_squeeze %dma_wait3A_465 : memref<1x1x8x128xi32, #tpu.memory_space<hbm>> -> memref<8x128xi32, #tpu.memory_space<hbm>>
    tpu.wait_dma2 semaphore(%arg9 : memref<!tpu.dma_semaphore, #tpu.memory_space<semaphore_mem>>) src(%dma_wait3A_466 : memref<8x128xi32, #tpu.memory_space<hbm>>) dst(%dma_wait3A_462 : memref<8x128xi32, #tpu.memory_space<vmem>>)
    %dma_wait3A_467 = arith.constant 1 : i32
    %dma_wait3A_468 = arith.constant 1 : i32
    %dma_wait3A_469 = arith.constant 0 : i32
    %dma_wait3A_470 = arith.constant 0 : i32
    %dma_wait3A_471 = tpu.memref_slice %arg5[%dma_wait3A_468, %dma_wait3A_469, %dma_wait3A_470] : memref<25x8x128xi32, #tpu.memory_space<vmem>> -> memref<1x8x128xi32, #tpu.memory_space<vmem>>
    %dma_wait3A_472 = tpu.memref_squeeze %dma_wait3A_471 : memref<1x8x128xi32, #tpu.memory_space<vmem>> -> memref<8x128xi32, #tpu.memory_space<vmem>>
    %dma_wait3A_473 = arith.constant 0 : i32
    %dma_wait3A_474 = arith.constant 0 : i32
    %dma_wait3A_475 = tpu.memref_slice %arg2[%dma_wait3A_467, %add3A, %dma_wait3A_473, %dma_wait3A_474] : memref<25x32x8x128xi32, #tpu.memory_space<hbm>> -> memref<1x1x8x128xi32, #tpu.memory_space<hbm>>
    %dma_wait3A_476 = tpu.memref_squeeze %dma_wait3A_475 : memref<1x1x8x128xi32, #tpu.memory_space<hbm>> -> memref<8x128xi32, #tpu.memory_space<hbm>>
    %dma_wait3A_477 = arith.constant 0 : i32
    %dma_wait3A_478 = arith.constant 0 : i32
    %dma_wait3A_479 = tpu.memref_slice %arg5[%dma_wait3A_468, %dma_wait3A_477, %dma_wait3A_478] : memref<25x8x128xi32, #tpu.memory_space<vmem>> -> memref<1x8x128xi32, #tpu.memory_space<vmem>>
    %dma_wait3A_480 = tpu.memref_squeeze %dma_wait3A_479 : memref<1x8x128xi32, #tpu.memory_space<vmem>> -> memref<8x128xi32, #tpu.memory_space<vmem>>
    %dma_wait3A_481 = arith.constant 0 : i32
    %dma_wait3A_482 = arith.constant 0 : i32
    %dma_wait3A_483 = tpu.memref_slice %arg2[%dma_wait3A_467, %add3A, %dma_wait3A_481, %dma_wait3A_482] : memref<25x32x8x128xi32, #tpu.memory_space<hbm>> -> memref<1x1x8x128xi32, #tpu.memory_space<hbm>>
    %dma_wait3A_484 = tpu.memref_squeeze %dma_wait3A_483 : memref<1x1x8x128xi32, #tpu.memory_space<hbm>> -> memref<8x128xi32, #tpu.memory_space<hbm>>
    tpu.wait_dma2 semaphore(%arg9 : memref<!tpu.dma_semaphore, #tpu.memory_space<semaphore_mem>>) src(%dma_wait3A_484 : memref<8x128xi32, #tpu.memory_space<hbm>>) dst(%dma_wait3A_480 : memref<8x128xi32, #tpu.memory_space<vmem>>)
    %dma_wait3A_485 = arith.constant 2 : i32
    %dma_wait3A_486 = arith.constant 2 : i32
    %dma_wait3A_487 = arith.constant 0 : i32
    %dma_wait3A_488 = arith.constant 0 : i32
    %dma_wait3A_489 = tpu.memref_slice %arg5[%dma_wait3A_486, %dma_wait3A_487, %dma_wait3A_488] : memref<25x8x128xi32, #tpu.memory_space<vmem>> -> memref<1x8x128xi32, #tpu.memory_space<vmem>>
    %dma_wait3A_490 = tpu.memref_squeeze %dma_wait3A_489 : memref<1x8x128xi32, #tpu.memory_space<vmem>> -> memref<8x128xi32, #tpu.memory_space<vmem>>
    %dma_wait3A_491 = arith.constant 0 : i32
    %dma_wait3A_492 = arith.constant 0 : i32
    %dma_wait3A_493 = tpu.memref_slice %arg2[%dma_wait3A_485, %add3A, %dma_wait3A_491, %dma_wait3A_492] : memref<25x32x8x128xi32, #tpu.memory_space<hbm>> -> memref<1x1x8x128xi32, #tpu.memory_space<hbm>>
    %dma_wait3A_494 = tpu.memref_squeeze %dma_wait3A_493 : memref<1x1x8x128xi32, #tpu.memory_space<hbm>> -> memref<8x128xi32, #tpu.memory_space<hbm>>
    %dma_wait3A_495 = arith.constant 0 : i32
    %dma_wait3A_496 = arith.constant 0 : i32
    %dma_wait3A_497 = tpu.memref_slice %arg5[%dma_wait3A_486, %dma_wait3A_495, %dma_wait3A_496] : memref<25x8x128xi32, #tpu.memory_space<vmem>> -> memref<1x8x128xi32, #tpu.memory_space<vmem>>
    %dma_wait3A_498 = tpu.memref_squeeze %dma_wait3A_497 : memref<1x8x128xi32, #tpu.memory_space<vmem>> -> memref<8x128xi32, #tpu.memory_space<vmem>>
    %dma_wait3A_499 = arith.constant 0 : i32
    %dma_wait3A_500 = arith.constant 0 : i32
    %dma_wait3A_501 = tpu.memref_slice %arg2[%dma_wait3A_485, %add3A, %dma_wait3A_499, %dma_wait3A_500] : memref<25x32x8x128xi32, #tpu.memory_space<hbm>> -> memref<1x1x8x128xi32, #tpu.memory_space<hbm>>
    %dma_wait3A_502 = tpu.memref_squeeze %dma_wait3A_501 : memref<1x1x8x128xi32, #tpu.memory_space<hbm>> -> memref<8x128xi32, #tpu.memory_space<hbm>>
    tpu.wait_dma2 semaphore(%arg9 : memref<!tpu.dma_semaphore, #tpu.memory_space<semaphore_mem>>) src(%dma_wait3A_502 : memref<8x128xi32, #tpu.memory_space<hbm>>) dst(%dma_wait3A_498 : memref<8x128xi32, #tpu.memory_space<vmem>>)
    %dma_wait3A_503 = arith.constant 3 : i32
    %dma_wait3A_504 = arith.constant 3 : i32
    %dma_wait3A_505 = arith.constant 0 : i32
    %dma_wait3A_506 = arith.constant 0 : i32
    %dma_wait3A_507 = tpu.memref_slice %arg5[%dma_wait3A_504, %dma_wait3A_505, %dma_wait3A_506] : memref<25x8x128xi32, #tpu.memory_space<vmem>> -> memref<1x8x128xi32, #tpu.memory_space<vmem>>
    %dma_wait3A_508 = tpu.memref_squeeze %dma_wait3A_507 : memref<1x8x128xi32, #tpu.memory_space<vmem>> -> memref<8x128xi32, #tpu.memory_space<vmem>>
    %dma_wait3A_509 = arith.constant 0 : i32
    %dma_wait3A_510 = arith.constant 0 : i32
    %dma_wait3A_511 = tpu.memref_slice %arg2[%dma_wait3A_503, %add3A, %dma_wait3A_509, %dma_wait3A_510] : memref<25x32x8x128xi32, #tpu.memory_space<hbm>> -> memref<1x1x8x128xi32, #tpu.memory_space<hbm>>
    %dma_wait3A_512 = tpu.memref_squeeze %dma_wait3A_511 : memref<1x1x8x128xi32, #tpu.memory_space<hbm>> -> memref<8x128xi32, #tpu.memory_space<hbm>>
    %dma_wait3A_513 = arith.constant 0 : i32
    %dma_wait3A_514 = arith.constant 0 : i32
    %dma_wait3A_515 = tpu.memref_slice %arg5[%dma_wait3A_504, %dma_wait3A_513, %dma_wait3A_514] : memref<25x8x128xi32, #tpu.memory_space<vmem>> -> memref<1x8x128xi32, #tpu.memory_space<vmem>>
    %dma_wait3A_516 = tpu.memref_squeeze %dma_wait3A_515 : memref<1x8x128xi32, #tpu.memory_space<vmem>> -> memref<8x128xi32, #tpu.memory_space<vmem>>
    %dma_wait3A_517 = arith.constant 0 : i32
    %dma_wait3A_518 = arith.constant 0 : i32
    %dma_wait3A_519 = tpu.memref_slice %arg2[%dma_wait3A_503, %add3A, %dma_wait3A_517, %dma_wait3A_518] : memref<25x32x8x128xi32, #tpu.memory_space<hbm>> -> memref<1x1x8x128xi32, #tpu.memory_space<hbm>>
    %dma_wait3A_520 = tpu.memref_squeeze %dma_wait3A_519 : memref<1x1x8x128xi32, #tpu.memory_space<hbm>> -> memref<8x128xi32, #tpu.memory_space<hbm>>
    tpu.wait_dma2 semaphore(%arg9 : memref<!tpu.dma_semaphore, #tpu.memory_space<semaphore_mem>>) src(%dma_wait3A_520 : memref<8x128xi32, #tpu.memory_space<hbm>>) dst(%dma_wait3A_516 : memref<8x128xi32, #tpu.memory_space<vmem>>)
    %dma_wait3A_521 = arith.constant 4 : i32
    %dma_wait3A_522 = arith.constant 4 : i32
    %dma_wait3A_523 = arith.constant 0 : i32
    %dma_wait3A_524 = arith.constant 0 : i32
    %dma_wait3A_525 = tpu.memref_slice %arg5[%dma_wait3A_522, %dma_wait3A_523, %dma_wait3A_524] : memref<25x8x128xi32, #tpu.memory_space<vmem>> -> memref<1x8x128xi32, #tpu.memory_space<vmem>>
    %dma_wait3A_526 = tpu.memref_squeeze %dma_wait3A_525 : memref<1x8x128xi32, #tpu.memory_space<vmem>> -> memref<8x128xi32, #tpu.memory_space<vmem>>
    %dma_wait3A_527 = arith.constant 0 : i32
    %dma_wait3A_528 = arith.constant 0 : i32
    %dma_wait3A_529 = tpu.memref_slice %arg2[%dma_wait3A_521, %add3A, %dma_wait3A_527, %dma_wait3A_528] : memref<25x32x8x128xi32, #tpu.memory_space<hbm>> -> memref<1x1x8x128xi32, #tpu.memory_space<hbm>>
    %dma_wait3A_530 = tpu.memref_squeeze %dma_wait3A_529 : memref<1x1x8x128xi32, #tpu.memory_space<hbm>> -> memref<8x128xi32, #tpu.memory_space<hbm>>
    %dma_wait3A_531 = arith.constant 0 : i32
    %dma_wait3A_532 = arith.constant 0 : i32
    %dma_wait3A_533 = tpu.memref_slice %arg5[%dma_wait3A_522, %dma_wait3A_531, %dma_wait3A_532] : memref<25x8x128xi32, #tpu.memory_space<vmem>> -> memref<1x8x128xi32, #tpu.memory_space<vmem>>
    %dma_wait3A_534 = tpu.memref_squeeze %dma_wait3A_533 : memref<1x8x128xi32, #tpu.memory_space<vmem>> -> memref<8x128xi32, #tpu.memory_space<vmem>>
    %dma_wait3A_535 = arith.constant 0 : i32
    %dma_wait3A_536 = arith.constant 0 : i32
    %dma_wait3A_537 = tpu.memref_slice %arg2[%dma_wait3A_521, %add3A, %dma_wait3A_535, %dma_wait3A_536] : memref<25x32x8x128xi32, #tpu.memory_space<hbm>> -> memref<1x1x8x128xi32, #tpu.memory_space<hbm>>
    %dma_wait3A_538 = tpu.memref_squeeze %dma_wait3A_537 : memref<1x1x8x128xi32, #tpu.memory_space<hbm>> -> memref<8x128xi32, #tpu.memory_space<hbm>>
    tpu.wait_dma2 semaphore(%arg9 : memref<!tpu.dma_semaphore, #tpu.memory_space<semaphore_mem>>) src(%dma_wait3A_538 : memref<8x128xi32, #tpu.memory_space<hbm>>) dst(%dma_wait3A_534 : memref<8x128xi32, #tpu.memory_space<vmem>>)
    %dma_wait3A_539 = arith.constant 5 : i32
    %dma_wait3A_540 = arith.constant 5 : i32
    %dma_wait3A_541 = arith.constant 0 : i32
    %dma_wait3A_542 = arith.constant 0 : i32
    %dma_wait3A_543 = tpu.memref_slice %arg5[%dma_wait3A_540, %dma_wait3A_541, %dma_wait3A_542] : memref<25x8x128xi32, #tpu.memory_space<vmem>> -> memref<1x8x128xi32, #tpu.memory_space<vmem>>
    %dma_wait3A_544 = tpu.memref_squeeze %dma_wait3A_543 : memref<1x8x128xi32, #tpu.memory_space<vmem>> -> memref<8x128xi32, #tpu.memory_space<vmem>>
    %dma_wait3A_545 = arith.constant 0 : i32
    %dma_wait3A_546 = arith.constant 0 : i32
    %dma_wait3A_547 = tpu.memref_slice %arg2[%dma_wait3A_539, %add3A, %dma_wait3A_545, %dma_wait3A_546] : memref<25x32x8x128xi32, #tpu.memory_space<hbm>> -> memref<1x1x8x128xi32, #tpu.memory_space<hbm>>
    %dma_wait3A_548 = tpu.memref_squeeze %dma_wait3A_547 : memref<1x1x8x128xi32, #tpu.memory_space<hbm>> -> memref<8x128xi32, #tpu.memory_space<hbm>>
    %dma_wait3A_549 = arith.constant 0 : i32
    %dma_wait3A_550 = arith.constant 0 : i32
    %dma_wait3A_551 = tpu.memref_slice %arg5[%dma_wait3A_540, %dma_wait3A_549, %dma_wait3A_550] : memref<25x8x128xi32, #tpu.memory_space<vmem>> -> memref<1x8x128xi32, #tpu.memory_space<vmem>>
    %dma_wait3A_552 = tpu.memref_squeeze %dma_wait3A_551 : memref<1x8x128xi32, #tpu.memory_space<vmem>> -> memref<8x128xi32, #tpu.memory_space<vmem>>
    %dma_wait3A_553 = arith.constant 0 : i32
    %dma_wait3A_554 = arith.constant 0 : i32
    %dma_wait3A_555 = tpu.memref_slice %arg2[%dma_wait3A_539, %add3A, %dma_wait3A_553, %dma_wait3A_554] : memref<25x32x8x128xi32, #tpu.memory_space<hbm>> -> memref<1x1x8x128xi32, #tpu.memory_space<hbm>>
    %dma_wait3A_556 = tpu.memref_squeeze %dma_wait3A_555 : memref<1x1x8x128xi32, #tpu.memory_space<hbm>> -> memref<8x128xi32, #tpu.memory_space<hbm>>
    tpu.wait_dma2 semaphore(%arg9 : memref<!tpu.dma_semaphore, #tpu.memory_space<semaphore_mem>>) src(%dma_wait3A_556 : memref<8x128xi32, #tpu.memory_space<hbm>>) dst(%dma_wait3A_552 : memref<8x128xi32, #tpu.memory_space<vmem>>)
    %dma_wait3A_557 = arith.constant 6 : i32
    %dma_wait3A_558 = arith.constant 6 : i32
    %dma_wait3A_559 = arith.constant 0 : i32
    %dma_wait3A_560 = arith.constant 0 : i32
    %dma_wait3A_561 = tpu.memref_slice %arg5[%dma_wait3A_558, %dma_wait3A_559, %dma_wait3A_560] : memref<25x8x128xi32, #tpu.memory_space<vmem>> -> memref<1x8x128xi32, #tpu.memory_space<vmem>>
    %dma_wait3A_562 = tpu.memref_squeeze %dma_wait3A_561 : memref<1x8x128xi32, #tpu.memory_space<vmem>> -> memref<8x128xi32, #tpu.memory_space<vmem>>
    %dma_wait3A_563 = arith.constant 0 : i32
    %dma_wait3A_564 = arith.constant 0 : i32
    %dma_wait3A_565 = tpu.memref_slice %arg2[%dma_wait3A_557, %add3A, %dma_wait3A_563, %dma_wait3A_564] : memref<25x32x8x128xi32, #tpu.memory_space<hbm>> -> memref<1x1x8x128xi32, #tpu.memory_space<hbm>>
    %dma_wait3A_566 = tpu.memref_squeeze %dma_wait3A_565 : memref<1x1x8x128xi32, #tpu.memory_space<hbm>> -> memref<8x128xi32, #tpu.memory_space<hbm>>
    %dma_wait3A_567 = arith.constant 0 : i32
    %dma_wait3A_568 = arith.constant 0 : i32
    %dma_wait3A_569 = tpu.memref_slice %arg5[%dma_wait3A_558, %dma_wait3A_567, %dma_wait3A_568] : memref<25x8x128xi32, #tpu.memory_space<vmem>> -> memref<1x8x128xi32, #tpu.memory_space<vmem>>
    %dma_wait3A_570 = tpu.memref_squeeze %dma_wait3A_569 : memref<1x8x128xi32, #tpu.memory_space<vmem>> -> memref<8x128xi32, #tpu.memory_space<vmem>>
    %dma_wait3A_571 = arith.constant 0 : i32
    %dma_wait3A_572 = arith.constant 0 : i32
    %dma_wait3A_573 = tpu.memref_slice %arg2[%dma_wait3A_557, %add3A, %dma_wait3A_571, %dma_wait3A_572] : memref<25x32x8x128xi32, #tpu.memory_space<hbm>> -> memref<1x1x8x128xi32, #tpu.memory_space<hbm>>
    %dma_wait3A_574 = tpu.memref_squeeze %dma_wait3A_573 : memref<1x1x8x128xi32, #tpu.memory_space<hbm>> -> memref<8x128xi32, #tpu.memory_space<hbm>>
    tpu.wait_dma2 semaphore(%arg9 : memref<!tpu.dma_semaphore, #tpu.memory_space<semaphore_mem>>) src(%dma_wait3A_574 : memref<8x128xi32, #tpu.memory_space<hbm>>) dst(%dma_wait3A_570 : memref<8x128xi32, #tpu.memory_space<vmem>>)
    %dma_wait3A_575 = arith.constant 7 : i32
    %dma_wait3A_576 = arith.constant 7 : i32
    %dma_wait3A_577 = arith.constant 0 : i32
    %dma_wait3A_578 = arith.constant 0 : i32
    %dma_wait3A_579 = tpu.memref_slice %arg5[%dma_wait3A_576, %dma_wait3A_577, %dma_wait3A_578] : memref<25x8x128xi32, #tpu.memory_space<vmem>> -> memref<1x8x128xi32, #tpu.memory_space<vmem>>
    %dma_wait3A_580 = tpu.memref_squeeze %dma_wait3A_579 : memref<1x8x128xi32, #tpu.memory_space<vmem>> -> memref<8x128xi32, #tpu.memory_space<vmem>>
    %dma_wait3A_581 = arith.constant 0 : i32
    %dma_wait3A_582 = arith.constant 0 : i32
    %dma_wait3A_583 = tpu.memref_slice %arg2[%dma_wait3A_575, %add3A, %dma_wait3A_581, %dma_wait3A_582] : memref<25x32x8x128xi32, #tpu.memory_space<hbm>> -> memref<1x1x8x128xi32, #tpu.memory_space<hbm>>
    %dma_wait3A_584 = tpu.memref_squeeze %dma_wait3A_583 : memref<1x1x8x128xi32, #tpu.memory_space<hbm>> -> memref<8x128xi32, #tpu.memory_space<hbm>>
    %dma_wait3A_585 = arith.constant 0 : i32
    %dma_wait3A_586 = arith.constant 0 : i32
    %dma_wait3A_587 = tpu.memref_slice %arg5[%dma_wait3A_576, %dma_wait3A_585, %dma_wait3A_586] : memref<25x8x128xi32, #tpu.memory_space<vmem>> -> memref<1x8x128xi32, #tpu.memory_space<vmem>>
    %dma_wait3A_588 = tpu.memref_squeeze %dma_wait3A_587 : memref<1x8x128xi32, #tpu.memory_space<vmem>> -> memref<8x128xi32, #tpu.memory_space<vmem>>
    %dma_wait3A_589 = arith.constant 0 : i32
    %dma_wait3A_590 = arith.constant 0 : i32
    %dma_wait3A_591 = tpu.memref_slice %arg2[%dma_wait3A_575, %add3A, %dma_wait3A_589, %dma_wait3A_590] : memref<25x32x8x128xi32, #tpu.memory_space<hbm>> -> memref<1x1x8x128xi32, #tpu.memory_space<hbm>>
    %dma_wait3A_592 = tpu.memref_squeeze %dma_wait3A_591 : memref<1x1x8x128xi32, #tpu.memory_space<hbm>> -> memref<8x128xi32, #tpu.memory_space<hbm>>
    tpu.wait_dma2 semaphore(%arg9 : memref<!tpu.dma_semaphore, #tpu.memory_space<semaphore_mem>>) src(%dma_wait3A_592 : memref<8x128xi32, #tpu.memory_space<hbm>>) dst(%dma_wait3A_588 : memref<8x128xi32, #tpu.memory_space<vmem>>)
    %dma_wait3A_593 = arith.constant 8 : i32
    %dma_wait3A_594 = arith.constant 8 : i32
    %dma_wait3A_595 = arith.constant 0 : i32
    %dma_wait3A_596 = arith.constant 0 : i32
    %dma_wait3A_597 = tpu.memref_slice %arg5[%dma_wait3A_594, %dma_wait3A_595, %dma_wait3A_596] : memref<25x8x128xi32, #tpu.memory_space<vmem>> -> memref<1x8x128xi32, #tpu.memory_space<vmem>>
    %dma_wait3A_598 = tpu.memref_squeeze %dma_wait3A_597 : memref<1x8x128xi32, #tpu.memory_space<vmem>> -> memref<8x128xi32, #tpu.memory_space<vmem>>
    %dma_wait3A_599 = arith.constant 0 : i32
    %dma_wait3A_600 = arith.constant 0 : i32
    %dma_wait3A_601 = tpu.memref_slice %arg2[%dma_wait3A_593, %add3A, %dma_wait3A_599, %dma_wait3A_600] : memref<25x32x8x128xi32, #tpu.memory_space<hbm>> -> memref<1x1x8x128xi32, #tpu.memory_space<hbm>>
    %dma_wait3A_602 = tpu.memref_squeeze %dma_wait3A_601 : memref<1x1x8x128xi32, #tpu.memory_space<hbm>> -> memref<8x128xi32, #tpu.memory_space<hbm>>
    %dma_wait3A_603 = arith.constant 0 : i32
    %dma_wait3A_604 = arith.constant 0 : i32
    %dma_wait3A_605 = tpu.memref_slice %arg5[%dma_wait3A_594, %dma_wait3A_603, %dma_wait3A_604] : memref<25x8x128xi32, #tpu.memory_space<vmem>> -> memref<1x8x128xi32, #tpu.memory_space<vmem>>
    %dma_wait3A_606 = tpu.memref_squeeze %dma_wait3A_605 : memref<1x8x128xi32, #tpu.memory_space<vmem>> -> memref<8x128xi32, #tpu.memory_space<vmem>>
    %dma_wait3A_607 = arith.constant 0 : i32
    %dma_wait3A_608 = arith.constant 0 : i32
    %dma_wait3A_609 = tpu.memref_slice %arg2[%dma_wait3A_593, %add3A, %dma_wait3A_607, %dma_wait3A_608] : memref<25x32x8x128xi32, #tpu.memory_space<hbm>> -> memref<1x1x8x128xi32, #tpu.memory_space<hbm>>
    %dma_wait3A_610 = tpu.memref_squeeze %dma_wait3A_609 : memref<1x1x8x128xi32, #tpu.memory_space<hbm>> -> memref<8x128xi32, #tpu.memory_space<hbm>>
    tpu.wait_dma2 semaphore(%arg9 : memref<!tpu.dma_semaphore, #tpu.memory_space<semaphore_mem>>) src(%dma_wait3A_610 : memref<8x128xi32, #tpu.memory_space<hbm>>) dst(%dma_wait3A_606 : memref<8x128xi32, #tpu.memory_space<vmem>>)
    %dma_wait3A_611 = arith.constant 9 : i32
    %dma_wait3A_612 = arith.constant 9 : i32
    %dma_wait3A_613 = arith.constant 0 : i32
    %dma_wait3A_614 = arith.constant 0 : i32
    %dma_wait3A_615 = tpu.memref_slice %arg5[%dma_wait3A_612, %dma_wait3A_613, %dma_wait3A_614] : memref<25x8x128xi32, #tpu.memory_space<vmem>> -> memref<1x8x128xi32, #tpu.memory_space<vmem>>
    %dma_wait3A_616 = tpu.memref_squeeze %dma_wait3A_615 : memref<1x8x128xi32, #tpu.memory_space<vmem>> -> memref<8x128xi32, #tpu.memory_space<vmem>>
    %dma_wait3A_617 = arith.constant 0 : i32
    %dma_wait3A_618 = arith.constant 0 : i32
    %dma_wait3A_619 = tpu.memref_slice %arg2[%dma_wait3A_611, %add3A, %dma_wait3A_617, %dma_wait3A_618] : memref<25x32x8x128xi32, #tpu.memory_space<hbm>> -> memref<1x1x8x128xi32, #tpu.memory_space<hbm>>
    %dma_wait3A_620 = tpu.memref_squeeze %dma_wait3A_619 : memref<1x1x8x128xi32, #tpu.memory_space<hbm>> -> memref<8x128xi32, #tpu.memory_space<hbm>>
    %dma_wait3A_621 = arith.constant 0 : i32
    %dma_wait3A_622 = arith.constant 0 : i32
    %dma_wait3A_623 = tpu.memref_slice %arg5[%dma_wait3A_612, %dma_wait3A_621, %dma_wait3A_622] : memref<25x8x128xi32, #tpu.memory_space<vmem>> -> memref<1x8x128xi32, #tpu.memory_space<vmem>>
    %dma_wait3A_624 = tpu.memref_squeeze %dma_wait3A_623 : memref<1x8x128xi32, #tpu.memory_space<vmem>> -> memref<8x128xi32, #tpu.memory_space<vmem>>
    %dma_wait3A_625 = arith.constant 0 : i32
    %dma_wait3A_626 = arith.constant 0 : i32
    %dma_wait3A_627 = tpu.memref_slice %arg2[%dma_wait3A_611, %add3A, %dma_wait3A_625, %dma_wait3A_626] : memref<25x32x8x128xi32, #tpu.memory_space<hbm>> -> memref<1x1x8x128xi32, #tpu.memory_space<hbm>>
    %dma_wait3A_628 = tpu.memref_squeeze %dma_wait3A_627 : memref<1x1x8x128xi32, #tpu.memory_space<hbm>> -> memref<8x128xi32, #tpu.memory_space<hbm>>
    tpu.wait_dma2 semaphore(%arg9 : memref<!tpu.dma_semaphore, #tpu.memory_space<semaphore_mem>>) src(%dma_wait3A_628 : memref<8x128xi32, #tpu.memory_space<hbm>>) dst(%dma_wait3A_624 : memref<8x128xi32, #tpu.memory_space<vmem>>)
    %dma_wait3A_629 = arith.constant 10 : i32
    %dma_wait3A_630 = arith.constant 10 : i32
    %dma_wait3A_631 = arith.constant 0 : i32
    %dma_wait3A_632 = arith.constant 0 : i32
    %dma_wait3A_633 = tpu.memref_slice %arg5[%dma_wait3A_630, %dma_wait3A_631, %dma_wait3A_632] : memref<25x8x128xi32, #tpu.memory_space<vmem>> -> memref<1x8x128xi32, #tpu.memory_space<vmem>>
    %dma_wait3A_634 = tpu.memref_squeeze %dma_wait3A_633 : memref<1x8x128xi32, #tpu.memory_space<vmem>> -> memref<8x128xi32, #tpu.memory_space<vmem>>
    %dma_wait3A_635 = arith.constant 0 : i32
    %dma_wait3A_636 = arith.constant 0 : i32
    %dma_wait3A_637 = tpu.memref_slice %arg2[%dma_wait3A_629, %add3A, %dma_wait3A_635, %dma_wait3A_636] : memref<25x32x8x128xi32, #tpu.memory_space<hbm>> -> memref<1x1x8x128xi32, #tpu.memory_space<hbm>>
    %dma_wait3A_638 = tpu.memref_squeeze %dma_wait3A_637 : memref<1x1x8x128xi32, #tpu.memory_space<hbm>> -> memref<8x128xi32, #tpu.memory_space<hbm>>
    %dma_wait3A_639 = arith.constant 0 : i32
    %dma_wait3A_640 = arith.constant 0 : i32
    %dma_wait3A_641 = tpu.memref_slice %arg5[%dma_wait3A_630, %dma_wait3A_639, %dma_wait3A_640] : memref<25x8x128xi32, #tpu.memory_space<vmem>> -> memref<1x8x128xi32, #tpu.memory_space<vmem>>
    %dma_wait3A_642 = tpu.memref_squeeze %dma_wait3A_641 : memref<1x8x128xi32, #tpu.memory_space<vmem>> -> memref<8x128xi32, #tpu.memory_space<vmem>>
    %dma_wait3A_643 = arith.constant 0 : i32
    %dma_wait3A_644 = arith.constant 0 : i32
    %dma_wait3A_645 = tpu.memref_slice %arg2[%dma_wait3A_629, %add3A, %dma_wait3A_643, %dma_wait3A_644] : memref<25x32x8x128xi32, #tpu.memory_space<hbm>> -> memref<1x1x8x128xi32, #tpu.memory_space<hbm>>
    %dma_wait3A_646 = tpu.memref_squeeze %dma_wait3A_645 : memref<1x1x8x128xi32, #tpu.memory_space<hbm>> -> memref<8x128xi32, #tpu.memory_space<hbm>>
    tpu.wait_dma2 semaphore(%arg9 : memref<!tpu.dma_semaphore, #tpu.memory_space<semaphore_mem>>) src(%dma_wait3A_646 : memref<8x128xi32, #tpu.memory_space<hbm>>) dst(%dma_wait3A_642 : memref<8x128xi32, #tpu.memory_space<vmem>>)
    %dma_wait3A_647 = arith.constant 11 : i32
    %dma_wait3A_648 = arith.constant 11 : i32
    %dma_wait3A_649 = arith.constant 0 : i32
    %dma_wait3A_650 = arith.constant 0 : i32
    %dma_wait3A_651 = tpu.memref_slice %arg5[%dma_wait3A_648, %dma_wait3A_649, %dma_wait3A_650] : memref<25x8x128xi32, #tpu.memory_space<vmem>> -> memref<1x8x128xi32, #tpu.memory_space<vmem>>
    %dma_wait3A_652 = tpu.memref_squeeze %dma_wait3A_651 : memref<1x8x128xi32, #tpu.memory_space<vmem>> -> memref<8x128xi32, #tpu.memory_space<vmem>>
    %dma_wait3A_653 = arith.constant 0 : i32
    %dma_wait3A_654 = arith.constant 0 : i32
    %dma_wait3A_655 = tpu.memref_slice %arg2[%dma_wait3A_647, %add3A, %dma_wait3A_653, %dma_wait3A_654] : memref<25x32x8x128xi32, #tpu.memory_space<hbm>> -> memref<1x1x8x128xi32, #tpu.memory_space<hbm>>
    %dma_wait3A_656 = tpu.memref_squeeze %dma_wait3A_655 : memref<1x1x8x128xi32, #tpu.memory_space<hbm>> -> memref<8x128xi32, #tpu.memory_space<hbm>>
    %dma_wait3A_657 = arith.constant 0 : i32
    %dma_wait3A_658 = arith.constant 0 : i32
    %dma_wait3A_659 = tpu.memref_slice %arg5[%dma_wait3A_648, %dma_wait3A_657, %dma_wait3A_658] : memref<25x8x128xi32, #tpu.memory_space<vmem>> -> memref<1x8x128xi32, #tpu.memory_space<vmem>>
    %dma_wait3A_660 = tpu.memref_squeeze %dma_wait3A_659 : memref<1x8x128xi32, #tpu.memory_space<vmem>> -> memref<8x128xi32, #tpu.memory_space<vmem>>
    %dma_wait3A_661 = arith.constant 0 : i32
    %dma_wait3A_662 = arith.constant 0 : i32
    %dma_wait3A_663 = tpu.memref_slice %arg2[%dma_wait3A_647, %add3A, %dma_wait3A_661, %dma_wait3A_662] : memref<25x32x8x128xi32, #tpu.memory_space<hbm>> -> memref<1x1x8x128xi32, #tpu.memory_space<hbm>>
    %dma_wait3A_664 = tpu.memref_squeeze %dma_wait3A_663 : memref<1x1x8x128xi32, #tpu.memory_space<hbm>> -> memref<8x128xi32, #tpu.memory_space<hbm>>
    tpu.wait_dma2 semaphore(%arg9 : memref<!tpu.dma_semaphore, #tpu.memory_space<semaphore_mem>>) src(%dma_wait3A_664 : memref<8x128xi32, #tpu.memory_space<hbm>>) dst(%dma_wait3A_660 : memref<8x128xi32, #tpu.memory_space<vmem>>)
    %dma_wait3A_665 = arith.constant 12 : i32
    %dma_wait3A_666 = arith.constant 12 : i32
    %dma_wait3A_667 = arith.constant 0 : i32
    %dma_wait3A_668 = arith.constant 0 : i32
    %dma_wait3A_669 = tpu.memref_slice %arg5[%dma_wait3A_666, %dma_wait3A_667, %dma_wait3A_668] : memref<25x8x128xi32, #tpu.memory_space<vmem>> -> memref<1x8x128xi32, #tpu.memory_space<vmem>>
    %dma_wait3A_670 = tpu.memref_squeeze %dma_wait3A_669 : memref<1x8x128xi32, #tpu.memory_space<vmem>> -> memref<8x128xi32, #tpu.memory_space<vmem>>
    %dma_wait3A_671 = arith.constant 0 : i32
    %dma_wait3A_672 = arith.constant 0 : i32
    %dma_wait3A_673 = tpu.memref_slice %arg2[%dma_wait3A_665, %add3A, %dma_wait3A_671, %dma_wait3A_672] : memref<25x32x8x128xi32, #tpu.memory_space<hbm>> -> memref<1x1x8x128xi32, #tpu.memory_space<hbm>>
    %dma_wait3A_674 = tpu.memref_squeeze %dma_wait3A_673 : memref<1x1x8x128xi32, #tpu.memory_space<hbm>> -> memref<8x128xi32, #tpu.memory_space<hbm>>
    %dma_wait3A_675 = arith.constant 0 : i32
    %dma_wait3A_676 = arith.constant 0 : i32
    %dma_wait3A_677 = tpu.memref_slice %arg5[%dma_wait3A_666, %dma_wait3A_675, %dma_wait3A_676] : memref<25x8x128xi32, #tpu.memory_space<vmem>> -> memref<1x8x128xi32, #tpu.memory_space<vmem>>
    %dma_wait3A_678 = tpu.memref_squeeze %dma_wait3A_677 : memref<1x8x128xi32, #tpu.memory_space<vmem>> -> memref<8x128xi32, #tpu.memory_space<vmem>>
    %dma_wait3A_679 = arith.constant 0 : i32
    %dma_wait3A_680 = arith.constant 0 : i32
    %dma_wait3A_681 = tpu.memref_slice %arg2[%dma_wait3A_665, %add3A, %dma_wait3A_679, %dma_wait3A_680] : memref<25x32x8x128xi32, #tpu.memory_space<hbm>> -> memref<1x1x8x128xi32, #tpu.memory_space<hbm>>
    %dma_wait3A_682 = tpu.memref_squeeze %dma_wait3A_681 : memref<1x1x8x128xi32, #tpu.memory_space<hbm>> -> memref<8x128xi32, #tpu.memory_space<hbm>>
    tpu.wait_dma2 semaphore(%arg9 : memref<!tpu.dma_semaphore, #tpu.memory_space<semaphore_mem>>) src(%dma_wait3A_682 : memref<8x128xi32, #tpu.memory_space<hbm>>) dst(%dma_wait3A_678 : memref<8x128xi32, #tpu.memory_space<vmem>>)
    %dma_wait3A_683 = arith.constant 13 : i32
    %dma_wait3A_684 = arith.constant 13 : i32
    %dma_wait3A_685 = arith.constant 0 : i32
    %dma_wait3A_686 = arith.constant 0 : i32
    %dma_wait3A_687 = tpu.memref_slice %arg5[%dma_wait3A_684, %dma_wait3A_685, %dma_wait3A_686] : memref<25x8x128xi32, #tpu.memory_space<vmem>> -> memref<1x8x128xi32, #tpu.memory_space<vmem>>
    %dma_wait3A_688 = tpu.memref_squeeze %dma_wait3A_687 : memref<1x8x128xi32, #tpu.memory_space<vmem>> -> memref<8x128xi32, #tpu.memory_space<vmem>>
    %dma_wait3A_689 = arith.constant 0 : i32
    %dma_wait3A_690 = arith.constant 0 : i32
    %dma_wait3A_691 = tpu.memref_slice %arg2[%dma_wait3A_683, %add3A, %dma_wait3A_689, %dma_wait3A_690] : memref<25x32x8x128xi32, #tpu.memory_space<hbm>> -> memref<1x1x8x128xi32, #tpu.memory_space<hbm>>
    %dma_wait3A_692 = tpu.memref_squeeze %dma_wait3A_691 : memref<1x1x8x128xi32, #tpu.memory_space<hbm>> -> memref<8x128xi32, #tpu.memory_space<hbm>>
    %dma_wait3A_693 = arith.constant 0 : i32
    %dma_wait3A_694 = arith.constant 0 : i32
    %dma_wait3A_695 = tpu.memref_slice %arg5[%dma_wait3A_684, %dma_wait3A_693, %dma_wait3A_694] : memref<25x8x128xi32, #tpu.memory_space<vmem>> -> memref<1x8x128xi32, #tpu.memory_space<vmem>>
    %dma_wait3A_696 = tpu.memref_squeeze %dma_wait3A_695 : memref<1x8x128xi32, #tpu.memory_space<vmem>> -> memref<8x128xi32, #tpu.memory_space<vmem>>
    %dma_wait3A_697 = arith.constant 0 : i32
    %dma_wait3A_698 = arith.constant 0 : i32
    %dma_wait3A_699 = tpu.memref_slice %arg2[%dma_wait3A_683, %add3A, %dma_wait3A_697, %dma_wait3A_698] : memref<25x32x8x128xi32, #tpu.memory_space<hbm>> -> memref<1x1x8x128xi32, #tpu.memory_space<hbm>>
    %dma_wait3A_700 = tpu.memref_squeeze %dma_wait3A_699 : memref<1x1x8x128xi32, #tpu.memory_space<hbm>> -> memref<8x128xi32, #tpu.memory_space<hbm>>
    tpu.wait_dma2 semaphore(%arg9 : memref<!tpu.dma_semaphore, #tpu.memory_space<semaphore_mem>>) src(%dma_wait3A_700 : memref<8x128xi32, #tpu.memory_space<hbm>>) dst(%dma_wait3A_696 : memref<8x128xi32, #tpu.memory_space<vmem>>)
    %dma_wait3A_701 = arith.constant 14 : i32
    %dma_wait3A_702 = arith.constant 14 : i32
    %dma_wait3A_703 = arith.constant 0 : i32
    %dma_wait3A_704 = arith.constant 0 : i32
    %dma_wait3A_705 = tpu.memref_slice %arg5[%dma_wait3A_702, %dma_wait3A_703, %dma_wait3A_704] : memref<25x8x128xi32, #tpu.memory_space<vmem>> -> memref<1x8x128xi32, #tpu.memory_space<vmem>>
    %dma_wait3A_706 = tpu.memref_squeeze %dma_wait3A_705 : memref<1x8x128xi32, #tpu.memory_space<vmem>> -> memref<8x128xi32, #tpu.memory_space<vmem>>
    %dma_wait3A_707 = arith.constant 0 : i32
    %dma_wait3A_708 = arith.constant 0 : i32
    %dma_wait3A_709 = tpu.memref_slice %arg2[%dma_wait3A_701, %add3A, %dma_wait3A_707, %dma_wait3A_708] : memref<25x32x8x128xi32, #tpu.memory_space<hbm>> -> memref<1x1x8x128xi32, #tpu.memory_space<hbm>>
    %dma_wait3A_710 = tpu.memref_squeeze %dma_wait3A_709 : memref<1x1x8x128xi32, #tpu.memory_space<hbm>> -> memref<8x128xi32, #tpu.memory_space<hbm>>
    %dma_wait3A_711 = arith.constant 0 : i32
    %dma_wait3A_712 = arith.constant 0 : i32
    %dma_wait3A_713 = tpu.memref_slice %arg5[%dma_wait3A_702, %dma_wait3A_711, %dma_wait3A_712] : memref<25x8x128xi32, #tpu.memory_space<vmem>> -> memref<1x8x128xi32, #tpu.memory_space<vmem>>
    %dma_wait3A_714 = tpu.memref_squeeze %dma_wait3A_713 : memref<1x8x128xi32, #tpu.memory_space<vmem>> -> memref<8x128xi32, #tpu.memory_space<vmem>>
    %dma_wait3A_715 = arith.constant 0 : i32
    %dma_wait3A_716 = arith.constant 0 : i32
    %dma_wait3A_717 = tpu.memref_slice %arg2[%dma_wait3A_701, %add3A, %dma_wait3A_715, %dma_wait3A_716] : memref<25x32x8x128xi32, #tpu.memory_space<hbm>> -> memref<1x1x8x128xi32, #tpu.memory_space<hbm>>
    %dma_wait3A_718 = tpu.memref_squeeze %dma_wait3A_717 : memref<1x1x8x128xi32, #tpu.memory_space<hbm>> -> memref<8x128xi32, #tpu.memory_space<hbm>>
    tpu.wait_dma2 semaphore(%arg9 : memref<!tpu.dma_semaphore, #tpu.memory_space<semaphore_mem>>) src(%dma_wait3A_718 : memref<8x128xi32, #tpu.memory_space<hbm>>) dst(%dma_wait3A_714 : memref<8x128xi32, #tpu.memory_space<vmem>>)
    %dma_wait3A_719 = arith.constant 15 : i32
    %dma_wait3A_720 = arith.constant 15 : i32
    %dma_wait3A_721 = arith.constant 0 : i32
    %dma_wait3A_722 = arith.constant 0 : i32
    %dma_wait3A_723 = tpu.memref_slice %arg5[%dma_wait3A_720, %dma_wait3A_721, %dma_wait3A_722] : memref<25x8x128xi32, #tpu.memory_space<vmem>> -> memref<1x8x128xi32, #tpu.memory_space<vmem>>
    %dma_wait3A_724 = tpu.memref_squeeze %dma_wait3A_723 : memref<1x8x128xi32, #tpu.memory_space<vmem>> -> memref<8x128xi32, #tpu.memory_space<vmem>>
    %dma_wait3A_725 = arith.constant 0 : i32
    %dma_wait3A_726 = arith.constant 0 : i32
    %dma_wait3A_727 = tpu.memref_slice %arg2[%dma_wait3A_719, %add3A, %dma_wait3A_725, %dma_wait3A_726] : memref<25x32x8x128xi32, #tpu.memory_space<hbm>> -> memref<1x1x8x128xi32, #tpu.memory_space<hbm>>
    %dma_wait3A_728 = tpu.memref_squeeze %dma_wait3A_727 : memref<1x1x8x128xi32, #tpu.memory_space<hbm>> -> memref<8x128xi32, #tpu.memory_space<hbm>>
    %dma_wait3A_729 = arith.constant 0 : i32
    %dma_wait3A_730 = arith.constant 0 : i32
    %dma_wait3A_731 = tpu.memref_slice %arg5[%dma_wait3A_720, %dma_wait3A_729, %dma_wait3A_730] : memref<25x8x128xi32, #tpu.memory_space<vmem>> -> memref<1x8x128xi32, #tpu.memory_space<vmem>>
    %dma_wait3A_732 = tpu.memref_squeeze %dma_wait3A_731 : memref<1x8x128xi32, #tpu.memory_space<vmem>> -> memref<8x128xi32, #tpu.memory_space<vmem>>
    %dma_wait3A_733 = arith.constant 0 : i32
    %dma_wait3A_734 = arith.constant 0 : i32
    %dma_wait3A_735 = tpu.memref_slice %arg2[%dma_wait3A_719, %add3A, %dma_wait3A_733, %dma_wait3A_734] : memref<25x32x8x128xi32, #tpu.memory_space<hbm>> -> memref<1x1x8x128xi32, #tpu.memory_space<hbm>>
    %dma_wait3A_736 = tpu.memref_squeeze %dma_wait3A_735 : memref<1x1x8x128xi32, #tpu.memory_space<hbm>> -> memref<8x128xi32, #tpu.memory_space<hbm>>
    tpu.wait_dma2 semaphore(%arg9 : memref<!tpu.dma_semaphore, #tpu.memory_space<semaphore_mem>>) src(%dma_wait3A_736 : memref<8x128xi32, #tpu.memory_space<hbm>>) dst(%dma_wait3A_732 : memref<8x128xi32, #tpu.memory_space<vmem>>)
    %dma_wait3A_737 = arith.constant 16 : i32
    %dma_wait3A_738 = arith.constant 16 : i32
    %dma_wait3A_739 = arith.constant 0 : i32
    %dma_wait3A_740 = arith.constant 0 : i32
    %dma_wait3A_741 = tpu.memref_slice %arg5[%dma_wait3A_738, %dma_wait3A_739, %dma_wait3A_740] : memref<25x8x128xi32, #tpu.memory_space<vmem>> -> memref<1x8x128xi32, #tpu.memory_space<vmem>>
    %dma_wait3A_742 = tpu.memref_squeeze %dma_wait3A_741 : memref<1x8x128xi32, #tpu.memory_space<vmem>> -> memref<8x128xi32, #tpu.memory_space<vmem>>
    %dma_wait3A_743 = arith.constant 0 : i32
    %dma_wait3A_744 = arith.constant 0 : i32
    %dma_wait3A_745 = tpu.memref_slice %arg2[%dma_wait3A_737, %add3A, %dma_wait3A_743, %dma_wait3A_744] : memref<25x32x8x128xi32, #tpu.memory_space<hbm>> -> memref<1x1x8x128xi32, #tpu.memory_space<hbm>>
    %dma_wait3A_746 = tpu.memref_squeeze %dma_wait3A_745 : memref<1x1x8x128xi32, #tpu.memory_space<hbm>> -> memref<8x128xi32, #tpu.memory_space<hbm>>
    %dma_wait3A_747 = arith.constant 0 : i32
    %dma_wait3A_748 = arith.constant 0 : i32
    %dma_wait3A_749 = tpu.memref_slice %arg5[%dma_wait3A_738, %dma_wait3A_747, %dma_wait3A_748] : memref<25x8x128xi32, #tpu.memory_space<vmem>> -> memref<1x8x128xi32, #tpu.memory_space<vmem>>
    %dma_wait3A_750 = tpu.memref_squeeze %dma_wait3A_749 : memref<1x8x128xi32, #tpu.memory_space<vmem>> -> memref<8x128xi32, #tpu.memory_space<vmem>>
    %dma_wait3A_751 = arith.constant 0 : i32
    %dma_wait3A_752 = arith.constant 0 : i32
    %dma_wait3A_753 = tpu.memref_slice %arg2[%dma_wait3A_737, %add3A, %dma_wait3A_751, %dma_wait3A_752] : memref<25x32x8x128xi32, #tpu.memory_space<hbm>> -> memref<1x1x8x128xi32, #tpu.memory_space<hbm>>
    %dma_wait3A_754 = tpu.memref_squeeze %dma_wait3A_753 : memref<1x1x8x128xi32, #tpu.memory_space<hbm>> -> memref<8x128xi32, #tpu.memory_space<hbm>>
    tpu.wait_dma2 semaphore(%arg9 : memref<!tpu.dma_semaphore, #tpu.memory_space<semaphore_mem>>) src(%dma_wait3A_754 : memref<8x128xi32, #tpu.memory_space<hbm>>) dst(%dma_wait3A_750 : memref<8x128xi32, #tpu.memory_space<vmem>>)
    %dma_wait3A_755 = arith.constant 17 : i32
    %dma_wait3A_756 = arith.constant 17 : i32
    %dma_wait3A_757 = arith.constant 0 : i32
    %dma_wait3A_758 = arith.constant 0 : i32
    %dma_wait3A_759 = tpu.memref_slice %arg5[%dma_wait3A_756, %dma_wait3A_757, %dma_wait3A_758] : memref<25x8x128xi32, #tpu.memory_space<vmem>> -> memref<1x8x128xi32, #tpu.memory_space<vmem>>
    %dma_wait3A_760 = tpu.memref_squeeze %dma_wait3A_759 : memref<1x8x128xi32, #tpu.memory_space<vmem>> -> memref<8x128xi32, #tpu.memory_space<vmem>>
    %dma_wait3A_761 = arith.constant 0 : i32
    %dma_wait3A_762 = arith.constant 0 : i32
    %dma_wait3A_763 = tpu.memref_slice %arg2[%dma_wait3A_755, %add3A, %dma_wait3A_761, %dma_wait3A_762] : memref<25x32x8x128xi32, #tpu.memory_space<hbm>> -> memref<1x1x8x128xi32, #tpu.memory_space<hbm>>
    %dma_wait3A_764 = tpu.memref_squeeze %dma_wait3A_763 : memref<1x1x8x128xi32, #tpu.memory_space<hbm>> -> memref<8x128xi32, #tpu.memory_space<hbm>>
    %dma_wait3A_765 = arith.constant 0 : i32
    %dma_wait3A_766 = arith.constant 0 : i32
    %dma_wait3A_767 = tpu.memref_slice %arg5[%dma_wait3A_756, %dma_wait3A_765, %dma_wait3A_766] : memref<25x8x128xi32, #tpu.memory_space<vmem>> -> memref<1x8x128xi32, #tpu.memory_space<vmem>>
    %dma_wait3A_768 = tpu.memref_squeeze %dma_wait3A_767 : memref<1x8x128xi32, #tpu.memory_space<vmem>> -> memref<8x128xi32, #tpu.memory_space<vmem>>
    %dma_wait3A_769 = arith.constant 0 : i32
    %dma_wait3A_770 = arith.constant 0 : i32
    %dma_wait3A_771 = tpu.memref_slice %arg2[%dma_wait3A_755, %add3A, %dma_wait3A_769, %dma_wait3A_770] : memref<25x32x8x128xi32, #tpu.memory_space<hbm>> -> memref<1x1x8x128xi32, #tpu.memory_space<hbm>>
    %dma_wait3A_772 = tpu.memref_squeeze %dma_wait3A_771 : memref<1x1x8x128xi32, #tpu.memory_space<hbm>> -> memref<8x128xi32, #tpu.memory_space<hbm>>
    tpu.wait_dma2 semaphore(%arg9 : memref<!tpu.dma_semaphore, #tpu.memory_space<semaphore_mem>>) src(%dma_wait3A_772 : memref<8x128xi32, #tpu.memory_space<hbm>>) dst(%dma_wait3A_768 : memref<8x128xi32, #tpu.memory_space<vmem>>)
    %dma_wait3A_773 = arith.constant 18 : i32
    %dma_wait3A_774 = arith.constant 18 : i32
    %dma_wait3A_775 = arith.constant 0 : i32
    %dma_wait3A_776 = arith.constant 0 : i32
    %dma_wait3A_777 = tpu.memref_slice %arg5[%dma_wait3A_774, %dma_wait3A_775, %dma_wait3A_776] : memref<25x8x128xi32, #tpu.memory_space<vmem>> -> memref<1x8x128xi32, #tpu.memory_space<vmem>>
    %dma_wait3A_778 = tpu.memref_squeeze %dma_wait3A_777 : memref<1x8x128xi32, #tpu.memory_space<vmem>> -> memref<8x128xi32, #tpu.memory_space<vmem>>
    %dma_wait3A_779 = arith.constant 0 : i32
    %dma_wait3A_780 = arith.constant 0 : i32
    %dma_wait3A_781 = tpu.memref_slice %arg2[%dma_wait3A_773, %add3A, %dma_wait3A_779, %dma_wait3A_780] : memref<25x32x8x128xi32, #tpu.memory_space<hbm>> -> memref<1x1x8x128xi32, #tpu.memory_space<hbm>>
    %dma_wait3A_782 = tpu.memref_squeeze %dma_wait3A_781 : memref<1x1x8x128xi32, #tpu.memory_space<hbm>> -> memref<8x128xi32, #tpu.memory_space<hbm>>
    %dma_wait3A_783 = arith.constant 0 : i32
    %dma_wait3A_784 = arith.constant 0 : i32
    %dma_wait3A_785 = tpu.memref_slice %arg5[%dma_wait3A_774, %dma_wait3A_783, %dma_wait3A_784] : memref<25x8x128xi32, #tpu.memory_space<vmem>> -> memref<1x8x128xi32, #tpu.memory_space<vmem>>
    %dma_wait3A_786 = tpu.memref_squeeze %dma_wait3A_785 : memref<1x8x128xi32, #tpu.memory_space<vmem>> -> memref<8x128xi32, #tpu.memory_space<vmem>>
    %dma_wait3A_787 = arith.constant 0 : i32
    %dma_wait3A_788 = arith.constant 0 : i32
    %dma_wait3A_789 = tpu.memref_slice %arg2[%dma_wait3A_773, %add3A, %dma_wait3A_787, %dma_wait3A_788] : memref<25x32x8x128xi32, #tpu.memory_space<hbm>> -> memref<1x1x8x128xi32, #tpu.memory_space<hbm>>
    %dma_wait3A_790 = tpu.memref_squeeze %dma_wait3A_789 : memref<1x1x8x128xi32, #tpu.memory_space<hbm>> -> memref<8x128xi32, #tpu.memory_space<hbm>>
    tpu.wait_dma2 semaphore(%arg9 : memref<!tpu.dma_semaphore, #tpu.memory_space<semaphore_mem>>) src(%dma_wait3A_790 : memref<8x128xi32, #tpu.memory_space<hbm>>) dst(%dma_wait3A_786 : memref<8x128xi32, #tpu.memory_space<vmem>>)
    %dma_wait3A_791 = arith.constant 19 : i32
    %dma_wait3A_792 = arith.constant 19 : i32
    %dma_wait3A_793 = arith.constant 0 : i32
    %dma_wait3A_794 = arith.constant 0 : i32
    %dma_wait3A_795 = tpu.memref_slice %arg5[%dma_wait3A_792, %dma_wait3A_793, %dma_wait3A_794] : memref<25x8x128xi32, #tpu.memory_space<vmem>> -> memref<1x8x128xi32, #tpu.memory_space<vmem>>
    %dma_wait3A_796 = tpu.memref_squeeze %dma_wait3A_795 : memref<1x8x128xi32, #tpu.memory_space<vmem>> -> memref<8x128xi32, #tpu.memory_space<vmem>>
    %dma_wait3A_797 = arith.constant 0 : i32
    %dma_wait3A_798 = arith.constant 0 : i32
    %dma_wait3A_799 = tpu.memref_slice %arg2[%dma_wait3A_791, %add3A, %dma_wait3A_797, %dma_wait3A_798] : memref<25x32x8x128xi32, #tpu.memory_space<hbm>> -> memref<1x1x8x128xi32, #tpu.memory_space<hbm>>
    %dma_wait3A_800 = tpu.memref_squeeze %dma_wait3A_799 : memref<1x1x8x128xi32, #tpu.memory_space<hbm>> -> memref<8x128xi32, #tpu.memory_space<hbm>>
    %dma_wait3A_801 = arith.constant 0 : i32
    %dma_wait3A_802 = arith.constant 0 : i32
    %dma_wait3A_803 = tpu.memref_slice %arg5[%dma_wait3A_792, %dma_wait3A_801, %dma_wait3A_802] : memref<25x8x128xi32, #tpu.memory_space<vmem>> -> memref<1x8x128xi32, #tpu.memory_space<vmem>>
    %dma_wait3A_804 = tpu.memref_squeeze %dma_wait3A_803 : memref<1x8x128xi32, #tpu.memory_space<vmem>> -> memref<8x128xi32, #tpu.memory_space<vmem>>
    %dma_wait3A_805 = arith.constant 0 : i32
    %dma_wait3A_806 = arith.constant 0 : i32
    %dma_wait3A_807 = tpu.memref_slice %arg2[%dma_wait3A_791, %add3A, %dma_wait3A_805, %dma_wait3A_806] : memref<25x32x8x128xi32, #tpu.memory_space<hbm>> -> memref<1x1x8x128xi32, #tpu.memory_space<hbm>>
    %dma_wait3A_808 = tpu.memref_squeeze %dma_wait3A_807 : memref<1x1x8x128xi32, #tpu.memory_space<hbm>> -> memref<8x128xi32, #tpu.memory_space<hbm>>
    tpu.wait_dma2 semaphore(%arg9 : memref<!tpu.dma_semaphore, #tpu.memory_space<semaphore_mem>>) src(%dma_wait3A_808 : memref<8x128xi32, #tpu.memory_space<hbm>>) dst(%dma_wait3A_804 : memref<8x128xi32, #tpu.memory_space<vmem>>)
    %dma_wait3A_809 = arith.constant 20 : i32
    %dma_wait3A_810 = arith.constant 20 : i32
    %dma_wait3A_811 = arith.constant 0 : i32
    %dma_wait3A_812 = arith.constant 0 : i32
    %dma_wait3A_813 = tpu.memref_slice %arg5[%dma_wait3A_810, %dma_wait3A_811, %dma_wait3A_812] : memref<25x8x128xi32, #tpu.memory_space<vmem>> -> memref<1x8x128xi32, #tpu.memory_space<vmem>>
    %dma_wait3A_814 = tpu.memref_squeeze %dma_wait3A_813 : memref<1x8x128xi32, #tpu.memory_space<vmem>> -> memref<8x128xi32, #tpu.memory_space<vmem>>
    %dma_wait3A_815 = arith.constant 0 : i32
    %dma_wait3A_816 = arith.constant 0 : i32
    %dma_wait3A_817 = tpu.memref_slice %arg2[%dma_wait3A_809, %add3A, %dma_wait3A_815, %dma_wait3A_816] : memref<25x32x8x128xi32, #tpu.memory_space<hbm>> -> memref<1x1x8x128xi32, #tpu.memory_space<hbm>>
    %dma_wait3A_818 = tpu.memref_squeeze %dma_wait3A_817 : memref<1x1x8x128xi32, #tpu.memory_space<hbm>> -> memref<8x128xi32, #tpu.memory_space<hbm>>
    %dma_wait3A_819 = arith.constant 0 : i32
    %dma_wait3A_820 = arith.constant 0 : i32
    %dma_wait3A_821 = tpu.memref_slice %arg5[%dma_wait3A_810, %dma_wait3A_819, %dma_wait3A_820] : memref<25x8x128xi32, #tpu.memory_space<vmem>> -> memref<1x8x128xi32, #tpu.memory_space<vmem>>
    %dma_wait3A_822 = tpu.memref_squeeze %dma_wait3A_821 : memref<1x8x128xi32, #tpu.memory_space<vmem>> -> memref<8x128xi32, #tpu.memory_space<vmem>>
    %dma_wait3A_823 = arith.constant 0 : i32
    %dma_wait3A_824 = arith.constant 0 : i32
    %dma_wait3A_825 = tpu.memref_slice %arg2[%dma_wait3A_809, %add3A, %dma_wait3A_823, %dma_wait3A_824] : memref<25x32x8x128xi32, #tpu.memory_space<hbm>> -> memref<1x1x8x128xi32, #tpu.memory_space<hbm>>
    %dma_wait3A_826 = tpu.memref_squeeze %dma_wait3A_825 : memref<1x1x8x128xi32, #tpu.memory_space<hbm>> -> memref<8x128xi32, #tpu.memory_space<hbm>>
    tpu.wait_dma2 semaphore(%arg9 : memref<!tpu.dma_semaphore, #tpu.memory_space<semaphore_mem>>) src(%dma_wait3A_826 : memref<8x128xi32, #tpu.memory_space<hbm>>) dst(%dma_wait3A_822 : memref<8x128xi32, #tpu.memory_space<vmem>>)
    %dma_wait3A_827 = arith.constant 21 : i32
    %dma_wait3A_828 = arith.constant 21 : i32
    %dma_wait3A_829 = arith.constant 0 : i32
    %dma_wait3A_830 = arith.constant 0 : i32
    %dma_wait3A_831 = tpu.memref_slice %arg5[%dma_wait3A_828, %dma_wait3A_829, %dma_wait3A_830] : memref<25x8x128xi32, #tpu.memory_space<vmem>> -> memref<1x8x128xi32, #tpu.memory_space<vmem>>
    %dma_wait3A_832 = tpu.memref_squeeze %dma_wait3A_831 : memref<1x8x128xi32, #tpu.memory_space<vmem>> -> memref<8x128xi32, #tpu.memory_space<vmem>>
    %dma_wait3A_833 = arith.constant 0 : i32
    %dma_wait3A_834 = arith.constant 0 : i32
    %dma_wait3A_835 = tpu.memref_slice %arg2[%dma_wait3A_827, %add3A, %dma_wait3A_833, %dma_wait3A_834] : memref<25x32x8x128xi32, #tpu.memory_space<hbm>> -> memref<1x1x8x128xi32, #tpu.memory_space<hbm>>
    %dma_wait3A_836 = tpu.memref_squeeze %dma_wait3A_835 : memref<1x1x8x128xi32, #tpu.memory_space<hbm>> -> memref<8x128xi32, #tpu.memory_space<hbm>>
    %dma_wait3A_837 = arith.constant 0 : i32
    %dma_wait3A_838 = arith.constant 0 : i32
    %dma_wait3A_839 = tpu.memref_slice %arg5[%dma_wait3A_828, %dma_wait3A_837, %dma_wait3A_838] : memref<25x8x128xi32, #tpu.memory_space<vmem>> -> memref<1x8x128xi32, #tpu.memory_space<vmem>>
    %dma_wait3A_840 = tpu.memref_squeeze %dma_wait3A_839 : memref<1x8x128xi32, #tpu.memory_space<vmem>> -> memref<8x128xi32, #tpu.memory_space<vmem>>
    %dma_wait3A_841 = arith.constant 0 : i32
    %dma_wait3A_842 = arith.constant 0 : i32
    %dma_wait3A_843 = tpu.memref_slice %arg2[%dma_wait3A_827, %add3A, %dma_wait3A_841, %dma_wait3A_842] : memref<25x32x8x128xi32, #tpu.memory_space<hbm>> -> memref<1x1x8x128xi32, #tpu.memory_space<hbm>>
    %dma_wait3A_844 = tpu.memref_squeeze %dma_wait3A_843 : memref<1x1x8x128xi32, #tpu.memory_space<hbm>> -> memref<8x128xi32, #tpu.memory_space<hbm>>
    tpu.wait_dma2 semaphore(%arg9 : memref<!tpu.dma_semaphore, #tpu.memory_space<semaphore_mem>>) src(%dma_wait3A_844 : memref<8x128xi32, #tpu.memory_space<hbm>>) dst(%dma_wait3A_840 : memref<8x128xi32, #tpu.memory_space<vmem>>)
    %dma_wait3A_845 = arith.constant 22 : i32
    %dma_wait3A_846 = arith.constant 22 : i32
    %dma_wait3A_847 = arith.constant 0 : i32
    %dma_wait3A_848 = arith.constant 0 : i32
    %dma_wait3A_849 = tpu.memref_slice %arg5[%dma_wait3A_846, %dma_wait3A_847, %dma_wait3A_848] : memref<25x8x128xi32, #tpu.memory_space<vmem>> -> memref<1x8x128xi32, #tpu.memory_space<vmem>>
    %dma_wait3A_850 = tpu.memref_squeeze %dma_wait3A_849 : memref<1x8x128xi32, #tpu.memory_space<vmem>> -> memref<8x128xi32, #tpu.memory_space<vmem>>
    %dma_wait3A_851 = arith.constant 0 : i32
    %dma_wait3A_852 = arith.constant 0 : i32
    %dma_wait3A_853 = tpu.memref_slice %arg2[%dma_wait3A_845, %add3A, %dma_wait3A_851, %dma_wait3A_852] : memref<25x32x8x128xi32, #tpu.memory_space<hbm>> -> memref<1x1x8x128xi32, #tpu.memory_space<hbm>>
    %dma_wait3A_854 = tpu.memref_squeeze %dma_wait3A_853 : memref<1x1x8x128xi32, #tpu.memory_space<hbm>> -> memref<8x128xi32, #tpu.memory_space<hbm>>
    %dma_wait3A_855 = arith.constant 0 : i32
    %dma_wait3A_856 = arith.constant 0 : i32
    %dma_wait3A_857 = tpu.memref_slice %arg5[%dma_wait3A_846, %dma_wait3A_855, %dma_wait3A_856] : memref<25x8x128xi32, #tpu.memory_space<vmem>> -> memref<1x8x128xi32, #tpu.memory_space<vmem>>
    %dma_wait3A_858 = tpu.memref_squeeze %dma_wait3A_857 : memref<1x8x128xi32, #tpu.memory_space<vmem>> -> memref<8x128xi32, #tpu.memory_space<vmem>>
    %dma_wait3A_859 = arith.constant 0 : i32
    %dma_wait3A_860 = arith.constant 0 : i32
    %dma_wait3A_861 = tpu.memref_slice %arg2[%dma_wait3A_845, %add3A, %dma_wait3A_859, %dma_wait3A_860] : memref<25x32x8x128xi32, #tpu.memory_space<hbm>> -> memref<1x1x8x128xi32, #tpu.memory_space<hbm>>
    %dma_wait3A_862 = tpu.memref_squeeze %dma_wait3A_861 : memref<1x1x8x128xi32, #tpu.memory_space<hbm>> -> memref<8x128xi32, #tpu.memory_space<hbm>>
    tpu.wait_dma2 semaphore(%arg9 : memref<!tpu.dma_semaphore, #tpu.memory_space<semaphore_mem>>) src(%dma_wait3A_862 : memref<8x128xi32, #tpu.memory_space<hbm>>) dst(%dma_wait3A_858 : memref<8x128xi32, #tpu.memory_space<vmem>>)
    %dma_wait3A_863 = arith.constant 23 : i32
    %dma_wait3A_864 = arith.constant 23 : i32
    %dma_wait3A_865 = arith.constant 0 : i32
    %dma_wait3A_866 = arith.constant 0 : i32
    %dma_wait3A_867 = tpu.memref_slice %arg5[%dma_wait3A_864, %dma_wait3A_865, %dma_wait3A_866] : memref<25x8x128xi32, #tpu.memory_space<vmem>> -> memref<1x8x128xi32, #tpu.memory_space<vmem>>
    %dma_wait3A_868 = tpu.memref_squeeze %dma_wait3A_867 : memref<1x8x128xi32, #tpu.memory_space<vmem>> -> memref<8x128xi32, #tpu.memory_space<vmem>>
    %dma_wait3A_869 = arith.constant 0 : i32
    %dma_wait3A_870 = arith.constant 0 : i32
    %dma_wait3A_871 = tpu.memref_slice %arg2[%dma_wait3A_863, %add3A, %dma_wait3A_869, %dma_wait3A_870] : memref<25x32x8x128xi32, #tpu.memory_space<hbm>> -> memref<1x1x8x128xi32, #tpu.memory_space<hbm>>
    %dma_wait3A_872 = tpu.memref_squeeze %dma_wait3A_871 : memref<1x1x8x128xi32, #tpu.memory_space<hbm>> -> memref<8x128xi32, #tpu.memory_space<hbm>>
    %dma_wait3A_873 = arith.constant 0 : i32
    %dma_wait3A_874 = arith.constant 0 : i32
    %dma_wait3A_875 = tpu.memref_slice %arg5[%dma_wait3A_864, %dma_wait3A_873, %dma_wait3A_874] : memref<25x8x128xi32, #tpu.memory_space<vmem>> -> memref<1x8x128xi32, #tpu.memory_space<vmem>>
    %dma_wait3A_876 = tpu.memref_squeeze %dma_wait3A_875 : memref<1x8x128xi32, #tpu.memory_space<vmem>> -> memref<8x128xi32, #tpu.memory_space<vmem>>
    %dma_wait3A_877 = arith.constant 0 : i32
    %dma_wait3A_878 = arith.constant 0 : i32
    %dma_wait3A_879 = tpu.memref_slice %arg2[%dma_wait3A_863, %add3A, %dma_wait3A_877, %dma_wait3A_878] : memref<25x32x8x128xi32, #tpu.memory_space<hbm>> -> memref<1x1x8x128xi32, #tpu.memory_space<hbm>>
    %dma_wait3A_880 = tpu.memref_squeeze %dma_wait3A_879 : memref<1x1x8x128xi32, #tpu.memory_space<hbm>> -> memref<8x128xi32, #tpu.memory_space<hbm>>
    tpu.wait_dma2 semaphore(%arg9 : memref<!tpu.dma_semaphore, #tpu.memory_space<semaphore_mem>>) src(%dma_wait3A_880 : memref<8x128xi32, #tpu.memory_space<hbm>>) dst(%dma_wait3A_876 : memref<8x128xi32, #tpu.memory_space<vmem>>)
    %dma_wait3A_881 = arith.constant 24 : i32
    %dma_wait3A_882 = arith.constant 24 : i32
    %dma_wait3A_883 = arith.constant 0 : i32
    %dma_wait3A_884 = arith.constant 0 : i32
    %dma_wait3A_885 = tpu.memref_slice %arg5[%dma_wait3A_882, %dma_wait3A_883, %dma_wait3A_884] : memref<25x8x128xi32, #tpu.memory_space<vmem>> -> memref<1x8x128xi32, #tpu.memory_space<vmem>>
    %dma_wait3A_886 = tpu.memref_squeeze %dma_wait3A_885 : memref<1x8x128xi32, #tpu.memory_space<vmem>> -> memref<8x128xi32, #tpu.memory_space<vmem>>
    %dma_wait3A_887 = arith.constant 0 : i32
    %dma_wait3A_888 = arith.constant 0 : i32
    %dma_wait3A_889 = tpu.memref_slice %arg2[%dma_wait3A_881, %add3A, %dma_wait3A_887, %dma_wait3A_888] : memref<25x32x8x128xi32, #tpu.memory_space<hbm>> -> memref<1x1x8x128xi32, #tpu.memory_space<hbm>>
    %dma_wait3A_890 = tpu.memref_squeeze %dma_wait3A_889 : memref<1x1x8x128xi32, #tpu.memory_space<hbm>> -> memref<8x128xi32, #tpu.memory_space<hbm>>
    %dma_wait3A_891 = arith.constant 0 : i32
    %dma_wait3A_892 = arith.constant 0 : i32
    %dma_wait3A_893 = tpu.memref_slice %arg5[%dma_wait3A_882, %dma_wait3A_891, %dma_wait3A_892] : memref<25x8x128xi32, #tpu.memory_space<vmem>> -> memref<1x8x128xi32, #tpu.memory_space<vmem>>
    %dma_wait3A_894 = tpu.memref_squeeze %dma_wait3A_893 : memref<1x8x128xi32, #tpu.memory_space<vmem>> -> memref<8x128xi32, #tpu.memory_space<vmem>>
    %dma_wait3A_895 = arith.constant 0 : i32
    %dma_wait3A_896 = arith.constant 0 : i32
    %dma_wait3A_897 = tpu.memref_slice %arg2[%dma_wait3A_881, %add3A, %dma_wait3A_895, %dma_wait3A_896] : memref<25x32x8x128xi32, #tpu.memory_space<hbm>> -> memref<1x1x8x128xi32, #tpu.memory_space<hbm>>
    %dma_wait3A_898 = tpu.memref_squeeze %dma_wait3A_897 : memref<1x1x8x128xi32, #tpu.memory_space<hbm>> -> memref<8x128xi32, #tpu.memory_space<hbm>>
    tpu.wait_dma2 semaphore(%arg9 : memref<!tpu.dma_semaphore, #tpu.memory_space<semaphore_mem>>) src(%dma_wait3A_898 : memref<8x128xi32, #tpu.memory_space<hbm>>) dst(%dma_wait3A_894 : memref<8x128xi32, #tpu.memory_space<vmem>>)
    %iota3A = tpu.iota {dimensions = array<i32: 0>} : vector<16xi32>
    %add3A_899 = arith.constant 0 : i32
    %add3A_900 = vector.broadcast %add3A_899 : i32 to vector<16xi32>
    %add3A_901 = arith.addi %iota3A, %add3A_900 : vector<16xi32>
    %add3A_902 = arith.constant 16 : i32
    %add3A_903 = vector.broadcast %add3A_902 : i32 to vector<16xi32>
    %add3A_904 = arith.addi %iota3A, %add3A_903 : vector<16xi32>
    %add3A_905 = arith.constant 32 : i32
    %add3A_906 = vector.broadcast %add3A_905 : i32 to vector<16xi32>
    %add3A_907 = arith.addi %iota3A, %add3A_906 : vector<16xi32>
    %add3A_908 = arith.constant 48 : i32
    %add3A_909 = vector.broadcast %add3A_908 : i32 to vector<16xi32>
    %add3A_910 = arith.addi %iota3A, %add3A_909 : vector<16xi32>
    %add3A_911 = arith.constant 64 : i32
    %add3A_912 = vector.broadcast %add3A_911 : i32 to vector<16xi32>
    %add3A_913 = arith.addi %iota3A, %add3A_912 : vector<16xi32>
    %add3A_914 = arith.constant 80 : i32
    %add3A_915 = vector.broadcast %add3A_914 : i32 to vector<16xi32>
    %add3A_916 = arith.addi %iota3A, %add3A_915 : vector<16xi32>
    %add3A_917 = arith.constant 96 : i32
    %add3A_918 = vector.broadcast %add3A_917 : i32 to vector<16xi32>
    %add3A_919 = arith.addi %iota3A, %add3A_918 : vector<16xi32>
    %add3A_920 = arith.constant 112 : i32
    %add3A_921 = vector.broadcast %add3A_920 : i32 to vector<16xi32>
    %add3A_922 = arith.addi %iota3A, %add3A_921 : vector<16xi32>
    %broadcast_in_dim3A = arith.constant 0 : i32
    %broadcast_in_dim3A_923 = vector.broadcast %broadcast_in_dim3A : i32 to vector<16xi32>
    %div3A = arith.constant 0 : i32
    %div3A_924 = arith.constant 8 : i32
    %div3A_925 = arith.divsi %div3A, %div3A_924 : i32
    %rem3A = arith.constant 0 : i32
    %rem3A_926 = arith.constant 8 : i32
    %rem3A_927 = arith.remsi %rem3A, %rem3A_926 : i32
    %dma_start3A_928 = arith.constant 0 : i32
    %dma_start3A_929 = arith.constant 0 : i32
    %dma_start3A_930 = arith.constant 0 : i32
    %dma_start3A_931 = arith.constant 0 : i32
    %dma_start3A_932 = tpu.memref_slice %arg6[%dma_start3A_928, %dma_start3A_930, %dma_start3A_931] : memref<3x128x64xf32, #tpu.memory_space<vmem>> -> memref<1x128x64xf32, #tpu.memory_space<vmem>>
    %dma_start3A_933 = tpu.memref_squeeze %dma_start3A_932 : memref<1x128x64xf32, #tpu.memory_space<vmem>> -> memref<128x64xf32, #tpu.memory_space<vmem>>
    %dma_start3A_934 = arith.constant 0 : i32
    %dma_start3A_935 = tpu.memref_slice %arg5[%div3A_925, %rem3A_927, %dma_start3A_934] : memref<25x8x128xi32, #tpu.memory_space<vmem>> -> memref<1x1x128xi32, #tpu.memory_space<vmem>>
    %dma_start3A_936 = tpu.memref_squeeze %dma_start3A_935 : memref<1x1x128xi32, #tpu.memory_space<vmem>> -> memref<128xi32, #tpu.memory_space<vmem>>
    %dma_start3A_937 = arith.constant 0 : i32
    %dma_start3A_938 = arith.constant 0 : i32
    %dma_start3A_939 = tpu.memref_slice %arg3[%dma_start3A_937, %dma_start3A_938] : memref<1000001x64xf32, #tpu.memory_space<hbm>> -> memref<1000001x64xf32, #tpu.memory_space<hbm>>
    %dma_start3A_940 = tpu.memref_slice %arg10[%dma_start3A_929] : memref<3x!tpu.dma_semaphore, #tpu.memory_space<semaphore_mem>> -> memref<1x!tpu.dma_semaphore, #tpu.memory_space<semaphore_mem>>
    %dma_start3A_941 = tpu.memref_squeeze %dma_start3A_940 : memref<1x!tpu.dma_semaphore, #tpu.memory_space<semaphore_mem>> -> memref<!tpu.dma_semaphore, #tpu.memory_space<semaphore_mem>>
    tpu.enqueue_indirect_dma source(%dma_start3A_939 : memref<1000001x64xf32, #tpu.memory_space<hbm>>) target(%dma_start3A_933 : memref<128x64xf32, #tpu.memory_space<vmem>>) offsets(%dma_start3A_936 : memref<128xi32, #tpu.memory_space<vmem>>) semaphore(%dma_start3A_941 : memref<!tpu.dma_semaphore, #tpu.memory_space<semaphore_mem>>)
    %div3A_942 = arith.constant 1 : i32
    %div3A_943 = arith.constant 8 : i32
    %div3A_944 = arith.divsi %div3A_942, %div3A_943 : i32
    %rem3A_945 = arith.constant 1 : i32
    %rem3A_946 = arith.constant 8 : i32
    %rem3A_947 = arith.remsi %rem3A_945, %rem3A_946 : i32
    %dma_start3A_948 = arith.constant 1 : i32
    %dma_start3A_949 = arith.constant 1 : i32
    %dma_start3A_950 = arith.constant 0 : i32
    %dma_start3A_951 = arith.constant 0 : i32
    %dma_start3A_952 = tpu.memref_slice %arg6[%dma_start3A_948, %dma_start3A_950, %dma_start3A_951] : memref<3x128x64xf32, #tpu.memory_space<vmem>> -> memref<1x128x64xf32, #tpu.memory_space<vmem>>
    %dma_start3A_953 = tpu.memref_squeeze %dma_start3A_952 : memref<1x128x64xf32, #tpu.memory_space<vmem>> -> memref<128x64xf32, #tpu.memory_space<vmem>>
    %dma_start3A_954 = arith.constant 0 : i32
    %dma_start3A_955 = tpu.memref_slice %arg5[%div3A_944, %rem3A_947, %dma_start3A_954] : memref<25x8x128xi32, #tpu.memory_space<vmem>> -> memref<1x1x128xi32, #tpu.memory_space<vmem>>
    %dma_start3A_956 = tpu.memref_squeeze %dma_start3A_955 : memref<1x1x128xi32, #tpu.memory_space<vmem>> -> memref<128xi32, #tpu.memory_space<vmem>>
    %dma_start3A_957 = arith.constant 0 : i32
    %dma_start3A_958 = arith.constant 0 : i32
    %dma_start3A_959 = tpu.memref_slice %arg3[%dma_start3A_957, %dma_start3A_958] : memref<1000001x64xf32, #tpu.memory_space<hbm>> -> memref<1000001x64xf32, #tpu.memory_space<hbm>>
    %dma_start3A_960 = tpu.memref_slice %arg10[%dma_start3A_949] : memref<3x!tpu.dma_semaphore, #tpu.memory_space<semaphore_mem>> -> memref<1x!tpu.dma_semaphore, #tpu.memory_space<semaphore_mem>>
    %dma_start3A_961 = tpu.memref_squeeze %dma_start3A_960 : memref<1x!tpu.dma_semaphore, #tpu.memory_space<semaphore_mem>> -> memref<!tpu.dma_semaphore, #tpu.memory_space<semaphore_mem>>
    tpu.enqueue_indirect_dma source(%dma_start3A_959 : memref<1000001x64xf32, #tpu.memory_space<hbm>>) target(%dma_start3A_953 : memref<128x64xf32, #tpu.memory_space<vmem>>) offsets(%dma_start3A_956 : memref<128xi32, #tpu.memory_space<vmem>>) semaphore(%dma_start3A_961 : memref<!tpu.dma_semaphore, #tpu.memory_space<semaphore_mem>>)
    %scan3A = arith.constant 0 : i32
    %scan3A_962 = arith.constant 0 : i32
    %scan3A_963 = arith.constant 200 : i32
    %scan3A_964 = arith.addi %scan3A_962, %scan3A_963 : i32
    %scan3A_965 = arith.constant 1 : i32
    scf.for %scan3A_1030 = %scan3A_962 to %scan3A_964 step %scan3A_965  : i32 {
      %rem3A_1031 = arith.constant 3 : i32
      %rem3A_1032 = arith.remsi %scan3A_1030, %rem3A_1031 : i32
      %dma_wait3A_1033 = arith.constant 0 : i32
      %dma_wait3A_1034 = arith.constant 0 : i32
      %dma_wait3A_1035 = arith.constant 0 : i32
      %dma_wait3A_1036 = arith.constant 0 : i32
      %dma_wait3A_1037 = tpu.memref_slice %arg6[%rem3A_1032, %dma_wait3A_1035, %dma_wait3A_1036] : memref<3x128x64xf32, #tpu.memory_space<vmem>> -> memref<1x128x64xf32, #tpu.memory_space<vmem>>
      %dma_wait3A_1038 = tpu.memref_squeeze %dma_wait3A_1037 : memref<1x128x64xf32, #tpu.memory_space<vmem>> -> memref<128x64xf32, #tpu.memory_space<vmem>>
      %dma_wait3A_1039 = arith.constant 0 : i32
      %dma_wait3A_1040 = tpu.memref_slice %arg5[%dma_wait3A_1033, %dma_wait3A_1034, %dma_wait3A_1039] : memref<25x8x128xi32, #tpu.memory_space<vmem>> -> memref<1x1x128xi32, #tpu.memory_space<vmem>>
      %dma_wait3A_1041 = tpu.memref_squeeze %dma_wait3A_1040 : memref<1x1x128xi32, #tpu.memory_space<vmem>> -> memref<128xi32, #tpu.memory_space<vmem>>
      %dma_wait3A_1042 = arith.constant 0 : i32
      %dma_wait3A_1043 = arith.constant 0 : i32
      %dma_wait3A_1044 = tpu.memref_slice %arg3[%dma_wait3A_1042, %dma_wait3A_1043] : memref<1000001x64xf32, #tpu.memory_space<hbm>> -> memref<1000001x64xf32, #tpu.memory_space<hbm>>
      %dma_wait3A_1045 = tpu.memref_slice %arg10[%rem3A_1032] : memref<3x!tpu.dma_semaphore, #tpu.memory_space<semaphore_mem>> -> memref<1x!tpu.dma_semaphore, #tpu.memory_space<semaphore_mem>>
      %dma_wait3A_1046 = tpu.memref_squeeze %dma_wait3A_1045 : memref<1x!tpu.dma_semaphore, #tpu.memory_space<semaphore_mem>> -> memref<!tpu.dma_semaphore, #tpu.memory_space<semaphore_mem>>
      tpu.wait_indirect_dma semaphore(%dma_wait3A_1046 : memref<!tpu.dma_semaphore, #tpu.memory_space<semaphore_mem>>) src(%dma_wait3A_1044 : memref<1000001x64xf32, #tpu.memory_space<hbm>>) dst(%dma_wait3A_1038 : memref<128x64xf32, #tpu.memory_space<vmem>>)
      %ge3A = arith.constant 3 : i32
      %ge3A_1047 = arith.cmpi sge, %scan3A_1030, %ge3A : i32
      %convert_element_type3A = arith.extui %ge3A_1047 : i1 to i32
      %cond3A = arith.constant 0 : i32
      %cond3A_1048 = arith.cmpi ne, %convert_element_type3A, %cond3A : i32
      scf.if %cond3A_1048 {
        %dma_wait3A_1078 = arith.constant 0 : i32
        %dma_wait3A_1079 = arith.constant 0 : i32
        %dma_wait3A_1080 = arith.constant 0 : i32
        %dma_wait3A_1081 = tpu.memref_slice %arg8[%rem3A_1032, %dma_wait3A_1079, %dma_wait3A_1080] : memref<3x8x1024xf32, #tpu.memory_space<vmem>> -> memref<1x8x1024xf32, #tpu.memory_space<vmem>>
        %dma_wait3A_1082 = tpu.memref_squeeze %dma_wait3A_1081 : memref<1x8x1024xf32, #tpu.memory_space<vmem>> -> memref<8x1024xf32, #tpu.memory_space<vmem>>
        %dma_wait3A_1083 = arith.constant 0 : i32
        %dma_wait3A_1084 = arith.constant 0 : i32
        %dma_wait3A_1085 = tpu.memref_slice %arg4[%dma_wait3A_1078, %dma_wait3A_1083, %add3A, %dma_wait3A_1084] : memref<200x8x32x1024xf32, #tpu.memory_space<hbm>> -> memref<1x8x1x1024xf32, #tpu.memory_space<hbm>>
        %dma_wait3A_1086 = tpu.memref_squeeze %dma_wait3A_1085 : memref<1x8x1x1024xf32, #tpu.memory_space<hbm>> -> memref<8x1024xf32, #tpu.memory_space<hbm>>
        %dma_wait3A_1087 = tpu.memref_slice %arg11[%rem3A_1032] : memref<3x!tpu.dma_semaphore, #tpu.memory_space<semaphore_mem>> -> memref<1x!tpu.dma_semaphore, #tpu.memory_space<semaphore_mem>>
        %dma_wait3A_1088 = tpu.memref_squeeze %dma_wait3A_1087 : memref<1x!tpu.dma_semaphore, #tpu.memory_space<semaphore_mem>> -> memref<!tpu.dma_semaphore, #tpu.memory_space<semaphore_mem>>
        %dma_wait3A_1089 = arith.constant 0 : i32
        %dma_wait3A_1090 = arith.constant 0 : i32
        %dma_wait3A_1091 = tpu.memref_slice %arg4[%dma_wait3A_1078, %dma_wait3A_1089, %add3A, %dma_wait3A_1090] : memref<200x8x32x1024xf32, #tpu.memory_space<hbm>> -> memref<1x8x1x1024xf32, #tpu.memory_space<hbm>>
        %dma_wait3A_1092 = tpu.memref_squeeze %dma_wait3A_1091 : memref<1x8x1x1024xf32, #tpu.memory_space<hbm>> -> memref<8x1024xf32, #tpu.memory_space<hbm>>
        %dma_wait3A_1093 = arith.constant 0 : i32
        %dma_wait3A_1094 = arith.constant 0 : i32
        %dma_wait3A_1095 = tpu.memref_slice %arg8[%rem3A_1032, %dma_wait3A_1093, %dma_wait3A_1094] : memref<3x8x1024xf32, #tpu.memory_space<vmem>> -> memref<1x8x1024xf32, #tpu.memory_space<vmem>>
        %dma_wait3A_1096 = tpu.memref_squeeze %dma_wait3A_1095 : memref<1x8x1024xf32, #tpu.memory_space<vmem>> -> memref<8x1024xf32, #tpu.memory_space<vmem>>
        tpu.wait_dma2 semaphore(%dma_wait3A_1088 : memref<!tpu.dma_semaphore, #tpu.memory_space<semaphore_mem>>) src(%dma_wait3A_1096 : memref<8x1024xf32, #tpu.memory_space<vmem>>) dst(%dma_wait3A_1092 : memref<8x1024xf32, #tpu.memory_space<hbm>>)
      } else {
      }
      %parallel_loop3A = arith.constant 0 : i32
      %parallel_loop3A_1049 = arith.constant 128 : i32
      %parallel_loop3A_1050 = arith.constant 1 : i32
      scf.for %parallel_loop3A_1078 = %parallel_loop3A to %parallel_loop3A_1049 step %parallel_loop3A_1050  : i32 {
        %parallel_loop3A_1079 = arith.constant 0 : i32
        %parallel_loop3A_1080 = arith.constant 0 : i32
        %parallel_loop3A_1081 = tpu.memref_slice %arg6[%rem3A_1032, %parallel_loop3A_1079, %parallel_loop3A_1080] : memref<3x128x64xf32, #tpu.memory_space<vmem>> -> memref<1x128x64xf32, #tpu.memory_space<vmem>>
        %parallel_loop3A_1082 = tpu.memref_squeeze %parallel_loop3A_1081 : memref<1x128x64xf32, #tpu.memory_space<vmem>> -> memref<128x64xf32, #tpu.memory_space<vmem>>
        %parallel_loop3A_1083 = arith.index_cast %parallel_loop3A_1078 : i32 to index
        %parallel_loop3A_1084 = arith.constant 0 : index
        %parallel_loop3A_1085 = tpu.vector_load %parallel_loop3A_1082[%parallel_loop3A_1083, %parallel_loop3A_1084] {strides = array<i32>} : memref<128x64xf32, #tpu.memory_space<vmem>>, vector<16xf32>,
        %parallel_loop3A_1086 = arith.constant 8.000000e+00 : f32
        %parallel_loop3A_1087 = vector.broadcast %parallel_loop3A_1086 : f32 to vector<16xf32>
        %parallel_loop3A_1088 = arith.mulf %parallel_loop3A_1085, %parallel_loop3A_1087 : vector<16xf32>
        %parallel_loop3A_1089 = arith.index_cast %parallel_loop3A_1078 : i32 to index
        %parallel_loop3A_1090 = arith.constant 0 : index
        %parallel_loop3A_1091 = tpu.vector_load %arg7[%parallel_loop3A_1089, %parallel_loop3A_1090] {strides = array<i32>} : memref<128x65xf32, #tpu.memory_space<vmem>>, vector<16xf32>,
        tpu.vector_store %arg7[%parallel_loop3A_1089, %parallel_loop3A_1090], %parallel_loop3A_1088 {strides = array<i32>} : memref<128x65xf32, #tpu.memory_space<vmem>>, vector<16xf32>,
        %parallel_loop3A_1092 = arith.constant 0 : i32
        %parallel_loop3A_1093 = arith.constant 0 : i32
        %parallel_loop3A_1094 = tpu.memref_slice %arg6[%rem3A_1032, %parallel_loop3A_1092, %parallel_loop3A_1093] : memref<3x128x64xf32, #tpu.memory_space<vmem>> -> memref<1x128x64xf32, #tpu.memory_space<vmem>>
        %parallel_loop3A_1095 = tpu.memref_squeeze %parallel_loop3A_1094 : memref<1x128x64xf32, #tpu.memory_space<vmem>> -> memref<128x64xf32, #tpu.memory_space<vmem>>
        %parallel_loop3A_1096 = arith.index_cast %parallel_loop3A_1078 : i32 to index
        %parallel_loop3A_1097 = arith.constant 16 : index
        %parallel_loop3A_1098 = tpu.vector_load %parallel_loop3A_1095[%parallel_loop3A_1096, %parallel_loop3A_1097] {strides = array<i32>} : memref<128x64xf32, #tpu.memory_space<vmem>>, vector<16xf32>,
        %parallel_loop3A_1099 = arith.constant 8.000000e+00 : f32
        %parallel_loop3A_1100 = vector.broadcast %parallel_loop3A_1099 : f32 to vector<16xf32>
        %parallel_loop3A_1101 = arith.mulf %parallel_loop3A_1098, %parallel_loop3A_1100 : vector<16xf32>
        %parallel_loop3A_1102 = arith.index_cast %parallel_loop3A_1078 : i32 to index
        %parallel_loop3A_1103 = arith.constant 16 : index
        %parallel_loop3A_1104 = tpu.vector_load %arg7[%parallel_loop3A_1102, %parallel_loop3A_1103] {strides = array<i32>} : memref<128x65xf32, #tpu.memory_space<vmem>>, vector<16xf32>,
        tpu.vector_store %arg7[%parallel_loop3A_1102, %parallel_loop3A_1103], %parallel_loop3A_1101 {strides = array<i32>} : memref<128x65xf32, #tpu.memory_space<vmem>>, vector<16xf32>,
        %parallel_loop3A_1105 = arith.constant 0 : i32
        %parallel_loop3A_1106 = arith.constant 0 : i32
        %parallel_loop3A_1107 = tpu.memref_slice %arg6[%rem3A_1032, %parallel_loop3A_1105, %parallel_loop3A_1106] : memref<3x128x64xf32, #tpu.memory_space<vmem>> -> memref<1x128x64xf32, #tpu.memory_space<vmem>>
        %parallel_loop3A_1108 = tpu.memref_squeeze %parallel_loop3A_1107 : memref<1x128x64xf32, #tpu.memory_space<vmem>> -> memref<128x64xf32, #tpu.memory_space<vmem>>
        %parallel_loop3A_1109 = arith.index_cast %parallel_loop3A_1078 : i32 to index
        %parallel_loop3A_1110 = arith.constant 32 : index
        %parallel_loop3A_1111 = tpu.vector_load %parallel_loop3A_1108[%parallel_loop3A_1109, %parallel_loop3A_1110] {strides = array<i32>} : memref<128x64xf32, #tpu.memory_space<vmem>>, vector<16xf32>,
        %parallel_loop3A_1112 = arith.constant 8.000000e+00 : f32
        %parallel_loop3A_1113 = vector.broadcast %parallel_loop3A_1112 : f32 to vector<16xf32>
        %parallel_loop3A_1114 = arith.mulf %parallel_loop3A_1111, %parallel_loop3A_1113 : vector<16xf32>
        %parallel_loop3A_1115 = arith.index_cast %parallel_loop3A_1078 : i32 to index
        %parallel_loop3A_1116 = arith.constant 32 : index
        %parallel_loop3A_1117 = tpu.vector_load %arg7[%parallel_loop3A_1115, %parallel_loop3A_1116] {strides = array<i32>} : memref<128x65xf32, #tpu.memory_space<vmem>>, vector<16xf32>,
        tpu.vector_store %arg7[%parallel_loop3A_1115, %parallel_loop3A_1116], %parallel_loop3A_1114 {strides = array<i32>} : memref<128x65xf32, #tpu.memory_space<vmem>>, vector<16xf32>,
        %parallel_loop3A_1118 = arith.constant 0 : i32
        %parallel_loop3A_1119 = arith.constant 0 : i32
        %parallel_loop3A_1120 = tpu.memref_slice %arg6[%rem3A_1032, %parallel_loop3A_1118, %parallel_loop3A_1119] : memref<3x128x64xf32, #tpu.memory_space<vmem>> -> memref<1x128x64xf32, #tpu.memory_space<vmem>>
        %parallel_loop3A_1121 = tpu.memref_squeeze %parallel_loop3A_1120 : memref<1x128x64xf32, #tpu.memory_space<vmem>> -> memref<128x64xf32, #tpu.memory_space<vmem>>
        %parallel_loop3A_1122 = arith.index_cast %parallel_loop3A_1078 : i32 to index
        %parallel_loop3A_1123 = arith.constant 48 : index
        %parallel_loop3A_1124 = tpu.vector_load %parallel_loop3A_1121[%parallel_loop3A_1122, %parallel_loop3A_1123] {strides = array<i32>} : memref<128x64xf32, #tpu.memory_space<vmem>>, vector<16xf32>,
        %parallel_loop3A_1125 = arith.constant 8.000000e+00 : f32
        %parallel_loop3A_1126 = vector.broadcast %parallel_loop3A_1125 : f32 to vector<16xf32>
        %parallel_loop3A_1127 = arith.mulf %parallel_loop3A_1124, %parallel_loop3A_1126 : vector<16xf32>
        %parallel_loop3A_1128 = arith.index_cast %parallel_loop3A_1078 : i32 to index
        %parallel_loop3A_1129 = arith.constant 48 : index
        %parallel_loop3A_1130 = tpu.vector_load %arg7[%parallel_loop3A_1128, %parallel_loop3A_1129] {strides = array<i32>} : memref<128x65xf32, #tpu.memory_space<vmem>>, vector<16xf32>,
        tpu.vector_store %arg7[%parallel_loop3A_1128, %parallel_loop3A_1129], %parallel_loop3A_1127 {strides = array<i32>} : memref<128x65xf32, #tpu.memory_space<vmem>>, vector<16xf32>,
      } {sc.loop_unroll_factor = 4 : i64, sc.parallel_access}
      %parallel_loop3A_1051 = arith.constant 0 : i32
      %parallel_loop3A_1052 = arith.constant 64 : i32
      %parallel_loop3A_1053 = arith.constant 1 : i32
      scf.for %parallel_loop3A_1078 = %parallel_loop3A_1051 to %parallel_loop3A_1052 step %parallel_loop3A_1053  : i32 {
        %parallel_loop3A_1079 = vector.broadcast %parallel_loop3A_1078 : i32 to vector<16xi32>
        %parallel_loop3A_1080 = arith.addi %broadcast_in_dim3A_923, %parallel_loop3A_1079 : vector<16xi32>
        %parallel_loop3A_1081 = arith.constant 3 : i32
        %parallel_loop3A_1082 = arith.shrui %parallel_loop3A_1078, %parallel_loop3A_1081 : i32
        %parallel_loop3A_1083 = arith.constant 7 : i32
        %parallel_loop3A_1084 = arith.andi %parallel_loop3A_1078, %parallel_loop3A_1083 : i32
        %parallel_loop3A_1085 = arith.constant 7 : i32
        %parallel_loop3A_1086 = arith.shli %parallel_loop3A_1084, %parallel_loop3A_1085 : i32
        %parallel_loop3A_1087 = tpu.vector_load_idx %arg7[%add3A_901, %parallel_loop3A_1080] : memref<128x65xf32, #tpu.memory_space<vmem>>[vector<16xi32>, vector<16xi32>], vector<16xf32>,
        %parallel_loop3A_1088 = arith.constant 0 : i32
        %parallel_loop3A_1089 = arith.addi %parallel_loop3A_1086, %parallel_loop3A_1088 : i32
        %parallel_loop3A_1090 = arith.constant 0 : i32
        %parallel_loop3A_1091 = arith.constant 0 : i32
        %parallel_loop3A_1092 = tpu.memref_slice %arg8[%rem3A_1032, %parallel_loop3A_1090, %parallel_loop3A_1091] : memref<3x8x1024xf32, #tpu.memory_space<vmem>> -> memref<1x8x1024xf32, #tpu.memory_space<vmem>>
        %parallel_loop3A_1093 = tpu.memref_squeeze %parallel_loop3A_1092 : memref<1x8x1024xf32, #tpu.memory_space<vmem>> -> memref<8x1024xf32, #tpu.memory_space<vmem>>
        %parallel_loop3A_1094 = arith.index_cast %parallel_loop3A_1082 : i32 to index
        %parallel_loop3A_1095 = arith.index_cast %parallel_loop3A_1089 : i32 to index
        %parallel_loop3A_1096 = tpu.vector_load %parallel_loop3A_1093[%parallel_loop3A_1094, %parallel_loop3A_1095] {strides = array<i32>} : memref<8x1024xf32, #tpu.memory_space<vmem>>, vector<16xf32>,
        tpu.vector_store %parallel_loop3A_1093[%parallel_loop3A_1094, %parallel_loop3A_1095], %parallel_loop3A_1087 {strides = array<i32>} : memref<8x1024xf32, #tpu.memory_space<vmem>>, vector<16xf32>,
        %parallel_loop3A_1097 = tpu.vector_load_idx %arg7[%add3A_904, %parallel_loop3A_1080] : memref<128x65xf32, #tpu.memory_space<vmem>>[vector<16xi32>, vector<16xi32>], vector<16xf32>,
        %parallel_loop3A_1098 = arith.constant 16 : i32
        %parallel_loop3A_1099 = arith.addi %parallel_loop3A_1086, %parallel_loop3A_1098 : i32
        %parallel_loop3A_1100 = arith.constant 0 : i32
        %parallel_loop3A_1101 = arith.constant 0 : i32
        %parallel_loop3A_1102 = tpu.memref_slice %arg8[%rem3A_1032, %parallel_loop3A_1100, %parallel_loop3A_1101] : memref<3x8x1024xf32, #tpu.memory_space<vmem>> -> memref<1x8x1024xf32, #tpu.memory_space<vmem>>
        %parallel_loop3A_1103 = tpu.memref_squeeze %parallel_loop3A_1102 : memref<1x8x1024xf32, #tpu.memory_space<vmem>> -> memref<8x1024xf32, #tpu.memory_space<vmem>>
        %parallel_loop3A_1104 = arith.index_cast %parallel_loop3A_1082 : i32 to index
        %parallel_loop3A_1105 = arith.index_cast %parallel_loop3A_1099 : i32 to index
        %parallel_loop3A_1106 = tpu.vector_load %parallel_loop3A_1103[%parallel_loop3A_1104, %parallel_loop3A_1105] {strides = array<i32>} : memref<8x1024xf32, #tpu.memory_space<vmem>>, vector<16xf32>,
        tpu.vector_store %parallel_loop3A_1103[%parallel_loop3A_1104, %parallel_loop3A_1105], %parallel_loop3A_1097 {strides = array<i32>} : memref<8x1024xf32, #tpu.memory_space<vmem>>, vector<16xf32>,
        %parallel_loop3A_1107 = tpu.vector_load_idx %arg7[%add3A_907, %parallel_loop3A_1080] : memref<128x65xf32, #tpu.memory_space<vmem>>[vector<16xi32>, vector<16xi32>], vector<16xf32>,
        %parallel_loop3A_1108 = arith.constant 32 : i32
        %parallel_loop3A_1109 = arith.addi %parallel_loop3A_1086, %parallel_loop3A_1108 : i32
        %parallel_loop3A_1110 = arith.constant 0 : i32
        %parallel_loop3A_1111 = arith.constant 0 : i32
        %parallel_loop3A_1112 = tpu.memref_slice %arg8[%rem3A_1032, %parallel_loop3A_1110, %parallel_loop3A_1111] : memref<3x8x1024xf32, #tpu.memory_space<vmem>> -> memref<1x8x1024xf32, #tpu.memory_space<vmem>>
        %parallel_loop3A_1113 = tpu.memref_squeeze %parallel_loop3A_1112 : memref<1x8x1024xf32, #tpu.memory_space<vmem>> -> memref<8x1024xf32, #tpu.memory_space<vmem>>
        %parallel_loop3A_1114 = arith.index_cast %parallel_loop3A_1082 : i32 to index
        %parallel_loop3A_1115 = arith.index_cast %parallel_loop3A_1109 : i32 to index
        %parallel_loop3A_1116 = tpu.vector_load %parallel_loop3A_1113[%parallel_loop3A_1114, %parallel_loop3A_1115] {strides = array<i32>} : memref<8x1024xf32, #tpu.memory_space<vmem>>, vector<16xf32>,
        tpu.vector_store %parallel_loop3A_1113[%parallel_loop3A_1114, %parallel_loop3A_1115], %parallel_loop3A_1107 {strides = array<i32>} : memref<8x1024xf32, #tpu.memory_space<vmem>>, vector<16xf32>,
        %parallel_loop3A_1117 = tpu.vector_load_idx %arg7[%add3A_910, %parallel_loop3A_1080] : memref<128x65xf32, #tpu.memory_space<vmem>>[vector<16xi32>, vector<16xi32>], vector<16xf32>,
        %parallel_loop3A_1118 = arith.constant 48 : i32
        %parallel_loop3A_1119 = arith.addi %parallel_loop3A_1086, %parallel_loop3A_1118 : i32
        %parallel_loop3A_1120 = arith.constant 0 : i32
        %parallel_loop3A_1121 = arith.constant 0 : i32
        %parallel_loop3A_1122 = tpu.memref_slice %arg8[%rem3A_1032, %parallel_loop3A_1120, %parallel_loop3A_1121] : memref<3x8x1024xf32, #tpu.memory_space<vmem>> -> memref<1x8x1024xf32, #tpu.memory_space<vmem>>
        %parallel_loop3A_1123 = tpu.memref_squeeze %parallel_loop3A_1122 : memref<1x8x1024xf32, #tpu.memory_space<vmem>> -> memref<8x1024xf32, #tpu.memory_space<vmem>>
        %parallel_loop3A_1124 = arith.index_cast %parallel_loop3A_1082 : i32 to index
        %parallel_loop3A_1125 = arith.index_cast %parallel_loop3A_1119 : i32 to index
        %parallel_loop3A_1126 = tpu.vector_load %parallel_loop3A_1123[%parallel_loop3A_1124, %parallel_loop3A_1125] {strides = array<i32>} : memref<8x1024xf32, #tpu.memory_space<vmem>>, vector<16xf32>,
        tpu.vector_store %parallel_loop3A_1123[%parallel_loop3A_1124, %parallel_loop3A_1125], %parallel_loop3A_1117 {strides = array<i32>} : memref<8x1024xf32, #tpu.memory_space<vmem>>, vector<16xf32>,
        %parallel_loop3A_1127 = tpu.vector_load_idx %arg7[%add3A_913, %parallel_loop3A_1080] : memref<128x65xf32, #tpu.memory_space<vmem>>[vector<16xi32>, vector<16xi32>], vector<16xf32>,
        %parallel_loop3A_1128 = arith.constant 64 : i32
        %parallel_loop3A_1129 = arith.addi %parallel_loop3A_1086, %parallel_loop3A_1128 : i32
        %parallel_loop3A_1130 = arith.constant 0 : i32
        %parallel_loop3A_1131 = arith.constant 0 : i32
        %parallel_loop3A_1132 = tpu.memref_slice %arg8[%rem3A_1032, %parallel_loop3A_1130, %parallel_loop3A_1131] : memref<3x8x1024xf32, #tpu.memory_space<vmem>> -> memref<1x8x1024xf32, #tpu.memory_space<vmem>>
        %parallel_loop3A_1133 = tpu.memref_squeeze %parallel_loop3A_1132 : memref<1x8x1024xf32, #tpu.memory_space<vmem>> -> memref<8x1024xf32, #tpu.memory_space<vmem>>
        %parallel_loop3A_1134 = arith.index_cast %parallel_loop3A_1082 : i32 to index
        %parallel_loop3A_1135 = arith.index_cast %parallel_loop3A_1129 : i32 to index
        %parallel_loop3A_1136 = tpu.vector_load %parallel_loop3A_1133[%parallel_loop3A_1134, %parallel_loop3A_1135] {strides = array<i32>} : memref<8x1024xf32, #tpu.memory_space<vmem>>, vector<16xf32>,
        tpu.vector_store %parallel_loop3A_1133[%parallel_loop3A_1134, %parallel_loop3A_1135], %parallel_loop3A_1127 {strides = array<i32>} : memref<8x1024xf32, #tpu.memory_space<vmem>>, vector<16xf32>,
        %parallel_loop3A_1137 = tpu.vector_load_idx %arg7[%add3A_916, %parallel_loop3A_1080] : memref<128x65xf32, #tpu.memory_space<vmem>>[vector<16xi32>, vector<16xi32>], vector<16xf32>,
        %parallel_loop3A_1138 = arith.constant 80 : i32
        %parallel_loop3A_1139 = arith.addi %parallel_loop3A_1086, %parallel_loop3A_1138 : i32
        %parallel_loop3A_1140 = arith.constant 0 : i32
        %parallel_loop3A_1141 = arith.constant 0 : i32
        %parallel_loop3A_1142 = tpu.memref_slice %arg8[%rem3A_1032, %parallel_loop3A_1140, %parallel_loop3A_1141] : memref<3x8x1024xf32, #tpu.memory_space<vmem>> -> memref<1x8x1024xf32, #tpu.memory_space<vmem>>
        %parallel_loop3A_1143 = tpu.memref_squeeze %parallel_loop3A_1142 : memref<1x8x1024xf32, #tpu.memory_space<vmem>> -> memref<8x1024xf32, #tpu.memory_space<vmem>>
        %parallel_loop3A_1144 = arith.index_cast %parallel_loop3A_1082 : i32 to index
        %parallel_loop3A_1145 = arith.index_cast %parallel_loop3A_1139 : i32 to index
        %parallel_loop3A_1146 = tpu.vector_load %parallel_loop3A_1143[%parallel_loop3A_1144, %parallel_loop3A_1145] {strides = array<i32>} : memref<8x1024xf32, #tpu.memory_space<vmem>>, vector<16xf32>,
        tpu.vector_store %parallel_loop3A_1143[%parallel_loop3A_1144, %parallel_loop3A_1145], %parallel_loop3A_1137 {strides = array<i32>} : memref<8x1024xf32, #tpu.memory_space<vmem>>, vector<16xf32>,
        %parallel_loop3A_1147 = tpu.vector_load_idx %arg7[%add3A_919, %parallel_loop3A_1080] : memref<128x65xf32, #tpu.memory_space<vmem>>[vector<16xi32>, vector<16xi32>], vector<16xf32>,
        %parallel_loop3A_1148 = arith.constant 96 : i32
        %parallel_loop3A_1149 = arith.addi %parallel_loop3A_1086, %parallel_loop3A_1148 : i32
        %parallel_loop3A_1150 = arith.constant 0 : i32
        %parallel_loop3A_1151 = arith.constant 0 : i32
        %parallel_loop3A_1152 = tpu.memref_slice %arg8[%rem3A_1032, %parallel_loop3A_1150, %parallel_loop3A_1151] : memref<3x8x1024xf32, #tpu.memory_space<vmem>> -> memref<1x8x1024xf32, #tpu.memory_space<vmem>>
        %parallel_loop3A_1153 = tpu.memref_squeeze %parallel_loop3A_1152 : memref<1x8x1024xf32, #tpu.memory_space<vmem>> -> memref<8x1024xf32, #tpu.memory_space<vmem>>
        %parallel_loop3A_1154 = arith.index_cast %parallel_loop3A_1082 : i32 to index
        %parallel_loop3A_1155 = arith.index_cast %parallel_loop3A_1149 : i32 to index
        %parallel_loop3A_1156 = tpu.vector_load %parallel_loop3A_1153[%parallel_loop3A_1154, %parallel_loop3A_1155] {strides = array<i32>} : memref<8x1024xf32, #tpu.memory_space<vmem>>, vector<16xf32>,
        tpu.vector_store %parallel_loop3A_1153[%parallel_loop3A_1154, %parallel_loop3A_1155], %parallel_loop3A_1147 {strides = array<i32>} : memref<8x1024xf32, #tpu.memory_space<vmem>>, vector<16xf32>,
        %parallel_loop3A_1157 = tpu.vector_load_idx %arg7[%add3A_922, %parallel_loop3A_1080] : memref<128x65xf32, #tpu.memory_space<vmem>>[vector<16xi32>, vector<16xi32>], vector<16xf32>,
        %parallel_loop3A_1158 = arith.constant 112 : i32
        %parallel_loop3A_1159 = arith.addi %parallel_loop3A_1086, %parallel_loop3A_1158 : i32
        %parallel_loop3A_1160 = arith.constant 0 : i32
        %parallel_loop3A_1161 = arith.constant 0 : i32
        %parallel_loop3A_1162 = tpu.memref_slice %arg8[%rem3A_1032, %parallel_loop3A_1160, %parallel_loop3A_1161] : memref<3x8x1024xf32, #tpu.memory_space<vmem>> -> memref<1x8x1024xf32, #tpu.memory_space<vmem>>
        %parallel_loop3A_1163 = tpu.memref_squeeze %parallel_loop3A_1162 : memref<1x8x1024xf32, #tpu.memory_space<vmem>> -> memref<8x1024xf32, #tpu.memory_space<vmem>>
        %parallel_loop3A_1164 = arith.index_cast %parallel_loop3A_1082 : i32 to index
        %parallel_loop3A_1165 = arith.index_cast %parallel_loop3A_1159 : i32 to index
        %parallel_loop3A_1166 = tpu.vector_load %parallel_loop3A_1163[%parallel_loop3A_1164, %parallel_loop3A_1165] {strides = array<i32>} : memref<8x1024xf32, #tpu.memory_space<vmem>>, vector<16xf32>,
        tpu.vector_store %parallel_loop3A_1163[%parallel_loop3A_1164, %parallel_loop3A_1165], %parallel_loop3A_1157 {strides = array<i32>} : memref<8x1024xf32, #tpu.memory_space<vmem>>, vector<16xf32>,
      } {sc.loop_unroll_factor = 4 : i64, sc.parallel_access}
      %add3A_1054 = arith.constant 2 : i32
      %add3A_1055 = arith.addi %scan3A_1030, %add3A_1054 : i32
      %lt3A = arith.constant 200 : i32
      %lt3A_1056 = arith.cmpi slt, %add3A_1055, %lt3A : i32
      %convert_element_type3A_1057 = arith.extui %lt3A_1056 : i1 to i32
      %cond3A_1058 = arith.constant 0 : i32
      %cond3A_1059 = arith.cmpi ne, %convert_element_type3A_1057, %cond3A_1058 : i32
      scf.if %cond3A_1059 {
        %add3A_1078 = arith.constant 2 : i32
        %add3A_1079 = arith.addi %scan3A_1030, %add3A_1078 : i32
        %add3A_1080 = arith.constant 2 : i32
        %add3A_1081 = arith.addi %scan3A_1030, %add3A_1080 : i32
        %rem3A_1082 = arith.constant 3 : i32
        %rem3A_1083 = arith.remsi %add3A_1081, %rem3A_1082 : i32
        %div3A_1084 = arith.constant 8 : i32
        %div3A_1085 = arith.divsi %add3A_1079, %div3A_1084 : i32
        %rem3A_1086 = arith.constant 8 : i32
        %rem3A_1087 = arith.remsi %add3A_1079, %rem3A_1086 : i32
        %dma_start3A_1088 = arith.constant 0 : i32
        %dma_start3A_1089 = arith.constant 0 : i32
        %dma_start3A_1090 = tpu.memref_slice %arg6[%rem3A_1083, %dma_start3A_1088, %dma_start3A_1089] : memref<3x128x64xf32, #tpu.memory_space<vmem>> -> memref<1x128x64xf32, #tpu.memory_space<vmem>>
        %dma_start3A_1091 = tpu.memref_squeeze %dma_start3A_1090 : memref<1x128x64xf32, #tpu.memory_space<vmem>> -> memref<128x64xf32, #tpu.memory_space<vmem>>
        %dma_start3A_1092 = arith.constant 0 : i32
        %dma_start3A_1093 = tpu.memref_slice %arg5[%div3A_1085, %rem3A_1087, %dma_start3A_1092] : memref<25x8x128xi32, #tpu.memory_space<vmem>> -> memref<1x1x128xi32, #tpu.memory_space<vmem>>
        %dma_start3A_1094 = tpu.memref_squeeze %dma_start3A_1093 : memref<1x1x128xi32, #tpu.memory_space<vmem>> -> memref<128xi32, #tpu.memory_space<vmem>>
        %dma_start3A_1095 = arith.constant 0 : i32
        %dma_start3A_1096 = arith.constant 0 : i32
        %dma_start3A_1097 = tpu.memref_slice %arg3[%dma_start3A_1095, %dma_start3A_1096] : memref<1000001x64xf32, #tpu.memory_space<hbm>> -> memref<1000001x64xf32, #tpu.memory_space<hbm>>
        %dma_start3A_1098 = tpu.memref_slice %arg10[%rem3A_1083] : memref<3x!tpu.dma_semaphore, #tpu.memory_space<semaphore_mem>> -> memref<1x!tpu.dma_semaphore, #tpu.memory_space<semaphore_mem>>
        %dma_start3A_1099 = tpu.memref_squeeze %dma_start3A_1098 : memref<1x!tpu.dma_semaphore, #tpu.memory_space<semaphore_mem>> -> memref<!tpu.dma_semaphore, #tpu.memory_space<semaphore_mem>>
        tpu.enqueue_indirect_dma source(%dma_start3A_1097 : memref<1000001x64xf32, #tpu.memory_space<hbm>>) target(%dma_start3A_1091 : memref<128x64xf32, #tpu.memory_space<vmem>>) offsets(%dma_start3A_1094 : memref<128xi32, #tpu.memory_space<vmem>>) semaphore(%dma_start3A_1099 : memref<!tpu.dma_semaphore, #tpu.memory_space<semaphore_mem>>)
      } else {
      }
      %dma_start3A_1060 = arith.constant 0 : i32
      %dma_start3A_1061 = arith.constant 0 : i32
      %dma_start3A_1062 = tpu.memref_slice %arg8[%rem3A_1032, %dma_start3A_1060, %dma_start3A_1061] : memref<3x8x1024xf32, #tpu.memory_space<vmem>> -> memref<1x8x1024xf32, #tpu.memory_space<vmem>>
      %dma_start3A_1063 = tpu.memref_squeeze %dma_start3A_1062 : memref<1x8x1024xf32, #tpu.memory_space<vmem>> -> memref<8x1024xf32, #tpu.memory_space<vmem>>
      %dma_start3A_1064 = arith.constant 0 : i32
      %dma_start3A_1065 = arith.constant 0 : i32
      %dma_start3A_1066 = tpu.memref_slice %arg4[%scan3A_1030, %dma_start3A_1064, %add3A, %dma_start3A_1065] : memref<200x8x32x1024xf32, #tpu.memory_space<hbm>> -> memref<1x8x1x1024xf32, #tpu.memory_space<hbm>>
      %dma_start3A_1067 = tpu.memref_squeeze %dma_start3A_1066 : memref<1x8x1x1024xf32, #tpu.memory_space<hbm>> -> memref<8x1024xf32, #tpu.memory_space<hbm>>
      %dma_start3A_1068 = tpu.memref_slice %arg11[%rem3A_1032] : memref<3x!tpu.dma_semaphore, #tpu.memory_space<semaphore_mem>> -> memref<1x!tpu.dma_semaphore, #tpu.memory_space<semaphore_mem>>
      %dma_start3A_1069 = tpu.memref_squeeze %dma_start3A_1068 : memref<1x!tpu.dma_semaphore, #tpu.memory_space<semaphore_mem>> -> memref<!tpu.dma_semaphore, #tpu.memory_space<semaphore_mem>>
      %dma_start3A_1070 = arith.constant 0 : i32
      %dma_start3A_1071 = arith.constant 0 : i32
      %dma_start3A_1072 = tpu.memref_slice %arg4[%scan3A_1030, %dma_start3A_1070, %add3A, %dma_start3A_1071] : memref<200x8x32x1024xf32, #tpu.memory_space<hbm>> -> memref<1x8x1x1024xf32, #tpu.memory_space<hbm>>
      %dma_start3A_1073 = tpu.memref_squeeze %dma_start3A_1072 : memref<1x8x1x1024xf32, #tpu.memory_space<hbm>> -> memref<8x1024xf32, #tpu.memory_space<hbm>>
      %dma_start3A_1074 = arith.constant 0 : i32
      %dma_start3A_1075 = arith.constant 0 : i32
      %dma_start3A_1076 = tpu.memref_slice %arg8[%rem3A_1032, %dma_start3A_1074, %dma_start3A_1075] : memref<3x8x1024xf32, #tpu.memory_space<vmem>> -> memref<1x8x1024xf32, #tpu.memory_space<vmem>>
      %dma_start3A_1077 = tpu.memref_squeeze %dma_start3A_1076 : memref<1x8x1024xf32, #tpu.memory_space<vmem>> -> memref<8x1024xf32, #tpu.memory_space<vmem>>
      tpu.enqueue_dma source(%dma_start3A_1077 : memref<8x1024xf32, #tpu.memory_space<vmem>>) target(%dma_start3A_1073 : memref<8x1024xf32, #tpu.memory_space<hbm>>) target_semaphore(%dma_start3A_1069 : memref<!tpu.dma_semaphore, #tpu.memory_space<semaphore_mem>>)
    }
    %scan3A_966 = arith.constant 200 : i32
    %dma_wait3A_967 = arith.constant 0 : i32
    %dma_wait3A_968 = arith.constant 0 : i32
    %dma_wait3A_969 = arith.constant 0 : i32
    %dma_wait3A_970 = arith.constant 0 : i32
    %dma_wait3A_971 = arith.constant 0 : i32
    %dma_wait3A_972 = tpu.memref_slice %arg8[%dma_wait3A_967, %dma_wait3A_970, %dma_wait3A_971] : memref<3x8x1024xf32, #tpu.memory_space<vmem>> -> memref<1x8x1024xf32, #tpu.memory_space<vmem>>
    %dma_wait3A_973 = tpu.memref_squeeze %dma_wait3A_972 : memref<1x8x1024xf32, #tpu.memory_space<vmem>> -> memref<8x1024xf32, #tpu.memory_space<vmem>>
    %dma_wait3A_974 = arith.constant 0 : i32
    %dma_wait3A_975 = arith.constant 0 : i32
    %dma_wait3A_976 = tpu.memref_slice %arg4[%dma_wait3A_968, %dma_wait3A_974, %add3A, %dma_wait3A_975] : memref<200x8x32x1024xf32, #tpu.memory_space<hbm>> -> memref<1x8x1x1024xf32, #tpu.memory_space<hbm>>
    %dma_wait3A_977 = tpu.memref_squeeze %dma_wait3A_976 : memref<1x8x1x1024xf32, #tpu.memory_space<hbm>> -> memref<8x1024xf32, #tpu.memory_space<hbm>>
    %dma_wait3A_978 = tpu.memref_slice %arg11[%dma_wait3A_969] : memref<3x!tpu.dma_semaphore, #tpu.memory_space<semaphore_mem>> -> memref<1x!tpu.dma_semaphore, #tpu.memory_space<semaphore_mem>>
    %dma_wait3A_979 = tpu.memref_squeeze %dma_wait3A_978 : memref<1x!tpu.dma_semaphore, #tpu.memory_space<semaphore_mem>> -> memref<!tpu.dma_semaphore, #tpu.memory_space<semaphore_mem>>
    %dma_wait3A_980 = arith.constant 0 : i32
    %dma_wait3A_981 = arith.constant 0 : i32
    %dma_wait3A_982 = tpu.memref_slice %arg4[%dma_wait3A_968, %dma_wait3A_980, %add3A, %dma_wait3A_981] : memref<200x8x32x1024xf32, #tpu.memory_space<hbm>> -> memref<1x8x1x1024xf32, #tpu.memory_space<hbm>>
    %dma_wait3A_983 = tpu.memref_squeeze %dma_wait3A_982 : memref<1x8x1x1024xf32, #tpu.memory_space<hbm>> -> memref<8x1024xf32, #tpu.memory_space<hbm>>
    %dma_wait3A_984 = arith.constant 0 : i32
    %dma_wait3A_985 = arith.constant 0 : i32
    %dma_wait3A_986 = tpu.memref_slice %arg8[%dma_wait3A_967, %dma_wait3A_984, %dma_wait3A_985] : memref<3x8x1024xf32, #tpu.memory_space<vmem>> -> memref<1x8x1024xf32, #tpu.memory_space<vmem>>
    %dma_wait3A_987 = tpu.memref_squeeze %dma_wait3A_986 : memref<1x8x1024xf32, #tpu.memory_space<vmem>> -> memref<8x1024xf32, #tpu.memory_space<vmem>>
    tpu.wait_dma2 semaphore(%dma_wait3A_979 : memref<!tpu.dma_semaphore, #tpu.memory_space<semaphore_mem>>) src(%dma_wait3A_987 : memref<8x1024xf32, #tpu.memory_space<vmem>>) dst(%dma_wait3A_983 : memref<8x1024xf32, #tpu.memory_space<hbm>>)
    %dma_wait3A_988 = arith.constant 1 : i32
    %dma_wait3A_989 = arith.constant 0 : i32
    %dma_wait3A_990 = arith.constant 1 : i32
    %dma_wait3A_991 = arith.constant 0 : i32
    %dma_wait3A_992 = arith.constant 0 : i32
    %dma_wait3A_993 = tpu.memref_slice %arg8[%dma_wait3A_988, %dma_wait3A_991, %dma_wait3A_992] : memref<3x8x1024xf32, #tpu.memory_space<vmem>> -> memref<1x8x1024xf32, #tpu.memory_space<vmem>>
    %dma_wait3A_994 = tpu.memref_squeeze %dma_wait3A_993 : memref<1x8x1024xf32, #tpu.memory_space<vmem>> -> memref<8x1024xf32, #tpu.memory_space<vmem>>
    %dma_wait3A_995 = arith.constant 0 : i32
    %dma_wait3A_996 = arith.constant 0 : i32
    %dma_wait3A_997 = tpu.memref_slice %arg4[%dma_wait3A_989, %dma_wait3A_995, %add3A, %dma_wait3A_996] : memref<200x8x32x1024xf32, #tpu.memory_space<hbm>> -> memref<1x8x1x1024xf32, #tpu.memory_space<hbm>>
    %dma_wait3A_998 = tpu.memref_squeeze %dma_wait3A_997 : memref<1x8x1x1024xf32, #tpu.memory_space<hbm>> -> memref<8x1024xf32, #tpu.memory_space<hbm>>
    %dma_wait3A_999 = tpu.memref_slice %arg11[%dma_wait3A_990] : memref<3x!tpu.dma_semaphore, #tpu.memory_space<semaphore_mem>> -> memref<1x!tpu.dma_semaphore, #tpu.memory_space<semaphore_mem>>
    %dma_wait3A_1000 = tpu.memref_squeeze %dma_wait3A_999 : memref<1x!tpu.dma_semaphore, #tpu.memory_space<semaphore_mem>> -> memref<!tpu.dma_semaphore, #tpu.memory_space<semaphore_mem>>
    %dma_wait3A_1001 = arith.constant 0 : i32
    %dma_wait3A_1002 = arith.constant 0 : i32
    %dma_wait3A_1003 = tpu.memref_slice %arg4[%dma_wait3A_989, %dma_wait3A_1001, %add3A, %dma_wait3A_1002] : memref<200x8x32x1024xf32, #tpu.memory_space<hbm>> -> memref<1x8x1x1024xf32, #tpu.memory_space<hbm>>
    %dma_wait3A_1004 = tpu.memref_squeeze %dma_wait3A_1003 : memref<1x8x1x1024xf32, #tpu.memory_space<hbm>> -> memref<8x1024xf32, #tpu.memory_space<hbm>>
    %dma_wait3A_1005 = arith.constant 0 : i32
    %dma_wait3A_1006 = arith.constant 0 : i32
    %dma_wait3A_1007 = tpu.memref_slice %arg8[%dma_wait3A_988, %dma_wait3A_1005, %dma_wait3A_1006] : memref<3x8x1024xf32, #tpu.memory_space<vmem>> -> memref<1x8x1024xf32, #tpu.memory_space<vmem>>
    %dma_wait3A_1008 = tpu.memref_squeeze %dma_wait3A_1007 : memref<1x8x1024xf32, #tpu.memory_space<vmem>> -> memref<8x1024xf32, #tpu.memory_space<vmem>>
    tpu.wait_dma2 semaphore(%dma_wait3A_1000 : memref<!tpu.dma_semaphore, #tpu.memory_space<semaphore_mem>>) src(%dma_wait3A_1008 : memref<8x1024xf32, #tpu.memory_space<vmem>>) dst(%dma_wait3A_1004 : memref<8x1024xf32, #tpu.memory_space<hbm>>)
    %dma_wait3A_1009 = arith.constant 2 : i32
    %dma_wait3A_1010 = arith.constant 0 : i32
    %dma_wait3A_1011 = arith.constant 2 : i32
    %dma_wait3A_1012 = arith.constant 0 : i32
    %dma_wait3A_1013 = arith.constant 0 : i32
    %dma_wait3A_1014 = tpu.memref_slice %arg8[%dma_wait3A_1009, %dma_wait3A_1012, %dma_wait3A_1013] : memref<3x8x1024xf32, #tpu.memory_space<vmem>> -> memref<1x8x1024xf32, #tpu.memory_space<vmem>>
    %dma_wait3A_1015 = tpu.memref_squeeze %dma_wait3A_1014 : memref<1x8x1024xf32, #tpu.memory_space<vmem>> -> memref<8x1024xf32, #tpu.memory_space<vmem>>
    %dma_wait3A_1016 = arith.constant 0 : i32
    %dma_wait3A_1017 = arith.constant 0 : i32
    %dma_wait3A_1018 = tpu.memref_slice %arg4[%dma_wait3A_1010, %dma_wait3A_1016, %add3A, %dma_wait3A_1017] : memref<200x8x32x1024xf32, #tpu.memory_space<hbm>> -> memref<1x8x1x1024xf32, #tpu.memory_space<hbm>>
    %dma_wait3A_1019 = tpu.memref_squeeze %dma_wait3A_1018 : memref<1x8x1x1024xf32, #tpu.memory_space<hbm>> -> memref<8x1024xf32, #tpu.memory_space<hbm>>
    %dma_wait3A_1020 = tpu.memref_slice %arg11[%dma_wait3A_1011] : memref<3x!tpu.dma_semaphore, #tpu.memory_space<semaphore_mem>> -> memref<1x!tpu.dma_semaphore, #tpu.memory_space<semaphore_mem>>
    %dma_wait3A_1021 = tpu.memref_squeeze %dma_wait3A_1020 : memref<1x!tpu.dma_semaphore, #tpu.memory_space<semaphore_mem>> -> memref<!tpu.dma_semaphore, #tpu.memory_space<semaphore_mem>>
    %dma_wait3A_1022 = arith.constant 0 : i32
    %dma_wait3A_1023 = arith.constant 0 : i32
    %dma_wait3A_1024 = tpu.memref_slice %arg4[%dma_wait3A_1010, %dma_wait3A_1022, %add3A, %dma_wait3A_1023] : memref<200x8x32x1024xf32, #tpu.memory_space<hbm>> -> memref<1x8x1x1024xf32, #tpu.memory_space<hbm>>
    %dma_wait3A_1025 = tpu.memref_squeeze %dma_wait3A_1024 : memref<1x8x1x1024xf32, #tpu.memory_space<hbm>> -> memref<8x1024xf32, #tpu.memory_space<hbm>>
    %dma_wait3A_1026 = arith.constant 0 : i32
    %dma_wait3A_1027 = arith.constant 0 : i32
    %dma_wait3A_1028 = tpu.memref_slice %arg8[%dma_wait3A_1009, %dma_wait3A_1026, %dma_wait3A_1027] : memref<3x8x1024xf32, #tpu.memory_space<vmem>> -> memref<1x8x1024xf32, #tpu.memory_space<vmem>>
    %dma_wait3A_1029 = tpu.memref_squeeze %dma_wait3A_1028 : memref<1x8x1024xf32, #tpu.memory_space<vmem>> -> memref<8x1024xf32, #tpu.memory_space<vmem>>
    tpu.wait_dma2 semaphore(%dma_wait3A_1021 : memref<!tpu.dma_semaphore, #tpu.memory_space<semaphore_mem>>) src(%dma_wait3A_1029 : memref<8x1024xf32, #tpu.memory_space<vmem>>) dst(%dma_wait3A_1025 : memref<8x1024xf32, #tpu.memory_space<hbm>>)
    return
  }
}

</mosaic_0001>

<sc_bundles>
// kernel: kernel.3.cloned.1.call-start
scs
__scs_entry_jumppad:
0x0: {  	(pc) =	sbr.rel $0x88, $3  }
0x1: {  	(tag) =	ssettag $0x0;
	lr =	simm.s32 $0x1  }
0x2: {  	[smem:$0x3F9F] =	sst lr;
	_ =	strace $0xD0000000  }
0x3: {  	_ = 	snop  }
0x4: {  	_ = 	snop  }
0x5: {  	_ = 	snop  }
0x6: {  	_ = 	snop  }
0x7: {  	_ = 	snop  }
__scs_overlays_trampoline_lowered:
0x8: {  	[smem:$0x3FAE] =	sst s0  }
0x9: {  	[smem:$0x3FAF] =	sst s1  }
0xa: {  	[smem:$0x3FB0] =	sst s2  }
0xb: {  	[smem:$0x3FB1] =	sst s3  }
0xc: {  	[smem:$0x3FB2] =	sst s4  }
0xd: {  	[smem:$0x3FB3] =	sst s5  }
0xe: {  	[smem:$0x3FB4] =	sst s6  }
0xf: {  	[smem:$0x3FB5] =	sst s7  }
0x10: {  	[smem:$0x3FB6] =	sst s8  }
0x11: {  	[smem:$0x3FB7] =	sst s9;
	s0 =	simm.s32 @!p0 $0x0  }
0x12: {  	s1 =	sld [smem:$0x3F9D];
	s0 =	simm.s32 @p0 $0x1  }
0x13: {  	[smem:$0x3FB8] =	sst s0;
	s0 =	simm.s32 @!p1 $0x0  }
0x14: {  	s2 =	sld [smem:$0x3F9C];
	s0 =	simm.s32 @p1 $0x1  }
0x15: {  	[smem:$0x3FB9] =	sst s0;
	s0 =	simm.s32 @!p2 $0x0  }
0x16: {  	s3 =	sld [smem:$0x3FDB];
	s0 =	simm.s32 @p2 $0x1  }
0x17: {  	s4 =	simm.s32 $0x1BF5;
	[smem:$0x3FBB] =	sst s0  }
0x18: {  	s0 =	sld [smem:$0x3F9E];
	_ =	swait.ge [sflag:s4], $0x0  }
0x19: {  	s7 =	sld [smem:$0x3F9F]  }
0x1a: {  	s8 =	sadd.s32 $0xFFFFE003, lr  }
0x1b: {  	s9 =	sadd.s32 $0xFFFFFEF7, lr;
	s5 =	simm.s32 $0xFFFFFFFF;
	p2 =	slt.u32 s8, $0xFFFFF086  }
0x1c: {  	p1 =	slt.u32 s9, $0xF7A;
	s5 =	simm.s32 @!p2 $0x0  }
0x1d: {  	s5 =	simm.s32 @p1 $0x1;
	p0 =	seq.s32 s7, s2  }
0x1e: {  	s7 =	smul.u32 @!p0 $0xF7A, s2;
	p2 =	seq.s32 @!p0 s5, $0x0  }
0x1f: {  	s9 =	smul.u32 $0xF7A, s1;
	s8 =	simm.s32 @!p0 $0x1BF5;
	p2 =	por !p2, p0  }
0x20: {  	[sflag:s8] =	ssyncset.s32 @!p0 $0xFFFFF086;
	s6 =	sadd.s32 @!p0 s3, s7;
	s7 =	simm.s32 @!p0 $0x108  }
0x21: {  	s3 =	sadd.s32 s3, s9;
	s6 =	sadd.s32 @!p0 $0x88, s6;
	s7 =	simm.s32 @p2 $0x1082  }
0x22: {  	[simem:s7], [sflag:s8] =	dma.local @!p0 [hbm:s6], $0xF7A  }
0x23: {  	s9 =	sor.u32 $0xD0000000, s2;
	s6 =	simm.s32 $0x108;
	_ =	swait.ge @!p0 [sflag:s8], $0x0  }
0x24: {  	s3 =	sadd.s32 $0x88, s3;
	s6 =	simm.s32 @!p1 $0x1082;
	[sflag:s4] =	ssyncset.s32 $0xFFFFF086  }
0x25: {  	[simem:s6], [sflag:s4] =	dma.local [hbm:s3], $0xF7A  }
0x26: {  	[smem:$0x3F9F] =	sst s1;
	(tag) =	ssettag s2;
	_ =	strace s9  }
0x27: {  	s1 =	sld [smem:$0x3FAF]  }
0x28: {  	s2 =	sld [smem:$0x3FB0]  }
0x29: {  	s4 =	sld [smem:$0x3FB2]  }
0x2a: {  	p0 =	seq.s32 s5, $0x0;
	s5 =	sld [smem:$0x3FB3]  }
0x2b: {  	s6 =	sld [smem:$0x3FB4]  }
0x2c: {  	s7 =	sld [smem:$0x3FB5]  }
0x2d: {  	s3 =	simm.s32 $0x108;
	s8 =	sld [smem:$0x3FB6]  }
0x2e: {  	s3 =	simm.s32 @!p0 $0x1082;
	s9 =	sld [smem:$0x3FB7]  }
0x2f: {  	lr =	sadd.s32 s0, s3;
	s0 =	sld [smem:$0x3FAE]  }
0x30: {  	s3 =	sld [smem:$0x3FB1]  }
0x31: {  	[smem:$0x3FBA] =	sst s10  }
0x32: {  	s10 =	sld [smem:$0x3FB8];
	_ =	sdelay $0x3  }
0x33: {  	p0 =	seq.s32 s10, $0x1;
	s10 =	sld [smem:$0x3FBA];
	_ =	sdelay $0x3  }
0x34: {  	[smem:$0x3FBA] =	sst s10  }
0x35: {  	s10 =	sld [smem:$0x3FB9];
	_ =	sdelay $0x3  }
0x36: {  	p1 =	seq.s32 s10, $0x1;
	s10 =	sld [smem:$0x3FBA];
	_ =	sdelay $0x3  }
0x37: {  	[smem:$0x3FBA] =	sst s10  }
0x38: {  	s10 =	sld [smem:$0x3FBB]  }
0x39: {  	_ = 	snop;
	(pc) =	sbr.ind lr, $3  }
0x3a: {  	_ = 	snop  }
0x3b: {  	_ = 	snop  }
0x3c: {  	p2 =	seq.s32 s10, $0x1;
	s10 =	sld [smem:$0x3FBA]  }
0x3d: {  	_ =	shalt  }
0x3e: {  	_ =	shalt  }
0x3f: {  	_ =	shalt  }
0x40: {  	_ =	shalt  }
0x41: {  	_ =	shalt  }
0x42: {  	_ =	shalt  }
0x43: {  	_ =	shalt  }
0x44: {  	_ =	shalt  }
0x45: {  	_ =	shalt  }
0x46: {  	_ =	shalt  }
0x47: {  	_ =	shalt  }
0x48: {  	_ =	shalt  }
0x49: {  	_ =	shalt  }
0x4a: {  	_ =	shalt  }
0x4b: {  	_ =	shalt  }
0x4c: {  	_ =	shalt  }
0x4d: {  	_ =	shalt  }
0x4e: {  	_ =	shalt  }
0x4f: {  	_ =	shalt  }
0x50: {  	_ =	shalt  }
0x51: {  	_ =	shalt  }
0x52: {  	_ =	shalt  }
0x53: {  	_ =	shalt  }
0x54: {  	_ =	shalt  }
0x55: {  	_ =	shalt  }
0x56: {  	_ =	shalt  }
0x57: {  	_ =	shalt  }
0x58: {  	_ =	shalt  }
0x59: {  	_ =	shalt  }
0x5a: {  	_ =	shalt  }
0x5b: {  	_ =	shalt  }
0x5c: {  	_ =	shalt  }
0x5d: {  	_ =	shalt  }
0x5e: {  	_ =	shalt  }
0x5f: {  	_ =	shalt  }
0x60: {  	_ =	shalt  }
0x61: {  	_ =	shalt  }
0x62: {  	_ =	shalt  }
0x63: {  	_ =	shalt  }
0x64: {  	_ =	shalt  }
0x65: {  	_ =	shalt  }
0x66: {  	_ =	shalt  }
0x67: {  	_ =	shalt  }
0x68: {  	_ =	shalt  }
0x69: {  	_ =	shalt  }
0x6a: {  	_ =	shalt  }
0x6b: {  	_ =	shalt  }
0x6c: {  	_ =	shalt  }
0x6d: {  	_ =	shalt  }
0x6e: {  	_ =	shalt  }
0x6f: {  	_ =	shalt  }
0x70: {  	_ =	shalt  }
0x71: {  	_ =	shalt  }
0x72: {  	_ =	shalt  }
0x73: {  	_ =	shalt  }
0x74: {  	_ =	shalt  }
0x75: {  	_ =	shalt  }
0x76: {  	_ =	shalt  }
0x77: {  	_ =	shalt  }
0x78: {  	_ =	shalt  }
0x79: {  	_ =	shalt  }
0x7a: {  	_ =	shalt  }
0x7b: {  	_ =	shalt  }
0x7c: {  	_ =	shalt  }
0x7d: {  	_ =	shalt  }
0x7e: {  	_ =	shalt  }
0x7f: {  	_ =	shalt  }
0x80: {  	_ =	shalt  }
0x81: {  	_ =	shalt  }
0x82: {  	_ =	shalt  }
0x83: {  	_ =	shalt  }
0x84: {  	_ =	shalt  }
0x85: {  	_ =	shalt  }
0x86: {  	_ =	shalt  }
0x87: {  	_ =	shalt  }
.Lfunc_end0:
.L_simem_size_0:
called_computation_lowered:
.L_overlay_start_0:
0x88: {  	s2 =	sld [smem:$0x3FD9]  }
0x89: {  	s3 =	sld [smem:$0x3FFE];
	_ =	sdelay $0x1  }
0x8a: {  	s1 =	srdreg.scid  }
0x8b: {  	s0 =	sand.u32 $0x1, s1  }
0x8c: {  	s17 =	sshll.u32 s0, $0xA;
	s2 =	sadd.s32 s3, s2  }
0x8d: {  	s2 =	sadd.s32 s2, s17  }
0x8e: {  	[smem:$0x3FC6] =	sst s2  }
0x8f: {  	_ = 	snop  }
0x90: {  	s2 =	sld [smem:$0x3FC9]  }
0x91: {  	s18 =	sld [smem:$0x3FD0];
	(tm) =	ssettm $0x1  }
0x92: {  	s4 =	sld [smem:$0x3FFB];
	_ =	sdelay $0x3  }
0x93: {  	_ =	strace s4  }
0x94: {  	s4 =	sld [smem:$0x3FFC];
	_ =	sdelay $0x3  }
0x95: {  	_ =	strace s4  }
0x96: {  	s4 =	sld [smem:$0x3FFD];
	_ =	sdelay $0x3  }
0x97: {  	_ =	strace s4  }
0x98: {  	_ =	strace $0x8FFFFFFF  }
0x99: {  	s19 =	sld [smem:$0x3FDB];
	_ =	sdelay $0x1  }
0x9a: {  	s5 =	simm.s32 $_scs_section_size  }
0x9b: {  	s6 =	simm.s32 $_size__tile_overlayer_lowered;
	s7 =	simm.s32 $_tile_overlayer_lowered  }
0x9c: {  	s22 =	simm.s32 $0x1BFF;
	s21 =	sshll.u32 s7, $0x1;
	s4 =	sadd.s32 s5, s19  }
0x9d: {  	s8 =	simm.s32 $0x0;
	s20 =	sshll.u32 s6, $0x1;
	s6 =	sadd.s32 s21, s4  }
0x9e: {  	[timem:s8], [sflag:s22] =	dma.local [hbm:s6], s20  }
0x9f: {  	_ =	swait.ge [sflag:s22], s20  }
0xa0: {  	s5 =	ssub.s32 $0x0, s20;
	[sflag:s22] =	ssyncset.done $0x0  }
0xa1: {  	[sflag:s22] =	ssyncadd.s32 s5;
	_ =	sdelay $0x1  }
0xa2: {  	s23 =	simm.s32 $0x1B8B  }
0xa3: {  	_ =	swait.ge [sflag:s23], $0x1  }
0xa4: {  	[sflag:s23] =	ssyncset.done $0x0  }
0xa5: {  	s25 =	simm.s32 $0x1B8E;
	s24 =	sld [smem:$0x3FFE];
	[sflag:s23] =	ssyncadd.s32 $0xFFFFFFFF  }
0xa6: {  	s26 =	simm.s32 $execute0_lowered;
	[smem:$0x3FD2] =	sst s25  }
0xa7: {  	s6 =	sshll.u32 s26, $0x1;
	_ =	strace $0x80000046;
	[dreg:$0x1] =	wrdreg $0xFFFFFFFF  }
0xa8: {  	s28 =	simm.s32 $_size_execute0_lowered;
	s4 =	sadd.s32 s4, s6;
	[dreg:$0x0] =	wrdreg $0x0  }
0xa9: {  	s6 =	sshll.u32 s28, $0x1;
	[dreg:$0x2] =	wrdreg s4  }
0xaa: {  	[dreg:$0x3] =	wrdreg s6  }
0xab: {  	[dreg:$0x4] =	wrdreg $0xC0  }
0xac: {  	_ =	task [dreg:s8], $0x5FFFF  }
0xad: {  	[dreg:$0x1] =	wrdreg $0xFFFFFFFF  }
0xae: {  	[dreg:$0x0] =	wrdreg $0x60  }
0xaf: {  	[dreg:$0x2] =	wrdreg s2  }
0xb0: {  	[dreg:$0x3] =	wrdreg s24  }
0xb1: {  	[dreg:$0x4] =	wrdreg s18  }
0xb2: {  	[dreg:$0x5] =	wrdreg $0x9  }
0xb3: {  	_ =	task.clear_ibuf [dreg:s8], $0x6FFFF;
	_ =	strace $0x90000046  }
0xb4: {  	s29 =	simm.s32 $0x9;
	_ =	strace $0x80000048  }
0xb5: {  	_ =	swait.ge [sflag:s29], $0x1  }
0xb6: {  	[sflag:s29] =	ssyncadd.s32 $0xFFFFFFFF  }
0xb7: {  	_ =	strace $0x90000048  }
0xb8: {  	_ =	sfence  }
0xb9: {  	s30 =	sld [smem:$0x0];
	_ =	sdelay $0x2  }
0xba: {  	s31 =	sshll.u32 s1, $0xD;
	s1 =	sshrl.u32 s1, $0x2  }
0xbb: {  	s3 =	sand.u32 $0x4000, s31;
	s1 =	sadd.s32 s1, s30  }
0xbc: {  	s0 =	sor.u32 s3, s0;
	s1 =	sshll.u32 s1, $0x11  }
0xbd: {  	s0 =	sor.u32 s1, s0  }
0xbe: {  	s0 =	sadd.s32 $0x8F2B, s0  }
0xbf: {  	[sflag:s0] =	ssyncadd.remote.s32 $0x1  }
0xc0: {  	_ =	sfence.sel $0xFFFF  }
0xc1: {  	[dreg:$0x0] =	wrdreg $0xFFFFFFFF;
	(pc) =	sbr.abs _section_cstart, $3  }
0xc2: {  	[dreg:$0x1] =	wrdreg $0xFFFFFFFF  }
0xc3: {  	_ =	task.clear_ibuf [dreg:s8], $0x2FFFF;
	_ =	strace $0x9FFFFFFF  }
0xc4: {  	(tm) =	ssettm $0x7FFFFFFF  }
0xc5: {  	_ =	shalt  }
tec
execute0_lowered:
.L_overlay_start_1:
0x0: {  	(tag) =	ssettag $0x1  }
0x1: {  	s0 =	rddreg [dreg:$0x0];
	s1 =	srdreg.scid  }
0x2: {  	s6 =	rddreg [dreg:$0x1];
	s3 =	stileid.u32;
	s1 =	sand.u32 $0x1, s1  }
0x3: {  	s4 =	sshll.u32 s3, $0xB;
	s5 =	sshll.u32 s1, $0xA;
	s1 =	ssub.s32 $0x2, s1  }
0x4: {  	s2 =	rddreg [dreg:$0x2];
	s4 =	sor.u32 s5, s4;
	s7 =	sshrl.u32 s1, $0x1  }
0x5: {  	s3 =	simm.s32 $0x0;
	s5 =	sshrl.u32 s4, $0x3;
	s31 =	ssub.s32 s1, s7  }
0x6: {  	[smem:$0x7FF] =	sst s3;
	s5 =	sadd.s32 s0, s5;
	s0 =	smax.u32 s31, $0x1  }
0x7: {  	_ =	strace $0x80000047;
	s7 =	sadd.s32 $0x1000, s5;
	[dreg:$0x16] =	wrdreg s0  }
0x8: {  	s8 =	sadd.s32 $0x2000, s5;
	[dreg:$0x4] =	wrdreg s7  }
0x9: {  	s9 =	sadd.s32 $0x3000, s5;
	[dreg:$0x5] =	wrdreg s8  }
0xa: {  	s10 =	sadd.s32 $0x4000, s5;
	[dreg:$0x6] =	wrdreg s9  }
0xb: {  	s11 =	sadd.s32 $0x5000, s5;
	[dreg:$0x7] =	wrdreg s10  }
0xc: {  	s12 =	sadd.s32 $0x6000, s5;
	[dreg:$0x8] =	wrdreg s11  }
0xd: {  	s13 =	sadd.s32 $0x7000, s5;
	[dreg:$0x9] =	wrdreg s12  }
0xe: {  	s14 =	sadd.s32 $0x8000, s5;
	[dreg:$0xa] =	wrdreg s13  }
0xf: {  	s15 =	sadd.s32 $0x9000, s5;
	[dreg:$0xb] =	wrdreg s14  }
0x10: {  	s16 =	sadd.s32 $0xA000, s5;
	[dreg:$0xc] =	wrdreg s15  }
0x11: {  	s17 =	sadd.s32 $0xB000, s5;
	[dreg:$0xd] =	wrdreg s16  }
0x12: {  	s18 =	sadd.s32 $0xC000, s5;
	[dreg:$0xe] =	wrdreg s17  }
0x13: {  	s19 =	sadd.s32 $0xD000, s5;
	[dreg:$0xf] =	wrdreg s18  }
0x14: {  	s20 =	sadd.s32 $0xE000, s5;
	[dreg:$0x10] =	wrdreg s19  }
0x15: {  	s21 =	sadd.s32 $0xF000, s5;
	[dreg:$0x11] =	wrdreg s20  }
0x16: {  	s22 =	sadd.s32 $0x10000, s5;
	[dreg:$0x12] =	wrdreg s21  }
0x17: {  	s23 =	sadd.s32 $0x11000, s5;
	[dreg:$0x13] =	wrdreg s22  }
0x18: {  	s24 =	sadd.s32 $0x12000, s5;
	[dreg:$0x14] =	wrdreg s23  }
0x19: {  	s25 =	sadd.s32 $0x13000, s5;
	[dreg:$0x15] =	wrdreg s24  }
0x1a: {  	s26 =	sadd.s32 $0x14000, s5;
	[dreg:$0x17] =	wrdreg s25  }
0x1b: {  	s28 =	sadd.s32 $0x15000, s5;
	[dreg:$0x18] =	wrdreg s26  }
0x1c: {  	v0 =	vlaneseq.u32;
	s29 =	sadd.s32 $0x16000, s5;
	[dreg:$0x19] =	wrdreg s28  }
0x1d: {  	s6 =	sadd.s32 $0xF42A00, s6;
	v0 =	vmul.u32 $0x48, v0;
	s30 =	sadd.s32 $0x17000, s5;
	[dreg:$0x1a] =	wrdreg s29  }
0x1e: {  	s31 =	sadd.s32 $0x18000, s5;
	s0 =	simm.s32 $0x400;
	[dreg:$0x1b] =	wrdreg s30  }
0x1f: {  	v1 =	vadd.s32 $0x480, v0;
	[dreg:$0x1c] =	wrdreg s31;
	s7 =	simm.s32 $0x1;
	s8 =	simm.s32 $0x80  }
0x20: {  	v2 =	vadd.s32 $0x900, v0;
	v3 =	vadd.s32 $0xD80, v0;
	v4 =	vadd.s32 $0x1200, v0;
	s9 =	simm.s32 $0xC400;
	s10 =	simm.s32 $0x8000;
	s11 =	simm.s32 $0x5  }
0x21: {  	v5 =	vadd.s32 $0x1680, v0;
	v6 =	vadd.s32 $0x1B00, v0;
	v7 =	vadd.s32 $0x1F80, v0;
	s12 =	simm.s32 $0x6;
	s13 =	simm.s32 $0x7;
	s14 =	simm.s32 $0x0  }
.LBB2_1:
0x22: {  	[tilespmem:s3], [sflag:$0x1] =	stream.linear.gather [hbm4b:s5+s3], $0x400, $0x38;
	[tilespmem:$0x14800] =	vst v63  }
0x23: {  	s1 =	rddreg [dreg:$0x4]  }
0x24: {  	[tilespmem:s0], [sflag:$0x1] =	stream.linear.gather [hbm4b:s1+s3], $0x400, $0x38;
	[tilespmem:$0x14800] =	vst v63  }
0x25: {  	s16 =	rddreg [dreg:$0x5];
	s15 =	simm.s32 $0x800  }
0x26: {  	[tilespmem:s15], [sflag:$0x1] =	stream.linear.gather [hbm4b:s16+s3], $0x400, $0x38;
	[tilespmem:$0x14800] =	vst v63  }
0x27: {  	s17 =	rddreg [dreg:$0x6];
	s18 =	simm.s32 $0xC00  }
0x28: {  	[tilespmem:s18], [sflag:$0x1] =	stream.linear.gather [hbm4b:s17+s3], $0x400, $0x38;
	[tilespmem:$0x14800] =	vst v63  }
0x29: {  	s19 =	rddreg [dreg:$0x7];
	s20 =	simm.s32 $0x1000  }
0x2a: {  	[tilespmem:s20], [sflag:$0x1] =	stream.linear.gather [hbm4b:s19+s3], $0x400, $0x38;
	[tilespmem:$0x14800] =	vst v63  }
0x2b: {  	s21 =	rddreg [dreg:$0x8];
	s22 =	simm.s32 $0x1400  }
0x2c: {  	[tilespmem:s22], [sflag:$0x1] =	stream.linear.gather [hbm4b:s21+s3], $0x400, $0x38;
	[tilespmem:$0x14800] =	vst v63  }
0x2d: {  	s23 =	rddreg [dreg:$0x9];
	s24 =	simm.s32 $0x1800  }
0x2e: {  	[tilespmem:s24], [sflag:$0x1] =	stream.linear.gather [hbm4b:s23+s3], $0x400, $0x38;
	[tilespmem:$0x14800] =	vst v63  }
0x2f: {  	s25 =	rddreg [dreg:$0xa];
	s26 =	simm.s32 $0x1C00  }
0x30: {  	[tilespmem:s26], [sflag:$0x1] =	stream.linear.gather [hbm4b:s25+s3], $0x400, $0x38;
	[tilespmem:$0x14800] =	vst v63  }
0x31: {  	s28 =	rddreg [dreg:$0xb];
	s29 =	simm.s32 $0x2000  }
0x32: {  	[tilespmem:s29], [sflag:$0x1] =	stream.linear.gather [hbm4b:s28+s3], $0x400, $0x38;
	[tilespmem:$0x14800] =	vst v63  }
0x33: {  	s30 =	rddreg [dreg:$0xc];
	s31 =	simm.s32 $0x2400  }
0x34: {  	[tilespmem:s31], [sflag:$0x1] =	stream.linear.gather [hbm4b:s30+s3], $0x400, $0x38;
	[tilespmem:$0x14800] =	vst v63  }
0x35: {  	s15 =	rddreg [dreg:$0xd];
	s16 =	simm.s32 $0x2800  }
0x36: {  	[tilespmem:s16], [sflag:$0x1] =	stream.linear.gather [hbm4b:s15+s3], $0x400, $0x38;
	[tilespmem:$0x14800] =	vst v63  }
0x37: {  	s17 =	rddreg [dreg:$0xe];
	s18 =	simm.s32 $0x2C00  }
0x38: {  	[tilespmem:s18], [sflag:$0x1] =	stream.linear.gather [hbm4b:s17+s3], $0x400, $0x38;
	[tilespmem:$0x14800] =	vst v63  }
0x39: {  	s19 =	rddreg [dreg:$0xf];
	s20 =	simm.s32 $0x3000  }
0x3a: {  	[tilespmem:s20], [sflag:$0x1] =	stream.linear.gather [hbm4b:s19+s3], $0x400, $0x38;
	[tilespmem:$0x14800] =	vst v63  }
0x3b: {  	s21 =	rddreg [dreg:$0x10];
	s22 =	simm.s32 $0x3400  }
0x3c: {  	[tilespmem:s22], [sflag:$0x1] =	stream.linear.gather [hbm4b:s21+s3], $0x400, $0x38;
	[tilespmem:$0x14800] =	vst v63  }
0x3d: {  	s23 =	rddreg [dreg:$0x11];
	s24 =	simm.s32 $0x3800  }
0x3e: {  	[tilespmem:s24], [sflag:$0x1] =	stream.linear.gather [hbm4b:s23+s3], $0x400, $0x38;
	[tilespmem:$0x14800] =	vst v63  }
0x3f: {  	s25 =	rddreg [dreg:$0x12];
	s26 =	simm.s32 $0x3C00  }
0x40: {  	[tilespmem:s26], [sflag:$0x1] =	stream.linear.gather [hbm4b:s25+s3], $0x400, $0x38;
	[tilespmem:$0x14800] =	vst v63  }
0x41: {  	s28 =	rddreg [dreg:$0x13];
	s29 =	simm.s32 $0x4000  }
0x42: {  	[tilespmem:s29], [sflag:$0x1] =	stream.linear.gather [hbm4b:s28+s3], $0x400, $0x38;
	[tilespmem:$0x14800] =	vst v63  }
0x43: {  	s30 =	rddreg [dreg:$0x14];
	s31 =	simm.s32 $0x4400  }
0x44: {  	[tilespmem:s31], [sflag:$0x1] =	stream.linear.gather [hbm4b:s30+s3], $0x400, $0x38;
	[tilespmem:$0x14800] =	vst v63  }
0x45: {  	s16 =	rddreg [dreg:$0x15];
	s17 =	simm.s32 $0x4800  }
0x46: {  	[tilespmem:s17], [sflag:$0x1] =	stream.linear.gather [hbm4b:s16+s3], $0x400, $0x38;
	[tilespmem:$0x14800] =	vst v63  }
0x47: {  	s18 =	rddreg [dreg:$0x17];
	s19 =	simm.s32 $0x4C00  }
0x48: {  	[tilespmem:s19], [sflag:$0x1] =	stream.linear.gather [hbm4b:s18+s3], $0x400, $0x38;
	[tilespmem:$0x14800] =	vst v63  }
0x49: {  	s20 =	rddreg [dreg:$0x18];
	s21 =	simm.s32 $0x5000  }
0x4a: {  	[tilespmem:s21], [sflag:$0x1] =	stream.linear.gather [hbm4b:s20+s3], $0x400, $0x38;
	[tilespmem:$0x14800] =	vst v63  }
0x4b: {  	s22 =	rddreg [dreg:$0x19];
	s23 =	simm.s32 $0x5400  }
0x4c: {  	[tilespmem:s23], [sflag:$0x1] =	stream.linear.gather [hbm4b:s22+s3], $0x400, $0x38;
	[tilespmem:$0x14800] =	vst v63  }
0x4d: {  	s24 =	rddreg [dreg:$0x1a];
	s25 =	simm.s32 $0x5800  }
0x4e: {  	[tilespmem:s25], [sflag:$0x1] =	stream.linear.gather [hbm4b:s24+s3], $0x400, $0x38;
	[tilespmem:$0x14800] =	vst v63  }
0x4f: {  	s26 =	rddreg [dreg:$0x1b];
	s28 =	simm.s32 $0x5C00  }
0x50: {  	[tilespmem:s28], [sflag:$0x1] =	stream.linear.gather [hbm4b:s26+s3], $0x400, $0x38;
	[tilespmem:$0x14800] =	vst v63  }
0x51: {  	s29 =	rddreg [dreg:$0x1c];
	s30 =	simm.s32 $0x6000  }
0x52: {  	[tilespmem:s30], [sflag:$0x1] =	stream.linear.gather [hbm4b:s29+s3], $0x400, $0x38;
	[tilespmem:$0x14800] =	vst v63  }
0x53: {  	_ =	swait.ge [sflag:s7], $0x400  }
0x54: {  	[sflag:s7] =	ssyncset.done $0x0  }
0x55: {  	[sflag:s7] =	ssyncadd.s32 $0xFFFFFC00  }
0x56: {  	_ =	swait.ge [sflag:s7], $0x400  }
0x57: {  	[sflag:s7] =	ssyncset.done $0x0  }
0x58: {  	[sflag:s7] =	ssyncadd.s32 $0xFFFFFC00  }
0x59: {  	_ =	swait.ge [sflag:s7], $0x400  }
0x5a: {  	[sflag:s7] =	ssyncset.done $0x0  }
0x5b: {  	[sflag:s7] =	ssyncadd.s32 $0xFFFFFC00  }
0x5c: {  	_ =	swait.ge [sflag:s7], $0x400  }
0x5d: {  	[sflag:s7] =	ssyncset.done $0x0  }
0x5e: {  	[sflag:s7] =	ssyncadd.s32 $0xFFFFFC00  }
0x5f: {  	_ =	swait.ge [sflag:s7], $0x400  }
0x60: {  	[sflag:s7] =	ssyncset.done $0x0  }
0x61: {  	[sflag:s7] =	ssyncadd.s32 $0xFFFFFC00  }
0x62: {  	_ =	swait.ge [sflag:s7], $0x400  }
0x63: {  	[sflag:s7] =	ssyncset.done $0x0  }
0x64: {  	[sflag:s7] =	ssyncadd.s32 $0xFFFFFC00  }
0x65: {  	_ =	swait.ge [sflag:s7], $0x400  }
0x66: {  	[sflag:s7] =	ssyncset.done $0x0  }
0x67: {  	[sflag:s7] =	ssyncadd.s32 $0xFFFFFC00  }
0x68: {  	_ =	swait.ge [sflag:s7], $0x400  }
0x69: {  	[sflag:s7] =	ssyncset.done $0x0  }
0x6a: {  	[sflag:s7] =	ssyncadd.s32 $0xFFFFFC00  }
0x6b: {  	_ =	swait.ge [sflag:s7], $0x400  }
0x6c: {  	[sflag:s7] =	ssyncset.done $0x0  }
0x6d: {  	[sflag:s7] =	ssyncadd.s32 $0xFFFFFC00  }
0x6e: {  	_ =	swait.ge [sflag:s7], $0x400  }
0x6f: {  	[sflag:s7] =	ssyncset.done $0x0  }
0x70: {  	[sflag:s7] =	ssyncadd.s32 $0xFFFFFC00  }
0x71: {  	_ =	swait.ge [sflag:s7], $0x400  }
0x72: {  	[sflag:s7] =	ssyncset.done $0x0  }
0x73: {  	[sflag:s7] =	ssyncadd.s32 $0xFFFFFC00  }
0x74: {  	_ =	swait.ge [sflag:s7], $0x400  }
0x75: {  	[sflag:s7] =	ssyncset.done $0x0  }
0x76: {  	[sflag:s7] =	ssyncadd.s32 $0xFFFFFC00  }
0x77: {  	_ =	swait.ge [sflag:s7], $0x400  }
0x78: {  	[sflag:s7] =	ssyncset.done $0x0  }
0x79: {  	[sflag:s7] =	ssyncadd.s32 $0xFFFFFC00  }
0x7a: {  	_ =	swait.ge [sflag:s7], $0x400  }
0x7b: {  	[sflag:s7] =	ssyncset.done $0x0  }
0x7c: {  	[sflag:s7] =	ssyncadd.s32 $0xFFFFFC00  }
0x7d: {  	_ =	swait.ge [sflag:s7], $0x400  }
0x7e: {  	[sflag:s7] =	ssyncset.done $0x0  }
0x7f: {  	[sflag:s7] =	ssyncadd.s32 $0xFFFFFC00  }
0x80: {  	_ =	swait.ge [sflag:s7], $0x400  }
0x81: {  	[sflag:s7] =	ssyncset.done $0x0  }
0x82: {  	[sflag:s7] =	ssyncadd.s32 $0xFFFFFC00  }
0x83: {  	_ =	swait.ge [sflag:s7], $0x400  }
0x84: {  	[sflag:s7] =	ssyncset.done $0x0  }
0x85: {  	[sflag:s7] =	ssyncadd.s32 $0xFFFFFC00  }
0x86: {  	_ =	swait.ge [sflag:s7], $0x400  }
0x87: {  	[sflag:s7] =	ssyncset.done $0x0  }
0x88: {  	[sflag:s7] =	ssyncadd.s32 $0xFFFFFC00  }
0x89: {  	_ =	swait.ge [sflag:s7], $0x400  }
0x8a: {  	[sflag:s7] =	ssyncset.done $0x0  }
0x8b: {  	[sflag:s7] =	ssyncadd.s32 $0xFFFFFC00  }
0x8c: {  	_ =	swait.ge [sflag:s7], $0x400  }
0x8d: {  	[sflag:s7] =	ssyncset.done $0x0  }
0x8e: {  	[sflag:s7] =	ssyncadd.s32 $0xFFFFFC00  }
0x8f: {  	_ =	swait.ge [sflag:s7], $0x400  }
0x90: {  	[sflag:s7] =	ssyncset.done $0x0  }
0x91: {  	[sflag:s7] =	ssyncadd.s32 $0xFFFFFC00  }
0x92: {  	_ =	swait.ge [sflag:s7], $0x400  }
0x93: {  	[sflag:s7] =	ssyncset.done $0x0  }
0x94: {  	[sflag:s7] =	ssyncadd.s32 $0xFFFFFC00  }
0x95: {  	_ =	swait.ge [sflag:s7], $0x400  }
0x96: {  	[sflag:s7] =	ssyncset.done $0x0  }
0x97: {  	[sflag:s7] =	ssyncadd.s32 $0xFFFFFC00  }
0x98: {  	_ =	swait.ge [sflag:s7], $0x400  }
0x99: {  	[sflag:s7] =	ssyncset.done $0x0  }
0x9a: {  	[sflag:s7] =	ssyncadd.s32 $0xFFFFFC00  }
0x9b: {  	_ =	swait.ge [sflag:s7], $0x400  }
0x9c: {  	[sflag:s7] =	ssyncset.done $0x0  }
0x9d: {  	s15 =	simm.s32 $0x6400;
	[sflag:s7] =	ssyncadd.s32 $0xFFFFFC00  }
0x9e: {  	[tilespmem:s15], [sflag:$0x2] =	stream.indirect.gather [hbm4b:s6+s8], $0x40, s3, s8, $0xb8;
	[tilespmem:$0x14800] =	vst v63  }
0x9f: {  	s31 =	simm.s32 $0x8400;
	s16 =	simm.s32 $0x0  }
0xa0: {  	[tilespmem:s31], [sflag:$0x3] =	stream.indirect.gather [hbm4b:s6+s8], $0x40, s8, s8, $0xb8;
	[tilespmem:$0x14800] =	vst v63  }
.LBB2_2:
0xa1: {  	s17 =	smul.u32 $0xAB, s16;
	_ =	sdelay $0x1  }
0xa2: {  	s17 =	sshrl.u32 s17, $0x9  }
0xa3: {  	s18 =	smulhi.u32 $0xAAAAAAAB, s16;
	s17 =	sand.u32 $0x7F, s17  }
0xa4: {  	s17 =	smul.u32 $0x3, s17;
	_ =	sdelay $0x1  }
0xa5: {  	s18 =	sshrl.u32 s18, $0x1;
	s17 =	ssub.s32 s16, s17  }
0xa6: {  	s18 =	smul.u32 $0xFFFE8000, s18;
	s17 =	sand.u32 $0xFF, s17  }
0xa7: {  	s19 =	sadd.s32 $0x2, s17  }
0xa8: {  	s20 =	sshra.s32 s18, $0x2;
	_ =	swait.ge [sflag:s19], $0x2000  }
0xa9: {  	p0 =	slt.u32 s16, $0x3;
	v8 =	vmov s20;
	[sflag:s19] =	ssyncset.done $0x0  }
0xaa: {  	[sflag:s19] =	ssyncadd.s32 $0xFFFFE000;
	s19 =	sadd.s32 @!p0 $0x5, s17  }
0xab: {  	_ =	swait.ge @!p0 [sflag:s19], $0x2000  }
0xac: {  	[sflag:s19] =	ssyncset.done @!p0 $0x0  }
0xad: {  	[sflag:s19] =	ssyncadd.s32 @!p0 $0xFFFFE000  }
0xae: {  	v9 =	vld.idx.msk [tilespmem:v8+s15+$0xC0 ss:$0x1], $0xffff;
	_ =	sdelay $0x2  }
0xaf: {  	v10 =	vld.idx.msk [tilespmem:v8+s15+$0x40 ss:$0x1], $0xffff  }
0xb0: {  	v11 =	vld.idx.msk [tilespmem:v8+s15+$0x0 ss:$0x1], $0xffff  }
0xb1: {  	v12 =	vld.idx.msk [tilespmem:v8+s15+$0x80 ss:$0x1], $0xffff;
	v9 =	vmul.f32 $8.000000000e+00, v9  }
0xb2: {  	s19 =	simm.s32 $0xC490  }
0xb3: {  	[tilespmem:s19+$0x48] =	vst v9  }
0xb4: {  	v9 =	vmul.f32 $8.000000000e+00, v10;
	v10 =	vld.idx.msk [tilespmem:v8+s15+$0xD0 ss:$0x1], $0xffff  }
0xb5: {  	s21 =	sadd.s32 $0x100, s15;
	v11 =	vmul.f32 $8.000000000e+00, v11  }
0xb6: {  	v13 =	vld.idx.msk [tilespmem:v8+s21+$0xC0 ss:$0x1], $0xffff;
	[tilespmem:s19+$0xFFFFFFB8] =	vst v9;
	v9 =	vmul.f32 $8.000000000e+00, v12  }
0xb7: {  	[tilespmem:s19+$0xFFFFFF70] =	vst v11;
	v12 =	vld.idx.msk [tilespmem:v8+s15+$0x50 ss:$0x1], $0xffff  }
0xb8: {  	[tilespmem:s19+$0x0] =	vst v9;
	v9 =	vld.idx.msk [tilespmem:v8+s15+$0x10 ss:$0x1], $0xffff  }
0xb9: {  	v11 =	vld.idx.msk [tilespmem:v8+s15+$0x90 ss:$0x1], $0xffff;
	v10 =	vmul.f32 $8.000000000e+00, v10  }
0xba: {  	v14 =	vld.idx.msk [tilespmem:v8+s21+$0x40 ss:$0x1], $0xffff  }
0xbb: {  	v15 =	vld.idx.msk [tilespmem:v8+s21+$0x80 ss:$0x1], $0xffff;
	v13 =	vmul.f32 $8.000000000e+00, v13;
	[tilespmem:s19+$0x58] =	vst v10  }
0xbc: {  	s22 =	sadd.s32 $0x100, s21;
	s20 =	simm.s32 $0xC5B0;
	v10 =	vmul.f32 $8.000000000e+00, v12;
	v12 =	vld.idx.msk [tilespmem:v8+s15+$0xE0 ss:$0x1], $0xffff  }
0xbd: {  	v17 =	vld.idx.msk [tilespmem:v8+s22+$0x40 ss:$0x1], $0xffff;
	[tilespmem:s20+$0x48] =	vst v13;
	v9 =	vmul.f32 $8.000000000e+00, v9  }
0xbe: {  	[tilespmem:s19+$0xFFFFFFC8] =	vst v10;
	v10 =	vmul.f32 $8.000000000e+00, v11;
	v11 =	vld.idx.msk [tilespmem:v8+s21+$0x0 ss:$0x1], $0xffff  }
0xbf: {  	v14 =	vmul.f32 $8.000000000e+00, v14;
	[tilespmem:s19+$0xFFFFFF80] =	vst v9;
	v9 =	vld.idx.msk [tilespmem:v8+s15+$0x60 ss:$0x1], $0xffff  }
0xc0: {  	[tilespmem:s19+$0x10] =	vst v10;
	v10 =	vld.idx.msk [tilespmem:v8+s15+$0x20 ss:$0x1], $0xffff  }
0xc1: {  	[tilespmem:s20+$0xFFFFFFB8] =	vst v14;
	v14 =	vld.idx.msk [tilespmem:v8+s21+$0xD0 ss:$0x1], $0xffff;
	v12 =	vmul.f32 $8.000000000e+00, v12  }
0xc2: {  	v13 =	vmul.f32 $8.000000000e+00, v15;
	v16 =	vld.idx.msk [tilespmem:v8+s15+$0xA0 ss:$0x1], $0xffff  }
0xc3: {  	v15 =	vld.idx.msk [tilespmem:v8+s21+$0x50 ss:$0x1], $0xffff;
	v11 =	vmul.f32 $8.000000000e+00, v11;
	[tilespmem:s19+$0x68] =	vst v12  }
0xc4: {  	[tilespmem:s20+$0x0] =	vst v13;
	v9 =	vmul.f32 $8.000000000e+00, v9;
	v12 =	vld.idx.msk [tilespmem:v8+s15+$0xF0 ss:$0x1], $0xffff  }
0xc5: {  	[tilespmem:s20+$0xFFFFFF70] =	vst v11;
	v11 =	vld.idx.msk [tilespmem:v8+s21+$0x90 ss:$0x1], $0xffff;
	v10 =	vmul.f32 $8.000000000e+00, v10  }
0xc6: {  	v14 =	vmul.f32 $8.000000000e+00, v14;
	v13 =	vld.idx.msk [tilespmem:v8+s21+$0x10 ss:$0x1], $0xffff;
	[tilespmem:s19+$0xFFFFFFD8] =	vst v9  }
0xc7: {  	v9 =	vmul.f32 $8.000000000e+00, v16;
	[tilespmem:s19+$0xFFFFFF90] =	vst v10;
	v10 =	vld.idx.msk [tilespmem:v8+s15+$0x70 ss:$0x1], $0xffff  }
0xc8: {  	v15 =	vmul.f32 $8.000000000e+00, v15;
	[tilespmem:s20+$0x58] =	vst v14;
	v16 =	vld.idx.msk [tilespmem:v8+s15+$0x30 ss:$0x1], $0xffff  }
0xc9: {  	[tilespmem:s19+$0x20] =	vst v9;
	v9 =	vld.idx.msk [tilespmem:v8+s22+$0xC0 ss:$0x1], $0xffff;
	v12 =	vmul.f32 $8.000000000e+00, v12  }
0xca: {  	[tilespmem:s20+$0xFFFFFFC8] =	vst v15;
	v15 =	vld.idx.msk [tilespmem:v8+s22+$0x80 ss:$0x1], $0xffff;
	v11 =	vmul.f32 $8.000000000e+00, v11  }
0xcb: {  	v14 =	vld.idx.msk [tilespmem:v8+s21+$0xE0 ss:$0x1], $0xffff;
	v13 =	vmul.f32 $8.000000000e+00, v13;
	[tilespmem:s19+$0x78] =	vst v12  }
0xcc: {  	v18 =	vld.idx.msk [tilespmem:v8+s15+$0xB0 ss:$0x1], $0xffff;
	[tilespmem:s20+$0x10] =	vst v11;
	v10 =	vmul.f32 $8.000000000e+00, v10  }
0xcd: {  	v12 =	vld.idx.msk [tilespmem:v8+s22+$0x0 ss:$0x1], $0xffff;
	[tilespmem:s20+$0xFFFFFF80] =	vst v13;
	v13 =	vmul.f32 $8.000000000e+00, v16  }
0xce: {  	v11 =	vld.idx.msk [tilespmem:v8+s21+$0x60 ss:$0x1], $0xffff;
	v9 =	vmul.f32 $8.000000000e+00, v9;
	[tilespmem:s19+$0xFFFFFFE8] =	vst v10  }
0xcf: {  	s23 =	simm.s32 $0xC6D0;
	v16 =	vld.idx.msk [tilespmem:v8+s21+$0x20 ss:$0x1], $0xffff;
	v10 =	vmul.f32 $8.000000000e+00, v17;
	[tilespmem:s19+$0xFFFFFFA0] =	vst v13  }
0xd0: {  	v17 =	vld.idx.msk [tilespmem:v8+s21+$0xA0 ss:$0x1], $0xffff;
	[tilespmem:s23+$0x48] =	vst v9;
	v9 =	vmul.f32 $8.000000000e+00, v14  }
0xd1: {  	[tilespmem:s23+$0xFFFFFFB8] =	vst v10;
	v10 =	vmul.f32 $8.000000000e+00, v15;
	v19 =	vld.idx.msk [tilespmem:v8+s22+$0xD0 ss:$0x1], $0xffff  }
0xd2: {  	v12 =	vmul.f32 $8.000000000e+00, v12;
	v13 =	vld.idx.msk [tilespmem:v8+s22+$0x50 ss:$0x1], $0xffff;
	[tilespmem:s20+$0x68] =	vst v9  }
0xd3: {  	[tilespmem:s23+$0x0] =	vst v10;
	v10 =	vmul.f32 $8.000000000e+00, v11;
	v9 =	vld.idx.msk [tilespmem:v8+s21+$0xF0 ss:$0x1], $0xffff  }
0xd4: {  	[tilespmem:s23+$0xFFFFFF70] =	vst v12;
	v12 =	vld.idx.msk [tilespmem:v8+s22+$0x90 ss:$0x1], $0xffff;
	v11 =	vmul.f32 $8.000000000e+00, v16  }
0xd5: {  	v17 =	vmul.f32 $8.000000000e+00, v17;
	v14 =	vld.idx.msk [tilespmem:v8+s22+$0x10 ss:$0x1], $0xffff;
	[tilespmem:s20+$0xFFFFFFD8] =	vst v10  }
0xd6: {  	v15 =	vmul.f32 $8.000000000e+00, v18;
	[tilespmem:s20+$0xFFFFFF90] =	vst v11;
	v10 =	vld.idx.msk [tilespmem:v8+s21+$0x70 ss:$0x1], $0xffff  }
0xd7: {  	s24 =	simm.s32 $0x8;
	s25 =	sadd.s32 $0x100, s22;
	s18 =	sshll.u32 s17, $0xF;
	v16 =	vmul.f32 $8.000000000e+00, v19;
	[tilespmem:s20+$0x20] =	vst v17;
	v11 =	vld.idx.msk [tilespmem:v8+s21+$0x30 ss:$0x1], $0xffff  }
.LBB2_3:
0xd8: {  	v17 =	vld.idx.msk [tilespmem:v8+s25+$0xC0 ss:$0x1], $0xffff;
	s24 =	sadd.s32 $0x4, s24;
	v13 =	vmul.f32 $8.000000000e+00, v13;
	[tilespmem:s19+$0x30] =	vst v15;
	s19 =	smov.u32 s20;
	s20 =	smov.u32 s23  }
0xd9: {  	v9 =	vmul.f32 $8.000000000e+00, v9;
	v15 =	vld.idx.msk [tilespmem:v8+s25+$0x40 ss:$0x1], $0xffff;
	p0 =	slt.u32 s24, $0x7C;
	[tilespmem:s23+$0x58] =	vst v16  }
0xda: {  	v12 =	vmul.f32 $8.000000000e+00, v12;
	[tilespmem:s23+$0xFFFFFFC8] =	vst v13;
	v13 =	vld.idx.msk [tilespmem:v8+s22+$0xE0 ss:$0x1], $0xffff  }
0xdb: {  	v14 =	vmul.f32 $8.000000000e+00, v14;
	v16 =	vld.idx.msk [tilespmem:v8+s25+$0x80 ss:$0x1], $0xffff;
	[tilespmem:s19+$0x78] =	vst v9  }
0xdc: {  	v10 =	vmul.f32 $8.000000000e+00, v10;
	v9 =	vld.idx.msk [tilespmem:v8+s25+$0x0 ss:$0x1], $0xffff;
	[tilespmem:s23+$0x10] =	vst v12  }
0xdd: {  	v11 =	vmul.f32 $8.000000000e+00, v11;
	[tilespmem:s23+$0xFFFFFF80] =	vst v14;
	v12 =	vld.idx.msk [tilespmem:v8+s22+$0x60 ss:$0x1], $0xffff  }
0xde: {  	v14 =	vmul.f32 $8.000000000e+00, v17;
	v17 =	vld.idx.msk [tilespmem:v8+s22+$0x20 ss:$0x1], $0xffff;
	[tilespmem:s19+$0xFFFFFFE8] =	vst v10  }
0xdf: {  	s23 =	sadd.s32 $0x120, s23;
	v10 =	vmul.f32 $8.000000000e+00, v15;
	v15 =	vld.idx.msk [tilespmem:v8+s22+$0xA0 ss:$0x1], $0xffff;
	[tilespmem:s19+$0xFFFFFFA0] =	vst v11  }
0xe0: {  	v11 =	vmul.f32 $8.000000000e+00, v13;
	[tilespmem:s23+$0x48] =	vst v14;
	v18 =	vld.idx.msk [tilespmem:v8+s21+$0xB0 ss:$0x1], $0xffff;
	s21 =	smov.u32 s22;
	s22 =	smov.u32 s25  }
0xe1: {  	[tilespmem:s23+$0xFFFFFFB8] =	vst v10;
	v10 =	vmul.f32 $8.000000000e+00, v16;
	v16 =	vld.idx.msk [tilespmem:v8+s25+$0xD0 ss:$0x1], $0xffff  }
0xe2: {  	v14 =	vmul.f32 $8.000000000e+00, v9;
	v13 =	vld.idx.msk [tilespmem:v8+s25+$0x50 ss:$0x1], $0xffff;
	[tilespmem:s20+$0x68] =	vst v11  }
.Ltmp0:
0xe3: {  	[tilespmem:s23+$0x0] =	vst v10;
	v10 =	vmul.f32 $8.000000000e+00, v12;
	v9 =	vld.idx.msk [tilespmem:v8+s21+$0xF0 ss:$0x1], $0xffff;
	(pc) =	sbr.rel @p0 .LBB2_3-.Ltmp0, $4  }
0xe4: {  	v11 =	vmul.f32 $8.000000000e+00, v17;
	[tilespmem:s23+$0xFFFFFF70] =	vst v14;
	v12 =	vld.idx.msk [tilespmem:v8+s25+$0x90 ss:$0x1], $0xffff  }
0xe5: {  	v17 =	vmul.f32 $8.000000000e+00, v15;
	v14 =	vld.idx.msk [tilespmem:v8+s25+$0x10 ss:$0x1], $0xffff;
	[tilespmem:s20+$0xFFFFFFD8] =	vst v10  }
0xe6: {  	v15 =	vmul.f32 $8.000000000e+00, v18;
	[tilespmem:s20+$0xFFFFFF90] =	vst v11;
	v10 =	vld.idx.msk [tilespmem:v8+s21+$0x70 ss:$0x1], $0xffff  }
0xe7: {  	s25 =	sadd.s32 $0x100, s25;
	v16 =	vmul.f32 $8.000000000e+00, v16;
	v11 =	vld.idx.msk [tilespmem:v8+s21+$0x30 ss:$0x1], $0xffff;
	[tilespmem:s20+$0x20] =	vst v17  }
0xe8: {  	_ =	sdelay $0x1  }
0xe9: {  	v13 =	vmul.f32 $8.000000000e+00, v13  }
0xea: {  	[tilespmem:s23+$0x58] =	vst v16;
	v14 =	vmul.f32 $8.000000000e+00, v14  }
0xeb: {  	v12 =	vmul.f32 $8.000000000e+00, v12;
	[tilespmem:s23+$0xFFFFFFC8] =	vst v13;
	v13 =	vld.idx.msk [tilespmem:v8+s22+$0xE0 ss:$0x1], $0xffff  }
0xec: {  	[tilespmem:s23+$0xFFFFFF80] =	vst v14;
	v14 =	vld.idx.msk [tilespmem:v8+s22+$0x60 ss:$0x1], $0xffff  }
0xed: {  	[tilespmem:s23+$0x10] =	vst v12;
	v12 =	vld.idx.msk [tilespmem:v8+s22+$0x20 ss:$0x1], $0xffff  }
0xee: {  	v16 =	vld.idx.msk [tilespmem:v8+s22+$0xA0 ss:$0x1], $0xffff;
	_ =	sdelay $0x1  }
0xef: {  	v13 =	vmul.f32 $8.000000000e+00, v13  }
0xf0: {  	[tilespmem:s19+$0x30] =	vst v15;
	v14 =	vmul.f32 $8.000000000e+00, v14  }
0xf1: {  	v15 =	vld.idx.msk [tilespmem:v8+s21+$0xB0 ss:$0x1], $0xffff;
	[tilespmem:s23+$0x68] =	vst v13;
	v12 =	vmul.f32 $8.000000000e+00, v12  }
0xf2: {  	v13 =	vld.idx.msk [tilespmem:v8+s22+$0xF0 ss:$0x1], $0xffff;
	[tilespmem:s23+$0xFFFFFFD8] =	vst v14;
	v14 =	vmul.f32 $8.000000000e+00, v16  }
0xf3: {  	v9 =	vmul.f32 $8.000000000e+00, v9;
	[tilespmem:s23+$0xFFFFFF90] =	vst v12;
	v12 =	vld.idx.msk [tilespmem:v8+s22+$0x70 ss:$0x1], $0xffff  }
0xf4: {  	v10 =	vmul.f32 $8.000000000e+00, v10;
	v16 =	vld.idx.msk [tilespmem:v8+s22+$0x30 ss:$0x1], $0xffff;
	[tilespmem:s23+$0x20] =	vst v14  }
0xf5: {  	[tilespmem:s20+$0x78] =	vst v9;
	v9 =	vmul.f32 $8.000000000e+00, v11;
	v8 =	vld.idx.msk [tilespmem:v8+s22+$0xB0 ss:$0x1], $0xffff  }
0xf6: {  	[tilespmem:s20+$0xFFFFFFE8] =	vst v10;
	v10 =	vmul.f32 $8.000000000e+00, v15  }
0xf7: {  	[tilespmem:s20+$0xFFFFFFA0] =	vst v9;
	v9 =	vmul.f32 $8.000000000e+00, v13  }
0xf8: {  	[tilespmem:s20+$0x30] =	vst v10;
	v10 =	vmul.f32 $8.000000000e+00, v12  }
0xf9: {  	[tilespmem:s23+$0x78] =	vst v9;
	v9 =	vmul.f32 $8.000000000e+00, v16  }
0xfa: {  	[tilespmem:s23+$0xFFFFFFE8] =	vst v10;
	v8 =	vmul.f32 $8.000000000e+00, v8  }
0xfb: {  	s22 =	simm.s32 $0x3;
	[tilespmem:s23+$0xFFFFFFA0] =	vst v9  }
0xfc: {  	[tilespmem:s23+$0x30] =	vst v8;
	s23 =	simm.s32 $0x1;
	v8 =	vmov s22  }
0xfd: {  	s24 =	simm.s32 $0x2;
	v9 =	vmov s23;
	v14 =	vand.u32 $0x3F, v8  }
0xfe: {  	v8 =	vmov s24;
	v16 =	vand.u32 $0x3D, v9;
	v9 =	vadd.s32 v0, v14  }
0xff: {  	s31 =	simm.s32 $0x0;
	v17 =	vand.u32 $0x3E, v8;
	v10 =	vadd.s32 v0, v16  }
0x100: {  	v8 =	vmov s31;
	v11 =	vadd.s32 v0, v17  }
0x101: {  	v13 =	vand.u32 $0x3C, v8  }
0x102: {  	v8 =	vadd.s32 v0, v13  }
0x103: {  	v9 =	vld.idx.msk [tilespmem:v9+s9+$0x0], $0xffff  }
0x104: {  	s18 =	sshrl.u32 s18, $0x2;
	s20 =	simm.s32 $0x0;
	v12 =	vadd.s32 v1, v14;
	v10 =	vld.idx.msk [tilespmem:v10+s9+$0x0], $0xffff  }
0x105: {  	s1 =	simm.s32 $0x180;
	s18 =	sadd.s32 $0xE800, s18;
	s25 =	sand.u32 $0x1C00, s20;
	v15 =	vadd.s32 v1, v16;
	v11 =	vld.idx.msk [tilespmem:v11+s9+$0x0], $0xffff  }
0x106: {  	s26 =	simm.s32 $0x80;
	s19 =	sand.u32 $0x380, s1;
	s21 =	sadd.s32 s25, s18;
	v18 =	vadd.s32 v1, v17  }
0x107: {  	s29 =	sadd.s32 s19, s21;
	s22 =	sand.u32 $0x280, s26;
	s31 =	simm.s32 $0x100;
	v8 =	vld.idx.msk [tilespmem:v8+s9+$0x0], $0xffff  }
0x108: {  	s24 =	sadd.s32 s22, s21;
	s1 =	sand.u32 $0x300, s31;
	v19 =	vadd.s32 v1, v13;
	[tilespmem:s29+$0x0] =	vst v9  }
0x109: {  	s25 =	sadd.s32 s1, s21;
	[tilespmem:s24+$0x0] =	vst v10;
	v9 =	vld.idx.msk [tilespmem:v12+s9+$0x0], $0xffff  }
0x10a: {  	s20 =	sand.u32 $0x200, s20;
	[tilespmem:s25+$0x0] =	vst v11;
	v11 =	vadd.s32 v2, v14;
	v10 =	vld.idx.msk [tilespmem:v15+s9+$0x0], $0xffff  }
0x10b: {  	s20 =	sadd.s32 s20, s21;
	v12 =	vld.idx.msk [tilespmem:v18+s9+$0x0], $0xffff;
	v15 =	vadd.s32 v2, v16  }
0x10c: {  	[tilespmem:s20+$0x0] =	vst v8;
	v8 =	vadd.s32 v2, v17  }
0x10d: {  	v18 =	vld.idx.msk [tilespmem:v19+s9+$0x0], $0xffff  }
0x10e: {  	v19 =	vadd.s32 v2, v13;
	[tilespmem:s29+$0x10] =	vst v9  }
0x10f: {  	[tilespmem:s24+$0x10] =	vst v10;
	v10 =	vld.idx.msk [tilespmem:v11+s9+$0x0], $0xffff  }
0x110: {  	s21 =	simm.s32 $0x4;
	[tilespmem:s25+$0x10] =	vst v12;
	v12 =	vadd.s32 v3, v14;
	v11 =	vld.idx.msk [tilespmem:v15+s9+$0x0], $0xffff  }
0x111: {  	v20 =	vadd.s32 v3, v16;
	v9 =	vmov s21;
	v15 =	vld.idx.msk [tilespmem:v8+s9+$0x0], $0xffff  }
0x112: {  	s22 =	simm.s32 $0x5;
	v8 =	vand.u32 $0x3C, v9;
	[tilespmem:s20+$0x10] =	vst v18;
	v18 =	vadd.s32 v3, v17  }
0x113: {  	v9 =	vmov s22;
	v21 =	vadd.s32 v0, v8;
	v19 =	vld.idx.msk [tilespmem:v19+s9+$0x0], $0xffff  }
0x114: {  	v22 =	vadd.s32 v3, v13;
	v9 =	vand.u32 $0x3D, v9;
	[tilespmem:s29+$0x20] =	vst v10  }
0x115: {  	v10 =	vadd.s32 v0, v9;
	[tilespmem:s24+$0x20] =	vst v11;
	v11 =	vld.idx.msk [tilespmem:v12+s9+$0x0], $0xffff  }
0x116: {  	s23 =	simm.s32 $0x7;
	[tilespmem:s25+$0x20] =	vst v15;
	v15 =	vadd.s32 v4, v14;
	v20 =	vld.idx.msk [tilespmem:v20+s9+$0x0], $0xffff  }
0x117: {  	v23 =	vadd.s32 v4, v16;
	v12 =	vmov s23;
	v18 =	vld.idx.msk [tilespmem:v18+s9+$0x0], $0xffff  }
0x118: {  	s26 =	simm.s32 $0x6;
	v21 =	vld.idx.msk [tilespmem:v21+s9+$0x0], $0xffff;
	[tilespmem:s20+$0x20] =	vst v19;
	v19 =	vadd.s32 v4, v17;
	v12 =	vand.u32 $0x3F, v12  }
0x119: {  	v24 =	vmov s26;
	v22 =	vld.idx.msk [tilespmem:v22+s9+$0x0], $0xffff;
	v25 =	vadd.s32 v0, v12  }
0x11a: {  	s28 =	simm.s32 $0x8;
	v26 =	vld.idx.msk [tilespmem:v10+s9+$0x0], $0xffff;
	v10 =	vand.u32 $0x3E, v24;
	v24 =	vadd.s32 v4, v13;
	[tilespmem:s29+$0x30] =	vst v11  }
0x11b: {  	s19 =	simm.s32 $0x200;
	v11 =	vmov s28;
	[tilespmem:s24+$0x30] =	vst v20;
	v15 =	vld.idx.msk [tilespmem:v15+s9+$0x0], $0xffff;
	v20 =	vadd.s32 v0, v10  }
0x11c: {  	s31 =	sand.u32 $0x1C00, s19;
	s1 =	simm.s32 $0x280;
	[tilespmem:s25+$0x30] =	vst v18;
	v18 =	vadd.s32 v5, v14;
	v11 =	vand.u32 $0x3C, v11;
	v23 =	vld.idx.msk [tilespmem:v23+s9+$0x0], $0xffff  }
0x11d: {  	s30 =	sadd.s32 s31, s18;
	s22 =	sand.u32 $0x280, s1;
	v19 =	vld.idx.msk [tilespmem:v19+s9+$0x0], $0xffff;
	v28 =	vadd.s32 v0, v11  }
0x11e: {  	s22 =	sadd.s32 s22, s30;
	[tilespmem:s20+$0x30] =	vst v22;
	v22 =	vld.idx.msk [tilespmem:v25+s9+$0x0], $0xffff;
	v25 =	vadd.s32 v5, v17  }
0x11f: {  	v29 =	vadd.s32 v1, v12;
	v24 =	vld.idx.msk [tilespmem:v24+s9+$0x0], $0xffff;
	[tilespmem:s22+$0x0] =	vst v26  }
0x120: {  	s26 =	simm.s32 $0x380;
	v30 =	vadd.s32 v1, v9;
	v20 =	vld.idx.msk [tilespmem:v20+s9+$0x0], $0xffff;
	[tilespmem:s29+$0x40] =	vst v15  }
0x121: {  	v27 =	vadd.s32 v5, v16;
	s23 =	sand.u32 $0x380, s26;
	[tilespmem:s24+$0x40] =	vst v23;
	v18 =	vld.idx.msk [tilespmem:v18+s9+$0x0], $0xffff  }
0x122: {  	s23 =	sadd.s32 s23, s30;
	v26 =	vadd.s32 v5, v13;
	[tilespmem:s25+$0x40] =	vst v19;
	v15 =	vld.idx.msk [tilespmem:v28+s9+$0x0], $0xffff  }
0x123: {  	s19 =	sand.u32 $0x200, s19;
	v23 =	vadd.s32 v1, v10;
	[tilespmem:s23+$0x0] =	vst v22;
	v19 =	vld.idx.msk [tilespmem:v25+s9+$0x0], $0xffff  }
0x124: {  	s31 =	simm.s32 $0x300;
	s19 =	sadd.s32 s19, s30;
	v28 =	vadd.s32 v1, v8;
	v22 =	vld.idx.msk [tilespmem:v29+s9+$0x0], $0xffff  }
0x125: {  	s31 =	sand.u32 $0x300, s31;
	[tilespmem:s19+$0x0] =	vst v21;
	v25 =	vadd.s32 v6, v14;
	v29 =	vld.idx.msk [tilespmem:v30+s9+$0x0], $0xffff  }
0x126: {  	s21 =	sadd.s32 s31, s30;
	v21 =	vadd.s32 v2, v9;
	v27 =	vld.idx.msk [tilespmem:v27+s9+$0x0], $0xffff;
	[tilespmem:s20+$0x40] =	vst v24  }
0x127: {  	v24 =	vld.idx.msk [tilespmem:v26+s9+$0x0], $0xffff;
	[tilespmem:s21+$0x0] =	vst v20;
	v20 =	vadd.s32 v6, v16  }
0x128: {  	v30 =	vadd.s32 v2, v12;
	v23 =	vld.idx.msk [tilespmem:v23+s9+$0x0], $0xffff  }
0x129: {  	v31 =	vadd.s32 v2, v10;
	[tilespmem:s29+$0x50] =	vst v18;
	v28 =	vld.idx.msk [tilespmem:v28+s9+$0x0], $0xffff  }
0x12a: {  	v26 =	vadd.s32 v2, v8;
	v25 =	vld.idx.msk [tilespmem:v25+s9+$0x0], $0xffff;
	[tilespmem:s22+$0x10] =	vst v29  }
0x12b: {  	v14 =	vadd.s32 v7, v14;
	[tilespmem:s24+$0x50] =	vst v27;
	v27 =	vld.idx.msk [tilespmem:v21+s9+$0x0], $0xffff  }
0x12c: {  	[tilespmem:s23+$0x10] =	vst v22;
	v22 =	vadd.s32 v6, v17;
	v18 =	vld.idx.msk [tilespmem:v20+s9+$0x0], $0xffff  }
0x12d: {  	v20 =	vld.idx.msk [tilespmem:v30+s9+$0x0], $0xffff;
	[tilespmem:s21+$0x10] =	vst v23;
	v23 =	vadd.s32 v6, v13  }
0x12e: {  	s30 =	simm.s32 $0x9;
	v30 =	vadd.s32 v3, v12;
	[tilespmem:s19+$0x10] =	vst v28;
	v29 =	vld.idx.msk [tilespmem:v31+s9+$0x0], $0xffff  }
0x12f: {  	v21 =	vmov s30;
	[tilespmem:s29+$0x60] =	vst v25;
	v25 =	vadd.s32 v3, v9;
	v32 =	vld.idx.msk [tilespmem:v26+s9+$0x0], $0xffff  }
0x130: {  	v33 =	vadd.s32 v3, v10;
	[tilespmem:s25+$0x50] =	vst v19;
	v31 =	vld.idx.msk [tilespmem:v14+s9+$0x0], $0xffff;
	v14 =	vand.u32 $0x3D, v21  }
0x131: {  	[tilespmem:s20+$0x50] =	vst v24;
	v21 =	vld.idx.msk [tilespmem:v22+s9+$0x0], $0xffff;
	v34 =	vadd.s32 v0, v14  }
0x132: {  	v28 =	vadd.s32 v3, v8;
	[tilespmem:s23+$0x20] =	vst v20;
	v19 =	vld.idx.msk [tilespmem:v23+s9+$0x0], $0xffff  }
0x133: {  	v26 =	vadd.s32 v7, v16;
	[tilespmem:s22+$0x20] =	vst v27;
	v22 =	vld.idx.msk [tilespmem:v30+s9+$0x0], $0xffff  }
0x134: {  	v20 =	vld.idx.msk [tilespmem:v25+s9+$0x0], $0xffff;
	[tilespmem:s21+$0x20] =	vst v29;
	v25 =	vadd.s32 v7, v17  }
0x135: {  	v24 =	vadd.s32 v4, v12;
	[tilespmem:s19+$0x20] =	vst v32;
	v23 =	vld.idx.msk [tilespmem:v33+s9+$0x0], $0xffff  }
0x136: {  	s30 =	simm.s32 $0xB;
	v27 =	vadd.s32 v4, v9;
	[tilespmem:s29+$0x70] =	vst v31;
	s29 =	simm.s32 $0xC;
	v16 =	vld.idx.msk [tilespmem:v34+s9+$0x0], $0xffff  }
.LBB2_5:
0x137: {  	p0 =	slt.u32 s29, $0x3C;
	v17 =	vmov s30;
	v28 =	vld.idx.msk [tilespmem:v28+s9+$0x0], $0xffff;
	v29 =	vadd.s32 v4, v10;
	[tilespmem:s24+$0x60] =	vst v18  }
0x138: {  	s30 =	sadd.s32 $0x2, s28;
	v30 =	vadd.s32 v7, v13;
	v13 =	vmovc v8;
	v8 =	vmov v11;
	s28 =	smov.u32 s29;
	v18 =	vand.u32 $0x3F, v17;
	v26 =	vld.idx.msk [tilespmem:v26+s9+$0x0], $0xffff;
	[tilespmem:s25+$0x60] =	vst v21  }
0x139: {  	v11 =	vmov s30;
	v21 =	vadd.s32 v0, v18;
	[tilespmem:s23+$0x30] =	vst v22;
	v22 =	vld.idx.msk [tilespmem:v25+s9+$0x0], $0xffff  }
0x13a: {  	v17 =	vand.u32 $0x3E, v11;
	v25 =	vadd.s32 v4, v13;
	[tilespmem:s22+$0x30] =	vst v20;
	v20 =	vld.idx.msk [tilespmem:v24+s9+$0x0], $0xffff  }
0x13b: {  	v24 =	vadd.s32 v0, v17;
	v27 =	vld.idx.msk [tilespmem:v27+s9+$0x0], $0xffff;
	[tilespmem:s21+$0x30] =	vst v23  }
0x13c: {  	v23 =	vld.idx.msk [tilespmem:v29+s9+$0x0], $0xffff;
	v29 =	vadd.s32 v5, v12;
	[tilespmem:s20+$0x60] =	vst v19  }
0x13d: {  	v11 =	vmov s29;
	v19 =	vadd.s32 v5, v9;
	[tilespmem:s19+$0x30] =	vst v28;
	v28 =	vld.idx.msk [tilespmem:v30+s9+$0x0], $0xffff  }
0x13e: {  	v11 =	vand.u32 $0x3C, v11;
	v30 =	vadd.s32 v5, v10;
	v21 =	vld.idx.msk [tilespmem:v21+s9+$0x0], $0xffff;
	[tilespmem:s24+$0x70] =	vst v26;
	s24 =	smov.u32 s22  }
0x13f: {  	s26 =	sadd.s32 $0x200, s26;
	v26 =	vadd.s32 v0, v11;
	v25 =	vld.idx.msk [tilespmem:v25+s9+$0x0], $0xffff;
	[tilespmem:s25+$0x70] =	vst v22;
	s25 =	smov.u32 s21  }
0x140: {  	s30 =	sadd.s32 $0xFFFFFF80, s26;
	s22 =	sadd.s32 $0xFFFFFF00, s26;
	s21 =	sadd.s32 $0xFFFFFE80, s26;
	v22 =	vld.idx.msk [tilespmem:v24+s9+$0x0], $0xffff;
	v24 =	vadd.s32 v1, v18;
	[tilespmem:s23+$0x40] =	vst v20  }
0x141: {  	s22 =	sand.u32 $0x280, s22;
	s31 =	sand.u32 $0x200, s21;
	s21 =	sand.u32 $0x1C00, s21;
	v20 =	vadd.s32 v1, v14;
	[tilespmem:s24+$0x40] =	vst v27;
	v27 =	vld.idx.msk [tilespmem:v29+s9+$0x0], $0xffff  }
0x142: {  	s1 =	sand.u32 $0x300, s30;
	s30 =	sand.u32 $0x380, s26;
	s21 =	sadd.s32 s21, s18;
	v29 =	vadd.s32 v1, v17;
	v19 =	vld.idx.msk [tilespmem:v19+s9+$0x0], $0xffff;
	[tilespmem:s25+$0x40] =	vst v23  }
0x143: {  	s31 =	sadd.s32 s31, s21;
	s22 =	sadd.s32 s22, s21;
	s30 =	sadd.s32 s30, s21;
	v23 =	vld.idx.msk [tilespmem:v30+s9+$0x0], $0xffff;
	v30 =	vadd.s32 v6, v12;
	[tilespmem:s20+$0x70] =	vst v28  }
0x144: {  	s21 =	sadd.s32 s1, s21;
	v28 =	vadd.s32 v1, v8;
	s20 =	smov.u32 s19;
	s19 =	smov.u32 s31;
	v26 =	vld.idx.msk [tilespmem:v26+s9+$0x0], $0xffff;
	[tilespmem:s30+$0x0] =	vst v21  }
0x145: {  	v21 =	vadd.s32 v5, v13;
	[tilespmem:s22+$0x0] =	vst v16;
	v16 =	vld.idx.msk [tilespmem:v24+s9+$0x0], $0xffff  }
0x146: {  	v20 =	vld.idx.msk [tilespmem:v20+s9+$0x0], $0xffff;
	[tilespmem:s21+$0x0] =	vst v22;
	v22 =	vadd.s32 v6, v9  }
0x147: {  	v24 =	vld.idx.msk [tilespmem:v29+s9+$0x0], $0xffff;
	v29 =	vadd.s32 v2, v18;
	[tilespmem:s23+$0x50] =	vst v27  }
0x148: {  	v27 =	vadd.s32 v2, v14;
	[tilespmem:s19+$0x0] =	vst v15;
	v30 =	vld.idx.msk [tilespmem:v30+s9+$0x0], $0xffff  }
0x149: {  	v31 =	vadd.s32 v2, v17;
	v28 =	vld.idx.msk [tilespmem:v28+s9+$0x0], $0xffff;
	[tilespmem:s20+$0x40] =	vst v25  }
0x14a: {  	v15 =	vmov v26;
	v21 =	vld.idx.msk [tilespmem:v21+s9+$0x0], $0xffff;
	[tilespmem:s24+$0x50] =	vst v19;
	v19 =	vadd.s32 v7, v12;
	v12 =	vmov v18  }
0x14b: {  	v25 =	vadd.s32 v2, v8;
	[tilespmem:s30+$0x10] =	vst v16;
	v18 =	vld.idx.msk [tilespmem:v22+s9+$0x0], $0xffff  }
0x14c: {  	[tilespmem:s22+$0x10] =	vst v20;
	v16 =	vld.idx.msk [tilespmem:v29+s9+$0x0], $0xffff;
	v20 =	vadd.s32 v6, v10  }
0x14d: {  	v22 =	vld.idx.msk [tilespmem:v27+s9+$0x0], $0xffff;
	[tilespmem:s21+$0x10] =	vst v24;
	v24 =	vadd.s32 v6, v13  }
0x14e: {  	s1 =	sadd.s32 $0x1, s29;
	v26 =	vadd.s32 v3, v12;
	v27 =	vld.idx.msk [tilespmem:v31+s9+$0x0], $0xffff;
	[tilespmem:s23+$0x60] =	vst v30  }
0x14f: {  	v29 =	vmov s1;
	v30 =	vadd.s32 v3, v14;
	[tilespmem:s19+$0x10] =	vst v28;
	v31 =	vld.idx.msk [tilespmem:v19+s9+$0x0], $0xffff  }
0x150: {  	v33 =	vadd.s32 v3, v17;
	v29 =	vand.u32 $0x3D, v29;
	v32 =	vld.idx.msk [tilespmem:v25+s9+$0x0], $0xffff;
	[tilespmem:s25+$0x50] =	vst v23  }
0x151: {  	v34 =	vadd.s32 v0, v29;
	[tilespmem:s20+$0x50] =	vst v21;
	v21 =	vld.idx.msk [tilespmem:v20+s9+$0x0], $0xffff  }
.Ltmp1:
0x152: {  	v28 =	vadd.s32 v3, v8;
	[tilespmem:s30+$0x20] =	vst v16;
	v19 =	vld.idx.msk [tilespmem:v24+s9+$0x0], $0xffff;
	(pc) =	sbr.rel @p0 .LBB2_5-.Ltmp1, $4  }
0x153: {  	[tilespmem:s22+$0x20] =	vst v22;
	v22 =	vld.idx.msk [tilespmem:v26+s9+$0x0], $0xffff;
	v26 =	vadd.s32 v7, v9;
	v9 =	vmov v14;
	v14 =	vmov v29  }
0x154: {  	v25 =	vadd.s32 v7, v10;
	v10 =	vmov v17;
	v20 =	vld.idx.msk [tilespmem:v30+s9+$0x0], $0xffff;
	[tilespmem:s21+$0x20] =	vst v27  }
0x155: {  	v24 =	vadd.s32 v4, v12;
	v23 =	vld.idx.msk [tilespmem:v33+s9+$0x0], $0xffff;
	[tilespmem:s23+$0x70] =	vst v31;
	s23 =	smov.u32 s30  }
0x156: {  	s29 =	sadd.s32 $0x4, s29;
	v27 =	vadd.s32 v4, v9;
	s30 =	sadd.s32 $0x3, s28;
	v16 =	vld.idx.msk [tilespmem:v34+s9+$0x0], $0xffff;
	[tilespmem:s19+$0x20] =	vst v32  }
0x157: {  	_ =	sdelay $0x2  }
0x158: {  	[tilespmem:s24+$0x60] =	vst v18  }
0x159: {  	v28 =	vld.idx.msk [tilespmem:v28+s9+$0x0], $0xffff;
	[tilespmem:s25+$0x60] =	vst v21  }
0x15a: {  	v17 =	vmov s30;
	s1 =	sadd.s32 $0x2, s28;
	[tilespmem:s20+$0x60] =	vst v19;
	v34 =	vld.idx.msk [tilespmem:v26+s9+$0x0], $0xffff  }
0x15b: {  	v29 =	vadd.s32 v4, v10;
	v18 =	vand.u32 $0x3F, v17;
	v35 =	vmov s1;
	[tilespmem:s23+$0x30] =	vst v22;
	v37 =	vld.idx.msk [tilespmem:v25+s9+$0x0], $0xffff  }
0x15c: {  	s1 =	sadd.s32 $0x200, s26;
	v36 =	vadd.s32 v0, v18;
	v17 =	vand.u32 $0x3E, v35;
	[tilespmem:s22+$0x30] =	vst v20  }
0x15d: {  	v38 =	vld.idx.msk [tilespmem:v24+s9+$0x0], $0xffff;
	s26 =	sadd.s32 $0xFFFFFE80, s1;
	v39 =	vadd.s32 v0, v17;
	[tilespmem:s21+$0x30] =	vst v23  }
0x15e: {  	v13 =	vadd.s32 v7, v13;
	v40 =	vld.idx.msk [tilespmem:v27+s9+$0x0], $0xffff;
	s30 =	sand.u32 $0x1C00, s26;
	[tilespmem:s19+$0x30] =	vst v28  }
0x15f: {  	v48 =	vadd.s32 v4, v8;
	s26 =	sand.u32 $0x200, s26;
	s29 =	sadd.s32 s30, s18;
	[tilespmem:s24+$0x70] =	vst v34  }
0x160: {  	v47 =	vadd.s32 v1, v11;
	v41 =	vld.idx.msk [tilespmem:v29+s9+$0x0], $0xffff;
	s26 =	sadd.s32 s26, s29;
	[tilespmem:s25+$0x70] =	vst v37  }
0x161: {  	v45 =	vadd.s32 v1, v14;
	s31 =	sadd.s32 $0xFFFFFF00, s1;
	[tilespmem:s26+$0x0] =	vst v15;
	v26 =	vld.idx.msk [tilespmem:v36+s9+$0x0], $0xffff  }
0x162: {  	v43 =	vadd.s32 v1, v18;
	s25 =	sand.u32 $0x280, s31;
	[tilespmem:s23+$0x40] =	vst v38;
	v44 =	vld.idx.msk [tilespmem:v39+s9+$0x0], $0xffff  }
0x163: {  	v46 =	vadd.s32 v1, v17;
	v13 =	vld.idx.msk [tilespmem:v13+s9+$0x0], $0xffff;
	s25 =	sadd.s32 s25, s29;
	[tilespmem:s22+$0x40] =	vst v40  }
0x164: {  	v42 =	vadd.s32 v5, v12;
	s28 =	sand.u32 $0x380, s1;
	s1 =	sadd.s32 $0xFFFFFF80, s1;
	v55 =	vld.idx.msk [tilespmem:v48+s9+$0x0], $0xffff;
	[tilespmem:s25+$0x0] =	vst v16  }
0x165: {  	v49 =	vadd.s32 v5, v9;
	s1 =	sand.u32 $0x300, s1;
	s24 =	sadd.s32 s28, s29;
	v53 =	vld.idx.msk [tilespmem:v47+s9+$0x0], $0xffff;
	[tilespmem:s21+$0x40] =	vst v41  }
0x166: {  	v56 =	vadd.s32 v2, v11;
	s30 =	sadd.s32 s1, s29;
	v20 =	vld.idx.msk [tilespmem:v45+s9+$0x0], $0xffff;
	[tilespmem:s24+$0x0] =	vst v26  }
0x167: {  	v52 =	vadd.s32 v2, v14;
	v50 =	vld.idx.msk [tilespmem:v43+s9+$0x0], $0xffff;
	[tilespmem:s30+$0x0] =	vst v44  }
0x168: {  	v51 =	vadd.s32 v2, v18;
	[tilespmem:s20+$0x70] =	vst v13;
	v22 =	vld.idx.msk [tilespmem:v46+s9+$0x0], $0xffff  }
0x169: {  	v54 =	vadd.s32 v2, v17;
	v25 =	vld.idx.msk [tilespmem:v42+s9+$0x0], $0xffff;
	[tilespmem:s19+$0x40] =	vst v55  }
0x16a: {  	v59 =	vadd.s32 v5, v10;
	v57 =	vld.idx.msk [tilespmem:v49+s9+$0x0], $0xffff;
	[tilespmem:s26+$0x10] =	vst v53  }
0x16b: {  	v58 =	vadd.s32 v6, v12;
	v63 =	vld.idx.msk [tilespmem:v56+s9+$0x0], $0xffff;
	[tilespmem:s25+$0x10] =	vst v20  }
0x16c: {  	v30 =	vadd.s32 v3, v11;
	v15 =	vld.idx.msk [tilespmem:v52+s9+$0x0], $0xffff;
	[tilespmem:s24+$0x10] =	vst v50  }
0x16d: {  	v62 =	vadd.s32 v3, v14;
	v60 =	vld.idx.msk [tilespmem:v51+s9+$0x0], $0xffff;
	[tilespmem:s30+$0x10] =	vst v22  }
0x16e: {  	v61 =	vadd.s32 v3, v18;
	[tilespmem:s23+$0x50] =	vst v25;
	v19 =	vld.idx.msk [tilespmem:v54+s9+$0x0], $0xffff  }
0x16f: {  	v28 =	vadd.s32 v3, v17;
	v16 =	vld.idx.msk [tilespmem:v59+s9+$0x0], $0xffff;
	[tilespmem:s22+$0x50] =	vst v57  }
0x170: {  	v31 =	vadd.s32 v5, v8;
	v29 =	vld.idx.msk [tilespmem:v58+s9+$0x0], $0xffff;
	[tilespmem:s26+$0x20] =	vst v63  }
0x171: {  	v32 =	vadd.s32 v7, v12;
	v22 =	vld.idx.msk [tilespmem:v30+s9+$0x0], $0xffff;
	[tilespmem:s25+$0x20] =	vst v15  }
0x172: {  	v39 =	vadd.s32 v4, v11;
	v13 =	vld.idx.msk [tilespmem:v62+s9+$0x0], $0xffff;
	[tilespmem:s24+$0x20] =	vst v60  }
0x173: {  	v36 =	vadd.s32 v4, v14;
	v33 =	vld.idx.msk [tilespmem:v61+s9+$0x0], $0xffff;
	[tilespmem:s30+$0x20] =	vst v19  }
0x174: {  	v34 =	vadd.s32 v4, v18;
	[tilespmem:s21+$0x50] =	vst v16;
	v35 =	vld.idx.msk [tilespmem:v28+s9+$0x0], $0xffff  }
0x175: {  	v37 =	vadd.s32 v4, v17;
	v38 =	vld.idx.msk [tilespmem:v31+s9+$0x0], $0xffff;
	[tilespmem:s23+$0x60] =	vst v29  }
0x176: {  	v40 =	vadd.s32 v6, v9;
	v12 =	vld.idx.msk [tilespmem:v32+s9+$0x0], $0xffff;
	[tilespmem:s26+$0x30] =	vst v22  }
0x177: {  	v41 =	vadd.s32 v6, v10;
	v16 =	vld.idx.msk [tilespmem:v39+s9+$0x0], $0xffff;
	[tilespmem:s25+$0x30] =	vst v13  }
0x178: {  	v49 =	vadd.s32 v5, v11;
	v43 =	vld.idx.msk [tilespmem:v36+s9+$0x0], $0xffff;
	[tilespmem:s24+$0x30] =	vst v33  }
0x179: {  	v46 =	vadd.s32 v5, v14;
	v42 =	vld.idx.msk [tilespmem:v34+s9+$0x0], $0xffff;
	[tilespmem:s30+$0x30] =	vst v35  }
0x17a: {  	v44 =	vadd.s32 v5, v18;
	[tilespmem:s19+$0x50] =	vst v38;
	v45 =	vld.idx.msk [tilespmem:v37+s9+$0x0], $0xffff  }
0x17b: {  	v47 =	vadd.s32 v5, v17;
	v48 =	vld.idx.msk [tilespmem:v40+s9+$0x0], $0xffff;
	[tilespmem:s23+$0x70] =	vst v12  }
0x17c: {  	v50 =	vadd.s32 v6, v8;
	v15 =	vld.idx.msk [tilespmem:v41+s9+$0x0], $0xffff;
	[tilespmem:s26+$0x40] =	vst v16  }
0x17d: {  	v51 =	vadd.s32 v7, v9;
	v12 =	vld.idx.msk [tilespmem:v49+s9+$0x0], $0xffff;
	[tilespmem:s25+$0x40] =	vst v43  }
0x17e: {  	v56 =	vadd.s32 v6, v11;
	v19 =	vld.idx.msk [tilespmem:v46+s9+$0x0], $0xffff;
	[tilespmem:s24+$0x40] =	vst v42  }
0x17f: {  	v53 =	vadd.s32 v6, v14;
	v13 =	vld.idx.msk [tilespmem:v44+s9+$0x0], $0xffff;
	[tilespmem:s30+$0x40] =	vst v45  }
0x180: {  	v52 =	vadd.s32 v6, v18;
	[tilespmem:s22+$0x60] =	vst v48;
	v21 =	vld.idx.msk [tilespmem:v47+s9+$0x0], $0xffff  }
0x181: {  	v54 =	vadd.s32 v6, v17;
	v55 =	vld.idx.msk [tilespmem:v50+s9+$0x0], $0xffff;
	[tilespmem:s21+$0x60] =	vst v15  }
0x182: {  	v57 =	vadd.s32 v7, v10;
	v9 =	vld.idx.msk [tilespmem:v51+s9+$0x0], $0xffff;
	[tilespmem:s26+$0x50] =	vst v12  }
0x183: {  	v8 =	vadd.s32 v7, v8;
	v15 =	vld.idx.msk [tilespmem:v56+s9+$0x0], $0xffff;
	[tilespmem:s25+$0x50] =	vst v19  }
0x184: {  	v61 =	vadd.s32 v7, v11;
	v19 =	vld.idx.msk [tilespmem:v53+s9+$0x0], $0xffff;
	[tilespmem:s24+$0x50] =	vst v13  }
0x185: {  	v59 =	vadd.s32 v7, v14;
	v13 =	vld.idx.msk [tilespmem:v52+s9+$0x0], $0xffff;
	[tilespmem:s30+$0x50] =	vst v21  }
0x186: {  	p0 =	sgt.u32 s16, $0xC5;
	v18 =	vadd.s32 v7, v18;
	[tilespmem:s19+$0x60] =	vst v55;
	v58 =	vld.idx.msk [tilespmem:v54+s9+$0x0], $0xffff  }
0x187: {  	s1 =	sadd.s32 @!p0 $0x2, s16;
	v60 =	vadd.s32 v7, v17;
	v10 =	vld.idx.msk [tilespmem:v57+s9+$0x0], $0xffff;
	[tilespmem:s22+$0x70] =	vst v9  }
0x188: {  	s20 =	smul.u32 @!p0 $0xAB, s1;
	v8 =	vld.idx.msk [tilespmem:v8+s9+$0x0], $0xffff;
	[tilespmem:s26+$0x60] =	vst v15  }
0x189: {  	v9 =	vld.idx.msk [tilespmem:v61+s9+$0x0], $0xffff;
	[tilespmem:s25+$0x60] =	vst v19  }
0x18a: {  	s20 =	sshrl.u32 @!p0 s20, $0x9;
	v63 =	vld.idx.msk [tilespmem:v59+s9+$0x0], $0xffff;
	[tilespmem:s24+$0x60] =	vst v13  }
0x18b: {  	s20 =	sand.u32 @!p0 $0x7F, s20;
	v62 =	vld.idx.msk [tilespmem:v18+s9+$0x0], $0xffff;
	[tilespmem:s30+$0x60] =	vst v58  }
0x18c: {  	s20 =	smul.u32 @!p0 $0x3, s20;
	[tilespmem:s21+$0x70] =	vst v10;
	v12 =	vld.idx.msk [tilespmem:v60+s9+$0x0], $0xffff  }
0x18d: {  	[tilespmem:s19+$0x70] =	vst v8  }
0x18e: {  	s19 =	ssub.s32 @!p0 s1, s20;
	[tilespmem:s26+$0x70] =	vst v9  }
0x18f: {  	s31 =	sshll.u32 s16, $0x12;
	s16 =	sadd.s32 $0x1, s16;
	s19 =	sand.u32 @!p0 $0xFF, s19;
	[tilespmem:s25+$0x70] =	vst v63  }
0x190: {  	s21 =	simm.s32 @!p0 $0x80;
	s1 =	sshll.u32 @!p0 s1, $0x7;
	s20 =	sshll.u32 @!p0 s19, $0xD;
	[tilespmem:s24+$0x70] =	vst v62  }
0x191: {  	s1 =	sand.u32 @!p0 $0xFF80, s1;
	s19 =	sadd.s32 @!p0 $0x2, s19;
	s20 =	sadd.s32 @!p0 $0x6400, s20;
	[tilespmem:s30+$0x70] =	vst v12  }
0x192: {  	[tilespmem:s20], [sflag:s19] =	stream.indirect.gather @!p0 [hbm4b:s6+s21], $0x40, s1, s21, $0xb8;
	[tilespmem:$0x14800] =	vst v63  }
0x193: {  	p0 =	sne.s32 s16, $0xC8  }
.Ltmp2:
0x194: {  	_ = 	snop;
	(pc) =	sbr.rel @p0 .LBB2_2-.Ltmp2, $4  }
0x195: {  	s1 =	sor.u32 s4, s31  }
0x196: {  	s1 =	sshrl.u32 s1, $0x3  }
0x197: {  	s17 =	sadd.s32 $0x5, s17;
	s15 =	sadd.s32 $0x2000, s15;
	s1 =	sadd.s32 s2, s1  }
0x198: {  	[hbm4b:s1+s0] =	stream.strided.scatter [tilespmem:s18], [sflag:s17], $0x2000, s10, s0, $0x38;
	[tilespmem:$0x14800] =	vst v63  }
0x199: {  	_ =	swait.ge [sflag:s11], $0x2000  }
0x19a: {  	[sflag:s11] =	ssyncset.done $0x0  }
0x19b: {  	[sflag:s11] =	ssyncadd.s32 $0xFFFFE000  }
0x19c: {  	_ =	swait.ge [sflag:s12], $0x2000  }
0x19d: {  	[sflag:s12] =	ssyncset.done $0x0  }
0x19e: {  	[sflag:s12] =	ssyncadd.s32 $0xFFFFE000  }
0x19f: {  	_ =	swait.ge [sflag:s13], $0x2000  }
0x1a0: {  	s14 =	sadd.s32 $0x1, s14;
	s1 =	rddreg [dreg:$0x16]  }
0x1a1: {  	p0 =	sne.s32 s14, s1  }
.Ltmp3:
0x1a2: {  	_ = 	snop;
	(pc) =	sbr.rel @p0 .LBB2_1-.Ltmp3, $3  }
0x1a3: {  	_ =	sdelay $0x1  }
0x1a4: {  	[sflag:s13] =	ssyncset.done $0x0  }
0x1a5: {  	[sflag:s13] =	ssyncadd.s32 $0xFFFFE000  }
0x1a6: {  	_ =	sfence.sel $0x180000  }
0x1a7: {  	[bflag:$0x0] =	sbarrier.arrive $0xFFFF  }
0x1a8: {  	_ =	strace $0x90000047  }
0x1a9: {  	s0 =	stileid.u32;
	[bflag:$0x2] =	sbarrier.arrive $0xFFFF  }
0x1aa: {  	p0 =	sne.s32 s0, $0x0;
	s0 =	rddreg [dreg:$0x3]  }
0x1ab: {  	s0 =	sadd.s32 @!p0 $0x100000, s0  }
0x1ac: {  	[sflag:s0] =	ssyncadd.tile.s32 @!p0 $0x1;
	_ =	shalt  }
.Lfunc_end2:
_tile_overlayer_lowered:
.L_overlay_start_2:
0x1ad: {  	(tag) =	ssettag $0x2  }
0x1ae: {  	s0 =	rddreg [dreg:$0x0];
	s2 =	stileid.u32  }
0x1af: {  	s1 =	rddreg [dreg:$0x1];
	p0 =	sne.s32 s2, $0x0  }
0x1b0: {  	s3 =	rddreg [dreg:$0x2];
	[bflag:$0x3] =	sbarrier.arrive $0xFFFF;
	s2 =	simm.s32 @!p0 $0x1C08  }
0x1b1: {  	[timem:s3], [sflag:s2] =	dma.local @!p0 [hbm:s0], s1  }
0x1b2: {  	s0 =	simm.s32 @!p0 $0x8  }
0x1b3: {  	_ =	swait.ge @!p0 [sflag:s0], s1  }
0x1b4: {  	s1 =	ssub.s32 @!p0 $0x0, s1;
	[sflag:s0] =	ssyncset.done @!p0 $0x0  }
0x1b5: {  	[sflag:s0] =	ssyncadd.s32 @!p0 s1  }
0x1b6: {  	[bflag:$0x3] =	sbarrier.arrive $0xFFFF  }
0x1b7: {  	_ =	shalt  }

</sc_bundles>
